<compile_context>
chip_gen: v7x
topology: tpu7x:2x2x1
jax: 0.10.2.dev20260603
libtpu: 0.0.44.dev20260713+nightly
codegen_flags: <defaults>
</compile_context>

<pallas_src>
import functools

import jax
import jax.numpy as jnp
from jax import lax
from jax.experimental import pallas as pl
from jax.experimental.pallas import tpu as pltpu
from jax.experimental.pallas import tpu_sc as plsc

N = 10000
E = 320000
D = 128

NUM_CORES = 2
NUM_SUBCORES = 16
NUM_TILES = NUM_CORES * NUM_SUBCORES
CHUNK = 128
CHUNKS_PER_TILE = 79
E_PAD = NUM_TILES * CHUNKS_PER_TILE * CHUNK
N_PAD = 10240
ROWS_PER_TILE = N_PAD // NUM_SUBCORES


def _sc_scatter(row3, col3, vals3, feat, out, row_v, col_v, vals_v, rows_v,
                acc, sem):
    cid = lax.axis_index("c")
    sid = lax.axis_index("s")
    wid = cid * NUM_SUBCORES + sid

    pltpu.sync_copy(row3.at[wid], row_v)
    pltpu.sync_copy(col3.at[wid], col_v)
    pltpu.sync_copy(vals3.at[wid], vals_v)

    def zero_body(i, _):
        for q in range(8):
            rows_v[i, pl.ds(q * 16, 16)] = jnp.zeros((16,), jnp.float32)
        return 0

    lax.fori_loop(0, CHUNK, zero_body, 0)

    rbase = sid * ROWS_PER_TILE
    for t in range(ROWS_PER_TILE // CHUNK):
        pltpu.sync_copy(rows_v, acc.at[pl.ds(rbase + t * CHUNK, CHUNK)])
    plsc.subcore_barrier()

    def chunk_body(t, _):
        pltpu.async_copy(feat.at[col_v.at[t]], rows_v, sem).wait()

        def scale_group(g, _):
            vv = vals_v[t, pl.ds(g * 16, 16)]
            base = g * 16
            for j in range(16):
                vj = lax.gather(
                    vv, jnp.full((16, 1), j, jnp.int32),
                    lax.GatherDimensionNumbers(
                        offset_dims=(), collapsed_slice_dims=(0,),
                        start_index_map=(0,)),
                    slice_sizes=(1,),
                    mode=lax.GatherScatterMode.PROMISE_IN_BOUNDS)
                for q in range(8):
                    sl = pl.ds(q * 16, 16)
                    rows_v[base + j, sl] = rows_v[base + j, sl] * vj
            return 0

        lax.fori_loop(0, CHUNK // 16, scale_group, 0)

        pltpu.sync_copy(rows_v, acc.at[row_v.at[t]], add=True)
        return 0

    lax.fori_loop(0, CHUNKS_PER_TILE, chunk_body, 0)
    plsc.subcore_barrier()

    pltpu.sync_copy(acc.at[pl.ds(rbase, ROWS_PER_TILE)],
                    out.at[cid, pl.ds(rbase, ROWS_PER_TILE)])


_sc_kernel = functools.partial(
    pl.kernel,
    out_type=jax.ShapeDtypeStruct((NUM_CORES, N_PAD, D), jnp.float32),
    mesh=plsc.VectorSubcoreMesh(core_axis_name="c", subcore_axis_name="s"),
    scratch_types=[
        pltpu.VMEM((CHUNKS_PER_TILE, CHUNK), jnp.int32),
        pltpu.VMEM((CHUNKS_PER_TILE, CHUNK), jnp.int32),
        pltpu.VMEM((CHUNKS_PER_TILE, CHUNK), jnp.float32),
        pltpu.VMEM((CHUNK, D), jnp.float32),
        pltpu.VMEM_SHARED((N_PAD, D), jnp.float32),
        pltpu.SemaphoreType.DMA,
    ],
)(_sc_scatter)


def _tc_dense(f_ref, h0_ref, h1_ref, w1_ref, w2_ref, b1_ref, b2_ref, o_ref):
    h = h0_ref[...] + h1_ref[...]
    f = f_ref[...]
    a = f + h
    m = f * h
    dims = (((1,), (1,)), ((), ()))
    y = lax.dot_general(a, w1_ref[...], dims,
                        preferred_element_type=jnp.float32)
    y += lax.dot_general(m, w2_ref[...], dims,
                         preferred_element_type=jnp.float32)
    y += b1_ref[...] + b2_ref[...]
    o_ref[...] = jnp.where(y >= 0, y, 0.01 * y)


BLOCK_ROWS = 400


def _tc_kernel(f, h0, h1, W1, W2, b1, b2):
    grid = (N // BLOCK_ROWS,)
    row_spec = pl.BlockSpec((BLOCK_ROWS, D), lambda i: (i, 0))
    full_spec = pl.BlockSpec((D, D), lambda i: (0, 0))
    bias_spec = pl.BlockSpec((1, D), lambda i: (0, 0))
    return pl.pallas_call(
        _tc_dense,
        grid=grid,
        in_specs=[row_spec, row_spec, row_spec, full_spec, full_spec,
                  bias_spec, bias_spec],
        out_specs=row_spec,
        out_shape=jax.ShapeDtypeStruct((N, D), jnp.float32),
    )(f, h0, h1, W1, W2, b1, b2)


@jax.jit
def kernel(edge_index, adj_values, features, W1, b1, W2, b2):
    row = edge_index[0].astype(jnp.int32)
    col = edge_index[1].astype(jnp.int32)
    vals = adj_values.astype(jnp.float32)

    pad = E_PAD - E
    row3 = jnp.concatenate([row, jnp.zeros((pad,), jnp.int32)]).reshape(
        NUM_TILES, CHUNKS_PER_TILE, CHUNK)
    col3 = jnp.concatenate([col, jnp.zeros((pad,), jnp.int32)]).reshape(
        NUM_TILES, CHUNKS_PER_TILE, CHUNK)
    vals3 = jnp.concatenate([vals, jnp.zeros((pad,), jnp.float32)]).reshape(
        NUM_TILES, CHUNKS_PER_TILE, CHUNK)

    partials = _sc_kernel(row3, col3, vals3, features)

    return _tc_kernel(features, partials[0], partials[1], W1, W2,
                      b1.reshape(1, D), b2.reshape(1, D))

# --- scband reference (transcript-rebuilt; emitter-appended) ---
"""Pipeline reference for scband-gnnlayer-89146341196447 (READ-ONLY COPY).

The authoritative reference and input builder live on the scoring server;
editing this copy changes nothing except your own understanding.
"""

import jax, jax.numpy as jnp
import numpy as np

N = 10000
E = 320000
D_IN = 128
D_OUT = 128


def setup_inputs(seed: int = 0) -> dict:
    key = jax.random.key(seed)
    k1, k2, k3, k4, k5, k6, k7, k8 = jax.random.split(key, 8)
    edge_index = jax.random.randint(k1, (2, E), 0, N, dtype=jnp.int64)
    adj_values = jax.random.uniform(k2, (E,), dtype=jnp.float32)
    features = jax.random.normal(k3, (N, D_IN), dtype=jnp.float32)
    # Learned parameters (nn.Linear: W [out, in], b [out])
    lim1 = 1.0 / np.sqrt(D_IN)
    W1 = jax.random.uniform(k4, (D_OUT, D_IN), minval=-lim1, maxval=lim1, dtype=jnp.float32)
    b1 = jax.random.uniform(k5, (D_OUT,), minval=-lim1, maxval=lim1, dtype=jnp.float32)
    W2 = jax.random.uniform(k6, (D_OUT, D_IN), minval=-lim1, maxval=lim1, dtype=jnp.float32)
    b2 = jax.random.uniform(k7, (D_OUT,), minval=-lim1, maxval=lim1, dtype=jnp.float32)
    return {"edge_index": edge_index, "adj_values": adj_values, "features": features,
            "W1": W1, "b1": b1, "W2": W2, "b2": b2}


def reference(edge_index, adj_values, features, W1, b1, W2, b2):
    # torch.sparse.mm(adj, features): adj is COO with rows=edge_index[0], cols=edge_index[1]
    row = edge_index[0]
    col = edge_index[1]
    gathered = adj_values[:, None] * jnp.take(features, col, axis=0)  # [E, D_IN]
    h_neigh = jnp.zeros((N, D_IN), dtype=features.dtype).at[row].add(gathered)
    term1 = (features + h_neigh) @ W1.T + b1
    term2 = (features * h_neigh) @ W2.T + b2
    h = term1 + term2
    # LeakyReLU with default negative_slope=0.01
    h_out = jnp.where(h >= 0, h, 0.01 * h)
    return h_out

if __name__ == "__main__":
    import jax
    _d = setup_inputs()
    print(jax.jit(kernel)(*tuple(_d.values())))

</pallas_src>

<mosaic_0001>
#map = affine_map<(d0, d1) -> (0, 0, 0)>
#map1 = affine_map<(d0, d1) -> (0, 0)>
module attributes {stable_mosaic.version = 14 : i64} {
  func.func @_sc_scatter(%arg0: i32, %arg1: i32, %arg2: memref<32x79x128xi32, #tpu.memory_space<hbm>>, %arg3: memref<32x79x128xi32, #tpu.memory_space<hbm>>, %arg4: memref<32x79x128xf32, #tpu.memory_space<hbm>>, %arg5: memref<10000x128xf32, #tpu.memory_space<hbm>>, %arg6: memref<2x10240x128xf32, #tpu.memory_space<hbm>>, %arg7: memref<79x128xi32, #tpu.memory_space<vmem>>, %arg8: memref<79x128xi32, #tpu.memory_space<vmem>>, %arg9: memref<79x128xf32, #tpu.memory_space<vmem>>, %arg10: memref<128x128xf32, #tpu.memory_space<vmem>>, %arg11: memref<10240x128xf32, #tpu.memory_space<vmem_shared>>, %arg12: memref<!tpu.dma_semaphore, #tpu.memory_space<semaphore_mem>>) attributes {dimension_semantics = [#tpu.dimension_semantics<core_parallel>, #tpu.dimension_semantics<subcore_parallel>], iteration_bounds = array<i64: 2, 16>, scalar_prefetch = 0 : i64, scratch_operands = 6 : i64, tpu.core_type = #tpu.core_type<sc_vector_subcore>, window_params = [{transform_indices = #map}, {transform_indices = #map}, {transform_indices = #map}, {transform_indices = #map1}, {transform_indices = #map}]} {
    %mul3A = arith.constant 16 : i32
    %mul3A_0 = arith.muli %arg0, %mul3A : i32
    %add3A = arith.addi %mul3A_0, %arg1 : i32
    "tpu.region"() ({
      %run_scoped3A = tpu.sem_alloc : memref<!tpu.dma_semaphore, #tpu.memory_space<semaphore_mem>>
      %dma_start3A = arith.constant 0 : i32
      %dma_start3A_27 = arith.constant 0 : i32
      %dma_start3A_28 = tpu.memref_slice %arg2[%add3A, %dma_start3A, %dma_start3A_27] : memref<32x79x128xi32, #tpu.memory_space<hbm>> -> memref<1x79x128xi32, #tpu.memory_space<hbm>>
      %dma_start3A_29 = tpu.memref_squeeze %dma_start3A_28 : memref<1x79x128xi32, #tpu.memory_space<hbm>> -> memref<79x128xi32, #tpu.memory_space<hbm>>
      %dma_start3A_30 = arith.constant 0 : i32
      %dma_start3A_31 = arith.constant 0 : i32
      %dma_start3A_32 = tpu.memref_slice %arg2[%add3A, %dma_start3A_30, %dma_start3A_31] : memref<32x79x128xi32, #tpu.memory_space<hbm>> -> memref<1x79x128xi32, #tpu.memory_space<hbm>>
      %dma_start3A_33 = tpu.memref_squeeze %dma_start3A_32 : memref<1x79x128xi32, #tpu.memory_space<hbm>> -> memref<79x128xi32, #tpu.memory_space<hbm>>
      tpu.enqueue_dma source(%dma_start3A_33 : memref<79x128xi32, #tpu.memory_space<hbm>>) target(%arg7 : memref<79x128xi32, #tpu.memory_space<vmem>>) target_semaphore(%run_scoped3A : memref<!tpu.dma_semaphore, #tpu.memory_space<semaphore_mem>>)
      %dma_wait3A = arith.constant 0 : i32
      %dma_wait3A_34 = arith.constant 0 : i32
      %dma_wait3A_35 = tpu.memref_slice %arg2[%add3A, %dma_wait3A, %dma_wait3A_34] : memref<32x79x128xi32, #tpu.memory_space<hbm>> -> memref<1x79x128xi32, #tpu.memory_space<hbm>>
      %dma_wait3A_36 = tpu.memref_squeeze %dma_wait3A_35 : memref<1x79x128xi32, #tpu.memory_space<hbm>> -> memref<79x128xi32, #tpu.memory_space<hbm>>
      %dma_wait3A_37 = arith.constant 0 : i32
      %dma_wait3A_38 = arith.constant 0 : i32
      %dma_wait3A_39 = tpu.memref_slice %arg2[%add3A, %dma_wait3A_37, %dma_wait3A_38] : memref<32x79x128xi32, #tpu.memory_space<hbm>> -> memref<1x79x128xi32, #tpu.memory_space<hbm>>
      %dma_wait3A_40 = tpu.memref_squeeze %dma_wait3A_39 : memref<1x79x128xi32, #tpu.memory_space<hbm>> -> memref<79x128xi32, #tpu.memory_space<hbm>>
      tpu.wait_dma2 semaphore(%run_scoped3A : memref<!tpu.dma_semaphore, #tpu.memory_space<semaphore_mem>>) src(%dma_wait3A_40 : memref<79x128xi32, #tpu.memory_space<hbm>>) dst(%arg7 : memref<79x128xi32, #tpu.memory_space<vmem>>)
      tpu.yield
    }) : () -> ()
    "tpu.region"() ({
      %run_scoped3A = tpu.sem_alloc : memref<!tpu.dma_semaphore, #tpu.memory_space<semaphore_mem>>
      %dma_start3A = arith.constant 0 : i32
      %dma_start3A_27 = arith.constant 0 : i32
      %dma_start3A_28 = tpu.memref_slice %arg3[%add3A, %dma_start3A, %dma_start3A_27] : memref<32x79x128xi32, #tpu.memory_space<hbm>> -> memref<1x79x128xi32, #tpu.memory_space<hbm>>
      %dma_start3A_29 = tpu.memref_squeeze %dma_start3A_28 : memref<1x79x128xi32, #tpu.memory_space<hbm>> -> memref<79x128xi32, #tpu.memory_space<hbm>>
      %dma_start3A_30 = arith.constant 0 : i32
      %dma_start3A_31 = arith.constant 0 : i32
      %dma_start3A_32 = tpu.memref_slice %arg3[%add3A, %dma_start3A_30, %dma_start3A_31] : memref<32x79x128xi32, #tpu.memory_space<hbm>> -> memref<1x79x128xi32, #tpu.memory_space<hbm>>
      %dma_start3A_33 = tpu.memref_squeeze %dma_start3A_32 : memref<1x79x128xi32, #tpu.memory_space<hbm>> -> memref<79x128xi32, #tpu.memory_space<hbm>>
      tpu.enqueue_dma source(%dma_start3A_33 : memref<79x128xi32, #tpu.memory_space<hbm>>) target(%arg8 : memref<79x128xi32, #tpu.memory_space<vmem>>) target_semaphore(%run_scoped3A : memref<!tpu.dma_semaphore, #tpu.memory_space<semaphore_mem>>)
      %dma_wait3A = arith.constant 0 : i32
      %dma_wait3A_34 = arith.constant 0 : i32
      %dma_wait3A_35 = tpu.memref_slice %arg3[%add3A, %dma_wait3A, %dma_wait3A_34] : memref<32x79x128xi32, #tpu.memory_space<hbm>> -> memref<1x79x128xi32, #tpu.memory_space<hbm>>
      %dma_wait3A_36 = tpu.memref_squeeze %dma_wait3A_35 : memref<1x79x128xi32, #tpu.memory_space<hbm>> -> memref<79x128xi32, #tpu.memory_space<hbm>>
      %dma_wait3A_37 = arith.constant 0 : i32
      %dma_wait3A_38 = arith.constant 0 : i32
      %dma_wait3A_39 = tpu.memref_slice %arg3[%add3A, %dma_wait3A_37, %dma_wait3A_38] : memref<32x79x128xi32, #tpu.memory_space<hbm>> -> memref<1x79x128xi32, #tpu.memory_space<hbm>>
      %dma_wait3A_40 = tpu.memref_squeeze %dma_wait3A_39 : memref<1x79x128xi32, #tpu.memory_space<hbm>> -> memref<79x128xi32, #tpu.memory_space<hbm>>
      tpu.wait_dma2 semaphore(%run_scoped3A : memref<!tpu.dma_semaphore, #tpu.memory_space<semaphore_mem>>) src(%dma_wait3A_40 : memref<79x128xi32, #tpu.memory_space<hbm>>) dst(%arg8 : memref<79x128xi32, #tpu.memory_space<vmem>>)
      tpu.yield
    }) : () -> ()
    "tpu.region"() ({
      %run_scoped3A = tpu.sem_alloc : memref<!tpu.dma_semaphore, #tpu.memory_space<semaphore_mem>>
      %dma_start3A = arith.constant 0 : i32
      %dma_start3A_27 = arith.constant 0 : i32
      %dma_start3A_28 = tpu.memref_slice %arg4[%add3A, %dma_start3A, %dma_start3A_27] : memref<32x79x128xf32, #tpu.memory_space<hbm>> -> memref<1x79x128xf32, #tpu.memory_space<hbm>>
      %dma_start3A_29 = tpu.memref_squeeze %dma_start3A_28 : memref<1x79x128xf32, #tpu.memory_space<hbm>> -> memref<79x128xf32, #tpu.memory_space<hbm>>
      %dma_start3A_30 = arith.constant 0 : i32
      %dma_start3A_31 = arith.constant 0 : i32
      %dma_start3A_32 = tpu.memref_slice %arg4[%add3A, %dma_start3A_30, %dma_start3A_31] : memref<32x79x128xf32, #tpu.memory_space<hbm>> -> memref<1x79x128xf32, #tpu.memory_space<hbm>>
      %dma_start3A_33 = tpu.memref_squeeze %dma_start3A_32 : memref<1x79x128xf32, #tpu.memory_space<hbm>> -> memref<79x128xf32, #tpu.memory_space<hbm>>
      tpu.enqueue_dma source(%dma_start3A_33 : memref<79x128xf32, #tpu.memory_space<hbm>>) target(%arg9 : memref<79x128xf32, #tpu.memory_space<vmem>>) target_semaphore(%run_scoped3A : memref<!tpu.dma_semaphore, #tpu.memory_space<semaphore_mem>>)
      %dma_wait3A = arith.constant 0 : i32
      %dma_wait3A_34 = arith.constant 0 : i32
      %dma_wait3A_35 = tpu.memref_slice %arg4[%add3A, %dma_wait3A, %dma_wait3A_34] : memref<32x79x128xf32, #tpu.memory_space<hbm>> -> memref<1x79x128xf32, #tpu.memory_space<hbm>>
      %dma_wait3A_36 = tpu.memref_squeeze %dma_wait3A_35 : memref<1x79x128xf32, #tpu.memory_space<hbm>> -> memref<79x128xf32, #tpu.memory_space<hbm>>
      %dma_wait3A_37 = arith.constant 0 : i32
      %dma_wait3A_38 = arith.constant 0 : i32
      %dma_wait3A_39 = tpu.memref_slice %arg4[%add3A, %dma_wait3A_37, %dma_wait3A_38] : memref<32x79x128xf32, #tpu.memory_space<hbm>> -> memref<1x79x128xf32, #tpu.memory_space<hbm>>
      %dma_wait3A_40 = tpu.memref_squeeze %dma_wait3A_39 : memref<1x79x128xf32, #tpu.memory_space<hbm>> -> memref<79x128xf32, #tpu.memory_space<hbm>>
      tpu.wait_dma2 semaphore(%run_scoped3A : memref<!tpu.dma_semaphore, #tpu.memory_space<semaphore_mem>>) src(%dma_wait3A_40 : memref<79x128xf32, #tpu.memory_space<hbm>>) dst(%arg9 : memref<79x128xf32, #tpu.memory_space<vmem>>)
      tpu.yield
    }) : () -> ()
    %scan3A = arith.constant 0 : i32
    %scan3A_1 = arith.constant 0 : i32
    %scan3A_2 = arith.constant 128 : i32
    %scan3A_3 = arith.addi %scan3A_1, %scan3A_2 : i32
    %scan3A_4 = arith.constant 1 : i32
    %scan3A_5 = scf.for %scan3A_27 = %scan3A_1 to %scan3A_3 step %scan3A_4 iter_args(%scan3A_28 = %scan3A) -> (i32)  : i32 {
      %broadcast_in_dim3A = arith.constant 0.000000e+00 : f32
      %broadcast_in_dim3A_29 = vector.broadcast %broadcast_in_dim3A : f32 to vector<16xf32>
      %swap3A = arith.index_cast %scan3A_27 : i32 to index
      %swap3A_30 = arith.constant 0 : index
      %swap3A_31 = tpu.vector_load %arg10[%swap3A, %swap3A_30] {strides = array<i32>} : memref<128x128xf32, #tpu.memory_space<vmem>>, vector<1x16xf32>,
      %swap3A_32 = vector.shape_cast %swap3A_31 : vector<1x16xf32> to vector<16xf32>
      %swap3A_33 = vector.shape_cast %broadcast_in_dim3A_29 : vector<16xf32> to vector<1x16xf32>
      tpu.vector_store %arg10[%swap3A, %swap3A_30], %swap3A_33 {strides = array<i32>} : memref<128x128xf32, #tpu.memory_space<vmem>>, vector<1x16xf32>,
      %broadcast_in_dim3A_34 = arith.constant 0.000000e+00 : f32
      %broadcast_in_dim3A_35 = vector.broadcast %broadcast_in_dim3A_34 : f32 to vector<16xf32>
      %swap3A_36 = arith.index_cast %scan3A_27 : i32 to index
      %swap3A_37 = arith.constant 16 : index
      %swap3A_38 = tpu.vector_load %arg10[%swap3A_36, %swap3A_37] {strides = array<i32>} : memref<128x128xf32, #tpu.memory_space<vmem>>, vector<1x16xf32>,
      %swap3A_39 = vector.shape_cast %swap3A_38 : vector<1x16xf32> to vector<16xf32>
      %swap3A_40 = vector.shape_cast %broadcast_in_dim3A_35 : vector<16xf32> to vector<1x16xf32>
      tpu.vector_store %arg10[%swap3A_36, %swap3A_37], %swap3A_40 {strides = array<i32>} : memref<128x128xf32, #tpu.memory_space<vmem>>, vector<1x16xf32>,
      %broadcast_in_dim3A_41 = arith.constant 0.000000e+00 : f32
      %broadcast_in_dim3A_42 = vector.broadcast %broadcast_in_dim3A_41 : f32 to vector<16xf32>
      %swap3A_43 = arith.index_cast %scan3A_27 : i32 to index
      %swap3A_44 = arith.constant 32 : index
      %swap3A_45 = tpu.vector_load %arg10[%swap3A_43, %swap3A_44] {strides = array<i32>} : memref<128x128xf32, #tpu.memory_space<vmem>>, vector<1x16xf32>,
      %swap3A_46 = vector.shape_cast %swap3A_45 : vector<1x16xf32> to vector<16xf32>
      %swap3A_47 = vector.shape_cast %broadcast_in_dim3A_42 : vector<16xf32> to vector<1x16xf32>
      tpu.vector_store %arg10[%swap3A_43, %swap3A_44], %swap3A_47 {strides = array<i32>} : memref<128x128xf32, #tpu.memory_space<vmem>>, vector<1x16xf32>,
      %broadcast_in_dim3A_48 = arith.constant 0.000000e+00 : f32
      %broadcast_in_dim3A_49 = vector.broadcast %broadcast_in_dim3A_48 : f32 to vector<16xf32>
      %swap3A_50 = arith.index_cast %scan3A_27 : i32 to index
      %swap3A_51 = arith.constant 48 : index
      %swap3A_52 = tpu.vector_load %arg10[%swap3A_50, %swap3A_51] {strides = array<i32>} : memref<128x128xf32, #tpu.memory_space<vmem>>, vector<1x16xf32>,
      %swap3A_53 = vector.shape_cast %swap3A_52 : vector<1x16xf32> to vector<16xf32>
      %swap3A_54 = vector.shape_cast %broadcast_in_dim3A_49 : vector<16xf32> to vector<1x16xf32>
      tpu.vector_store %arg10[%swap3A_50, %swap3A_51], %swap3A_54 {strides = array<i32>} : memref<128x128xf32, #tpu.memory_space<vmem>>, vector<1x16xf32>,
      %broadcast_in_dim3A_55 = arith.constant 0.000000e+00 : f32
      %broadcast_in_dim3A_56 = vector.broadcast %broadcast_in_dim3A_55 : f32 to vector<16xf32>
      %swap3A_57 = arith.index_cast %scan3A_27 : i32 to index
      %swap3A_58 = arith.constant 64 : index
      %swap3A_59 = tpu.vector_load %arg10[%swap3A_57, %swap3A_58] {strides = array<i32>} : memref<128x128xf32, #tpu.memory_space<vmem>>, vector<1x16xf32>,
      %swap3A_60 = vector.shape_cast %swap3A_59 : vector<1x16xf32> to vector<16xf32>
      %swap3A_61 = vector.shape_cast %broadcast_in_dim3A_56 : vector<16xf32> to vector<1x16xf32>
      tpu.vector_store %arg10[%swap3A_57, %swap3A_58], %swap3A_61 {strides = array<i32>} : memref<128x128xf32, #tpu.memory_space<vmem>>, vector<1x16xf32>,
      %broadcast_in_dim3A_62 = arith.constant 0.000000e+00 : f32
      %broadcast_in_dim3A_63 = vector.broadcast %broadcast_in_dim3A_62 : f32 to vector<16xf32>
      %swap3A_64 = arith.index_cast %scan3A_27 : i32 to index
      %swap3A_65 = arith.constant 80 : index
      %swap3A_66 = tpu.vector_load %arg10[%swap3A_64, %swap3A_65] {strides = array<i32>} : memref<128x128xf32, #tpu.memory_space<vmem>>, vector<1x16xf32>,
      %swap3A_67 = vector.shape_cast %swap3A_66 : vector<1x16xf32> to vector<16xf32>
      %swap3A_68 = vector.shape_cast %broadcast_in_dim3A_63 : vector<16xf32> to vector<1x16xf32>
      tpu.vector_store %arg10[%swap3A_64, %swap3A_65], %swap3A_68 {strides = array<i32>} : memref<128x128xf32, #tpu.memory_space<vmem>>, vector<1x16xf32>,
      %broadcast_in_dim3A_69 = arith.constant 0.000000e+00 : f32
      %broadcast_in_dim3A_70 = vector.broadcast %broadcast_in_dim3A_69 : f32 to vector<16xf32>
      %swap3A_71 = arith.index_cast %scan3A_27 : i32 to index
      %swap3A_72 = arith.constant 96 : index
      %swap3A_73 = tpu.vector_load %arg10[%swap3A_71, %swap3A_72] {strides = array<i32>} : memref<128x128xf32, #tpu.memory_space<vmem>>, vector<1x16xf32>,
      %swap3A_74 = vector.shape_cast %swap3A_73 : vector<1x16xf32> to vector<16xf32>
      %swap3A_75 = vector.shape_cast %broadcast_in_dim3A_70 : vector<16xf32> to vector<1x16xf32>
      tpu.vector_store %arg10[%swap3A_71, %swap3A_72], %swap3A_75 {strides = array<i32>} : memref<128x128xf32, #tpu.memory_space<vmem>>, vector<1x16xf32>,
      %broadcast_in_dim3A_76 = arith.constant 0.000000e+00 : f32
      %broadcast_in_dim3A_77 = vector.broadcast %broadcast_in_dim3A_76 : f32 to vector<16xf32>
      %swap3A_78 = arith.index_cast %scan3A_27 : i32 to index
      %swap3A_79 = arith.constant 112 : index
      %swap3A_80 = tpu.vector_load %arg10[%swap3A_78, %swap3A_79] {strides = array<i32>} : memref<128x128xf32, #tpu.memory_space<vmem>>, vector<1x16xf32>,
      %swap3A_81 = vector.shape_cast %swap3A_80 : vector<1x16xf32> to vector<16xf32>
      %swap3A_82 = vector.shape_cast %broadcast_in_dim3A_77 : vector<16xf32> to vector<1x16xf32>
      tpu.vector_store %arg10[%swap3A_78, %swap3A_79], %swap3A_82 {strides = array<i32>} : memref<128x128xf32, #tpu.memory_space<vmem>>, vector<1x16xf32>,
      %scan3A_83 = arith.constant 0 : i32
      scf.yield %scan3A_83 : i32
    }
    %scan3A_6 = arith.constant 128 : i32
    %mul3A_7 = arith.constant 640 : i32
    %mul3A_8 = arith.muli %arg1, %mul3A_7 : i32
    %add3A_9 = arith.constant 0 : i32
    %add3A_10 = arith.addi %mul3A_8, %add3A_9 : i32
    "tpu.region"() ({
      %run_scoped3A = tpu.sem_alloc : memref<!tpu.dma_semaphore, #tpu.memory_space<semaphore_mem>>
      %dma_start3A = arith.constant 0 : i32
      %dma_start3A_27 = tpu.memref_slice %arg11[%add3A_10, %dma_start3A] : memref<10240x128xf32, #tpu.memory_space<vmem_shared>> -> memref<128x128xf32, #tpu.memory_space<vmem_shared>>
      %dma_start3A_28 = arith.constant 0 : i32
      %dma_start3A_29 = tpu.memref_slice %arg11[%add3A_10, %dma_start3A_28] : memref<10240x128xf32, #tpu.memory_space<vmem_shared>> -> memref<128x128xf32, #tpu.memory_space<vmem_shared>>
      tpu.enqueue_dma source(%arg10 : memref<128x128xf32, #tpu.memory_space<vmem>>) target(%dma_start3A_29 : memref<128x128xf32, #tpu.memory_space<vmem_shared>>) target_semaphore(%run_scoped3A : memref<!tpu.dma_semaphore, #tpu.memory_space<semaphore_mem>>)
      %dma_wait3A = arith.constant 0 : i32
      %dma_wait3A_30 = tpu.memref_slice %arg11[%add3A_10, %dma_wait3A] : memref<10240x128xf32, #tpu.memory_space<vmem_shared>> -> memref<128x128xf32, #tpu.memory_space<vmem_shared>>
      %dma_wait3A_31 = arith.constant 0 : i32
      %dma_wait3A_32 = tpu.memref_slice %arg11[%add3A_10, %dma_wait3A_31] : memref<10240x128xf32, #tpu.memory_space<vmem_shared>> -> memref<128x128xf32, #tpu.memory_space<vmem_shared>>
      tpu.wait_dma2 semaphore(%run_scoped3A : memref<!tpu.dma_semaphore, #tpu.memory_space<semaphore_mem>>) src(%arg10 : memref<128x128xf32, #tpu.memory_space<vmem>>) dst(%dma_wait3A_32 : memref<128x128xf32, #tpu.memory_space<vmem_shared>>)
      tpu.yield
    }) : () -> ()
    %add3A_11 = arith.constant 128 : i32
    %add3A_12 = arith.addi %mul3A_8, %add3A_11 : i32
    "tpu.region"() ({
      %run_scoped3A = tpu.sem_alloc : memref<!tpu.dma_semaphore, #tpu.memory_space<semaphore_mem>>
      %dma_start3A = arith.constant 0 : i32
      %dma_start3A_27 = tpu.memref_slice %arg11[%add3A_12, %dma_start3A] : memref<10240x128xf32, #tpu.memory_space<vmem_shared>> -> memref<128x128xf32, #tpu.memory_space<vmem_shared>>
      %dma_start3A_28 = arith.constant 0 : i32
      %dma_start3A_29 = tpu.memref_slice %arg11[%add3A_12, %dma_start3A_28] : memref<10240x128xf32, #tpu.memory_space<vmem_shared>> -> memref<128x128xf32, #tpu.memory_space<vmem_shared>>
      tpu.enqueue_dma source(%arg10 : memref<128x128xf32, #tpu.memory_space<vmem>>) target(%dma_start3A_29 : memref<128x128xf32, #tpu.memory_space<vmem_shared>>) target_semaphore(%run_scoped3A : memref<!tpu.dma_semaphore, #tpu.memory_space<semaphore_mem>>)
      %dma_wait3A = arith.constant 0 : i32
      %dma_wait3A_30 = tpu.memref_slice %arg11[%add3A_12, %dma_wait3A] : memref<10240x128xf32, #tpu.memory_space<vmem_shared>> -> memref<128x128xf32, #tpu.memory_space<vmem_shared>>
      %dma_wait3A_31 = arith.constant 0 : i32
      %dma_wait3A_32 = tpu.memref_slice %arg11[%add3A_12, %dma_wait3A_31] : memref<10240x128xf32, #tpu.memory_space<vmem_shared>> -> memref<128x128xf32, #tpu.memory_space<vmem_shared>>
      tpu.wait_dma2 semaphore(%run_scoped3A : memref<!tpu.dma_semaphore, #tpu.memory_space<semaphore_mem>>) src(%arg10 : memref<128x128xf32, #tpu.memory_space<vmem>>) dst(%dma_wait3A_32 : memref<128x128xf32, #tpu.memory_space<vmem_shared>>)
      tpu.yield
    }) : () -> ()
    %add3A_13 = arith.constant 256 : i32
    %add3A_14 = arith.addi %mul3A_8, %add3A_13 : i32
    "tpu.region"() ({
      %run_scoped3A = tpu.sem_alloc : memref<!tpu.dma_semaphore, #tpu.memory_space<semaphore_mem>>
      %dma_start3A = arith.constant 0 : i32
      %dma_start3A_27 = tpu.memref_slice %arg11[%add3A_14, %dma_start3A] : memref<10240x128xf32, #tpu.memory_space<vmem_shared>> -> memref<128x128xf32, #tpu.memory_space<vmem_shared>>
      %dma_start3A_28 = arith.constant 0 : i32
      %dma_start3A_29 = tpu.memref_slice %arg11[%add3A_14, %dma_start3A_28] : memref<10240x128xf32, #tpu.memory_space<vmem_shared>> -> memref<128x128xf32, #tpu.memory_space<vmem_shared>>
      tpu.enqueue_dma source(%arg10 : memref<128x128xf32, #tpu.memory_space<vmem>>) target(%dma_start3A_29 : memref<128x128xf32, #tpu.memory_space<vmem_shared>>) target_semaphore(%run_scoped3A : memref<!tpu.dma_semaphore, #tpu.memory_space<semaphore_mem>>)
      %dma_wait3A = arith.constant 0 : i32
      %dma_wait3A_30 = tpu.memref_slice %arg11[%add3A_14, %dma_wait3A] : memref<10240x128xf32, #tpu.memory_space<vmem_shared>> -> memref<128x128xf32, #tpu.memory_space<vmem_shared>>
      %dma_wait3A_31 = arith.constant 0 : i32
      %dma_wait3A_32 = tpu.memref_slice %arg11[%add3A_14, %dma_wait3A_31] : memref<10240x128xf32, #tpu.memory_space<vmem_shared>> -> memref<128x128xf32, #tpu.memory_space<vmem_shared>>
      tpu.wait_dma2 semaphore(%run_scoped3A : memref<!tpu.dma_semaphore, #tpu.memory_space<semaphore_mem>>) src(%arg10 : memref<128x128xf32, #tpu.memory_space<vmem>>) dst(%dma_wait3A_32 : memref<128x128xf32, #tpu.memory_space<vmem_shared>>)
      tpu.yield
    }) : () -> ()
    %add3A_15 = arith.constant 384 : i32
    %add3A_16 = arith.addi %mul3A_8, %add3A_15 : i32
    "tpu.region"() ({
      %run_scoped3A = tpu.sem_alloc : memref<!tpu.dma_semaphore, #tpu.memory_space<semaphore_mem>>
      %dma_start3A = arith.constant 0 : i32
      %dma_start3A_27 = tpu.memref_slice %arg11[%add3A_16, %dma_start3A] : memref<10240x128xf32, #tpu.memory_space<vmem_shared>> -> memref<128x128xf32, #tpu.memory_space<vmem_shared>>
      %dma_start3A_28 = arith.constant 0 : i32
      %dma_start3A_29 = tpu.memref_slice %arg11[%add3A_16, %dma_start3A_28] : memref<10240x128xf32, #tpu.memory_space<vmem_shared>> -> memref<128x128xf32, #tpu.memory_space<vmem_shared>>
      tpu.enqueue_dma source(%arg10 : memref<128x128xf32, #tpu.memory_space<vmem>>) target(%dma_start3A_29 : memref<128x128xf32, #tpu.memory_space<vmem_shared>>) target_semaphore(%run_scoped3A : memref<!tpu.dma_semaphore, #tpu.memory_space<semaphore_mem>>)
      %dma_wait3A = arith.constant 0 : i32
      %dma_wait3A_30 = tpu.memref_slice %arg11[%add3A_16, %dma_wait3A] : memref<10240x128xf32, #tpu.memory_space<vmem_shared>> -> memref<128x128xf32, #tpu.memory_space<vmem_shared>>
      %dma_wait3A_31 = arith.constant 0 : i32
      %dma_wait3A_32 = tpu.memref_slice %arg11[%add3A_16, %dma_wait3A_31] : memref<10240x128xf32, #tpu.memory_space<vmem_shared>> -> memref<128x128xf32, #tpu.memory_space<vmem_shared>>
      tpu.wait_dma2 semaphore(%run_scoped3A : memref<!tpu.dma_semaphore, #tpu.memory_space<semaphore_mem>>) src(%arg10 : memref<128x128xf32, #tpu.memory_space<vmem>>) dst(%dma_wait3A_32 : memref<128x128xf32, #tpu.memory_space<vmem_shared>>)
      tpu.yield
    }) : () -> ()
    %add3A_17 = arith.constant 512 : i32
    %add3A_18 = arith.addi %mul3A_8, %add3A_17 : i32
    "tpu.region"() ({
      %run_scoped3A = tpu.sem_alloc : memref<!tpu.dma_semaphore, #tpu.memory_space<semaphore_mem>>
      %dma_start3A = arith.constant 0 : i32
      %dma_start3A_27 = tpu.memref_slice %arg11[%add3A_18, %dma_start3A] : memref<10240x128xf32, #tpu.memory_space<vmem_shared>> -> memref<128x128xf32, #tpu.memory_space<vmem_shared>>
      %dma_start3A_28 = arith.constant 0 : i32
      %dma_start3A_29 = tpu.memref_slice %arg11[%add3A_18, %dma_start3A_28] : memref<10240x128xf32, #tpu.memory_space<vmem_shared>> -> memref<128x128xf32, #tpu.memory_space<vmem_shared>>
      tpu.enqueue_dma source(%arg10 : memref<128x128xf32, #tpu.memory_space<vmem>>) target(%dma_start3A_29 : memref<128x128xf32, #tpu.memory_space<vmem_shared>>) target_semaphore(%run_scoped3A : memref<!tpu.dma_semaphore, #tpu.memory_space<semaphore_mem>>)
      %dma_wait3A = arith.constant 0 : i32
      %dma_wait3A_30 = tpu.memref_slice %arg11[%add3A_18, %dma_wait3A] : memref<10240x128xf32, #tpu.memory_space<vmem_shared>> -> memref<128x128xf32, #tpu.memory_space<vmem_shared>>
      %dma_wait3A_31 = arith.constant 0 : i32
      %dma_wait3A_32 = tpu.memref_slice %arg11[%add3A_18, %dma_wait3A_31] : memref<10240x128xf32, #tpu.memory_space<vmem_shared>> -> memref<128x128xf32, #tpu.memory_space<vmem_shared>>
      tpu.wait_dma2 semaphore(%run_scoped3A : memref<!tpu.dma_semaphore, #tpu.memory_space<semaphore_mem>>) src(%arg10 : memref<128x128xf32, #tpu.memory_space<vmem>>) dst(%dma_wait3A_32 : memref<128x128xf32, #tpu.memory_space<vmem_shared>>)
      tpu.yield
    }) : () -> ()
    %barrier3A = arith.constant 0 : index
    tpu.barrier barrier_id(%barrier3A)
    %scan3A_19 = arith.constant 0 : i32
    %scan3A_20 = arith.constant 0 : i32
    %scan3A_21 = arith.constant 79 : i32
    %scan3A_22 = arith.addi %scan3A_20, %scan3A_21 : i32
    %scan3A_23 = arith.constant 1 : i32
    %scan3A_24 = scf.for %scan3A_27 = %scan3A_20 to %scan3A_22 step %scan3A_23 iter_args(%scan3A_28 = %scan3A_19) -> (i32)  : i32 {
      %dma_start3A = arith.constant 0 : i32
      %dma_start3A_29 = tpu.memref_slice %arg8[%scan3A_27, %dma_start3A] : memref<79x128xi32, #tpu.memory_space<vmem>> -> memref<1x128xi32, #tpu.memory_space<vmem>>
      %dma_start3A_30 = tpu.memref_squeeze %dma_start3A_29 : memref<1x128xi32, #tpu.memory_space<vmem>> -> memref<128xi32, #tpu.memory_space<vmem>>
      %dma_start3A_31 = arith.constant 0 : i32
      %dma_start3A_32 = arith.constant 0 : i32
      %dma_start3A_33 = tpu.memref_slice %arg5[%dma_start3A_31, %dma_start3A_32] : memref<10000x128xf32, #tpu.memory_space<hbm>> -> memref<10000x128xf32, #tpu.memory_space<hbm>>
      tpu.enqueue_indirect_dma source(%dma_start3A_33 : memref<10000x128xf32, #tpu.memory_space<hbm>>) target(%arg10 : memref<128x128xf32, #tpu.memory_space<vmem>>) offsets(%dma_start3A_30 : memref<128xi32, #tpu.memory_space<vmem>>) semaphore(%arg12 : memref<!tpu.dma_semaphore, #tpu.memory_space<semaphore_mem>>)
      %dma_wait3A = arith.constant 0 : i32
      %dma_wait3A_34 = tpu.memref_slice %arg8[%scan3A_27, %dma_wait3A] : memref<79x128xi32, #tpu.memory_space<vmem>> -> memref<1x128xi32, #tpu.memory_space<vmem>>
      %dma_wait3A_35 = tpu.memref_squeeze %dma_wait3A_34 : memref<1x128xi32, #tpu.memory_space<vmem>> -> memref<128xi32, #tpu.memory_space<vmem>>
      %dma_wait3A_36 = arith.constant 0 : i32
      %dma_wait3A_37 = arith.constant 0 : i32
      %dma_wait3A_38 = tpu.memref_slice %arg5[%dma_wait3A_36, %dma_wait3A_37] : memref<10000x128xf32, #tpu.memory_space<hbm>> -> memref<10000x128xf32, #tpu.memory_space<hbm>>
      tpu.wait_indirect_dma semaphore(%arg12 : memref<!tpu.dma_semaphore, #tpu.memory_space<semaphore_mem>>) src(%dma_wait3A_38 : memref<10000x128xf32, #tpu.memory_space<hbm>>) dst(%arg10 : memref<128x128xf32, #tpu.memory_space<vmem>>)
      %scan3A_39 = arith.constant 0 : i32
      %scan3A_40 = arith.constant 0 : i32
      %scan3A_41 = arith.constant 8 : i32
      %scan3A_42 = arith.addi %scan3A_40, %scan3A_41 : i32
      %scan3A_43 = arith.constant 1 : i32
      %scan3A_44 = scf.for %scan3A_47 = %scan3A_40 to %scan3A_42 step %scan3A_43 iter_args(%scan3A_48 = %scan3A_39) -> (i32)  : i32 {
        %mul3A_49 = arith.constant 16 : i32
        %mul3A_50 = arith.muli %scan3A_47, %mul3A_49 : i32
        %get3A = arith.index_cast %scan3A_27 : i32 to index
        %get3A_51 = arith.index_cast %mul3A_50 : i32 to index
        %get3A_52 = tpu.vector_load %arg9[%get3A, %get3A_51] {strides = array<i32>} : memref<79x128xf32, #tpu.memory_space<vmem>>, vector<1x16xf32>,
        %get3A_53 = vector.shape_cast %get3A_52 : vector<1x16xf32> to vector<16xf32>
        %mul3A_54 = arith.constant 16 : i32
        %mul3A_55 = arith.muli %scan3A_47, %mul3A_54 : i32
        %broadcast_in_dim3A = arith.constant 0 : i32
        %broadcast_in_dim3A_56 = vector.broadcast %broadcast_in_dim3A : i32 to vector<16x1xi32>
        %gather3A = vector.shape_cast %broadcast_in_dim3A_56 : vector<16x1xi32> to vector<16xi32>
        %gather3A_57 = tpu.dynamic_gather %get3A_53[%gather3A] in [0] : vector<16xf32>, vector<16xi32> -> vector<16xf32>
        %add3A_58 = arith.constant 0 : i32
        %add3A_59 = arith.addi %mul3A_55, %add3A_58 : i32
        %get3A_60 = arith.index_cast %add3A_59 : i32 to index
        %get3A_61 = arith.constant 0 : index
        %get3A_62 = tpu.vector_load %arg10[%get3A_60, %get3A_61] {strides = array<i32>} : memref<128x128xf32, #tpu.memory_space<vmem>>, vector<1x16xf32>,
        %get3A_63 = vector.shape_cast %get3A_62 : vector<1x16xf32> to vector<16xf32>
        %mul3A_64 = arith.mulf %get3A_63, %gather3A_57 : vector<16xf32>
        %add3A_65 = arith.constant 0 : i32
        %add3A_66 = arith.addi %mul3A_55, %add3A_65 : i32
        %swap3A = arith.index_cast %add3A_66 : i32 to index
        %swap3A_67 = arith.constant 0 : index
        %swap3A_68 = tpu.vector_load %arg10[%swap3A, %swap3A_67] {strides = array<i32>} : memref<128x128xf32, #tpu.memory_space<vmem>>, vector<1x16xf32>,
        %swap3A_69 = vector.shape_cast %swap3A_68 : vector<1x16xf32> to vector<16xf32>
        %swap3A_70 = vector.shape_cast %mul3A_64 : vector<16xf32> to vector<1x16xf32>
        tpu.vector_store %arg10[%swap3A, %swap3A_67], %swap3A_70 {strides = array<i32>} : memref<128x128xf32, #tpu.memory_space<vmem>>, vector<1x16xf32>,
        %add3A_71 = arith.constant 0 : i32
        %add3A_72 = arith.addi %mul3A_55, %add3A_71 : i32
        %get3A_73 = arith.index_cast %add3A_72 : i32 to index
        %get3A_74 = arith.constant 16 : index
        %get3A_75 = tpu.vector_load %arg10[%get3A_73, %get3A_74] {strides = array<i32>} : memref<128x128xf32, #tpu.memory_space<vmem>>, vector<1x16xf32>,
        %get3A_76 = vector.shape_cast %get3A_75 : vector<1x16xf32> to vector<16xf32>
        %mul3A_77 = arith.mulf %get3A_76, %gather3A_57 : vector<16xf32>
        %add3A_78 = arith.constant 0 : i32
        %add3A_79 = arith.addi %mul3A_55, %add3A_78 : i32
        %swap3A_80 = arith.index_cast %add3A_79 : i32 to index
        %swap3A_81 = arith.constant 16 : index
        %swap3A_82 = tpu.vector_load %arg10[%swap3A_80, %swap3A_81] {strides = array<i32>} : memref<128x128xf32, #tpu.memory_space<vmem>>, vector<1x16xf32>,
        %swap3A_83 = vector.shape_cast %swap3A_82 : vector<1x16xf32> to vector<16xf32>
        %swap3A_84 = vector.shape_cast %mul3A_77 : vector<16xf32> to vector<1x16xf32>
        tpu.vector_store %arg10[%swap3A_80, %swap3A_81], %swap3A_84 {strides = array<i32>} : memref<128x128xf32, #tpu.memory_space<vmem>>, vector<1x16xf32>,
        %add3A_85 = arith.constant 0 : i32
        %add3A_86 = arith.addi %mul3A_55, %add3A_85 : i32
        %get3A_87 = arith.index_cast %add3A_86 : i32 to index
        %get3A_88 = arith.constant 32 : index
        %get3A_89 = tpu.vector_load %arg10[%get3A_87, %get3A_88] {strides = array<i32>} : memref<128x128xf32, #tpu.memory_space<vmem>>, vector<1x16xf32>,
        %get3A_90 = vector.shape_cast %get3A_89 : vector<1x16xf32> to vector<16xf32>
        %mul3A_91 = arith.mulf %get3A_90, %gather3A_57 : vector<16xf32>
        %add3A_92 = arith.constant 0 : i32
        %add3A_93 = arith.addi %mul3A_55, %add3A_92 : i32
        %swap3A_94 = arith.index_cast %add3A_93 : i32 to index
        %swap3A_95 = arith.constant 32 : index
        %swap3A_96 = tpu.vector_load %arg10[%swap3A_94, %swap3A_95] {strides = array<i32>} : memref<128x128xf32, #tpu.memory_space<vmem>>, vector<1x16xf32>,
        %swap3A_97 = vector.shape_cast %swap3A_96 : vector<1x16xf32> to vector<16xf32>
        %swap3A_98 = vector.shape_cast %mul3A_91 : vector<16xf32> to vector<1x16xf32>
        tpu.vector_store %arg10[%swap3A_94, %swap3A_95], %swap3A_98 {strides = array<i32>} : memref<128x128xf32, #tpu.memory_space<vmem>>, vector<1x16xf32>,
        %add3A_99 = arith.constant 0 : i32
        %add3A_100 = arith.addi %mul3A_55, %add3A_99 : i32
        %get3A_101 = arith.index_cast %add3A_100 : i32 to index
        %get3A_102 = arith.constant 48 : index
        %get3A_103 = tpu.vector_load %arg10[%get3A_101, %get3A_102] {strides = array<i32>} : memref<128x128xf32, #tpu.memory_space<vmem>>, vector<1x16xf32>,
        %get3A_104 = vector.shape_cast %get3A_103 : vector<1x16xf32> to vector<16xf32>
        %mul3A_105 = arith.mulf %get3A_104, %gather3A_57 : vector<16xf32>
        %add3A_106 = arith.constant 0 : i32
        %add3A_107 = arith.addi %mul3A_55, %add3A_106 : i32
        %swap3A_108 = arith.index_cast %add3A_107 : i32 to index
        %swap3A_109 = arith.constant 48 : index
        %swap3A_110 = tpu.vector_load %arg10[%swap3A_108, %swap3A_109] {strides = array<i32>} : memref<128x128xf32, #tpu.memory_space<vmem>>, vector<1x16xf32>,
        %swap3A_111 = vector.shape_cast %swap3A_110 : vector<1x16xf32> to vector<16xf32>
        %swap3A_112 = vector.shape_cast %mul3A_105 : vector<16xf32> to vector<1x16xf32>
        tpu.vector_store %arg10[%swap3A_108, %swap3A_109], %swap3A_112 {strides = array<i32>} : memref<128x128xf32, #tpu.memory_space<vmem>>, vector<1x16xf32>,
        %add3A_113 = arith.constant 0 : i32
        %add3A_114 = arith.addi %mul3A_55, %add3A_113 : i32
        %get3A_115 = arith.index_cast %add3A_114 : i32 to index
        %get3A_116 = arith.constant 64 : index
        %get3A_117 = tpu.vector_load %arg10[%get3A_115, %get3A_116] {strides = array<i32>} : memref<128x128xf32, #tpu.memory_space<vmem>>, vector<1x16xf32>,
        %get3A_118 = vector.shape_cast %get3A_117 : vector<1x16xf32> to vector<16xf32>
        %mul3A_119 = arith.mulf %get3A_118, %gather3A_57 : vector<16xf32>
        %add3A_120 = arith.constant 0 : i32
        %add3A_121 = arith.addi %mul3A_55, %add3A_120 : i32
        %swap3A_122 = arith.index_cast %add3A_121 : i32 to index
        %swap3A_123 = arith.constant 64 : index
        %swap3A_124 = tpu.vector_load %arg10[%swap3A_122, %swap3A_123] {strides = array<i32>} : memref<128x128xf32, #tpu.memory_space<vmem>>, vector<1x16xf32>,
        %swap3A_125 = vector.shape_cast %swap3A_124 : vector<1x16xf32> to vector<16xf32>
        %swap3A_126 = vector.shape_cast %mul3A_119 : vector<16xf32> to vector<1x16xf32>
        tpu.vector_store %arg10[%swap3A_122, %swap3A_123], %swap3A_126 {strides = array<i32>} : memref<128x128xf32, #tpu.memory_space<vmem>>, vector<1x16xf32>,
        %add3A_127 = arith.constant 0 : i32
        %add3A_128 = arith.addi %mul3A_55, %add3A_127 : i32
        %get3A_129 = arith.index_cast %add3A_128 : i32 to index
        %get3A_130 = arith.constant 80 : index
        %get3A_131 = tpu.vector_load %arg10[%get3A_129, %get3A_130] {strides = array<i32>} : memref<128x128xf32, #tpu.memory_space<vmem>>, vector<1x16xf32>,
        %get3A_132 = vector.shape_cast %get3A_131 : vector<1x16xf32> to vector<16xf32>
        %mul3A_133 = arith.mulf %get3A_132, %gather3A_57 : vector<16xf32>
        %add3A_134 = arith.constant 0 : i32
        %add3A_135 = arith.addi %mul3A_55, %add3A_134 : i32
        %swap3A_136 = arith.index_cast %add3A_135 : i32 to index
        %swap3A_137 = arith.constant 80 : index
        %swap3A_138 = tpu.vector_load %arg10[%swap3A_136, %swap3A_137] {strides = array<i32>} : memref<128x128xf32, #tpu.memory_space<vmem>>, vector<1x16xf32>,
        %swap3A_139 = vector.shape_cast %swap3A_138 : vector<1x16xf32> to vector<16xf32>
        %swap3A_140 = vector.shape_cast %mul3A_133 : vector<16xf32> to vector<1x16xf32>
        tpu.vector_store %arg10[%swap3A_136, %swap3A_137], %swap3A_140 {strides = array<i32>} : memref<128x128xf32, #tpu.memory_space<vmem>>, vector<1x16xf32>,
        %add3A_141 = arith.constant 0 : i32
        %add3A_142 = arith.addi %mul3A_55, %add3A_141 : i32
        %get3A_143 = arith.index_cast %add3A_142 : i32 to index
        %get3A_144 = arith.constant 96 : index
        %get3A_145 = tpu.vector_load %arg10[%get3A_143, %get3A_144] {strides = array<i32>} : memref<128x128xf32, #tpu.memory_space<vmem>>, vector<1x16xf32>,
        %get3A_146 = vector.shape_cast %get3A_145 : vector<1x16xf32> to vector<16xf32>
        %mul3A_147 = arith.mulf %get3A_146, %gather3A_57 : vector<16xf32>
        %add3A_148 = arith.constant 0 : i32
        %add3A_149 = arith.addi %mul3A_55, %add3A_148 : i32
        %swap3A_150 = arith.index_cast %add3A_149 : i32 to index
        %swap3A_151 = arith.constant 96 : index
        %swap3A_152 = tpu.vector_load %arg10[%swap3A_150, %swap3A_151] {strides = array<i32>} : memref<128x128xf32, #tpu.memory_space<vmem>>, vector<1x16xf32>,
        %swap3A_153 = vector.shape_cast %swap3A_152 : vector<1x16xf32> to vector<16xf32>
        %swap3A_154 = vector.shape_cast %mul3A_147 : vector<16xf32> to vector<1x16xf32>
        tpu.vector_store %arg10[%swap3A_150, %swap3A_151], %swap3A_154 {strides = array<i32>} : memref<128x128xf32, #tpu.memory_space<vmem>>, vector<1x16xf32>,
        %add3A_155 = arith.constant 0 : i32
        %add3A_156 = arith.addi %mul3A_55, %add3A_155 : i32
        %get3A_157 = arith.index_cast %add3A_156 : i32 to index
        %get3A_158 = arith.constant 112 : index
        %get3A_159 = tpu.vector_load %arg10[%get3A_157, %get3A_158] {strides = array<i32>} : memref<128x128xf32, #tpu.memory_space<vmem>>, vector<1x16xf32>,
        %get3A_160 = vector.shape_cast %get3A_159 : vector<1x16xf32> to vector<16xf32>
        %mul3A_161 = arith.mulf %get3A_160, %gather3A_57 : vector<16xf32>
        %add3A_162 = arith.constant 0 : i32
        %add3A_163 = arith.addi %mul3A_55, %add3A_162 : i32
        %swap3A_164 = arith.index_cast %add3A_163 : i32 to index
        %swap3A_165 = arith.constant 112 : index
        %swap3A_166 = tpu.vector_load %arg10[%swap3A_164, %swap3A_165] {strides = array<i32>} : memref<128x128xf32, #tpu.memory_space<vmem>>, vector<1x16xf32>,
        %swap3A_167 = vector.shape_cast %swap3A_166 : vector<1x16xf32> to vector<16xf32>
        %swap3A_168 = vector.shape_cast %mul3A_161 : vector<16xf32> to vector<1x16xf32>
        tpu.vector_store %arg10[%swap3A_164, %swap3A_165], %swap3A_168 {strides = array<i32>} : memref<128x128xf32, #tpu.memory_space<vmem>>, vector<1x16xf32>,
        %broadcast_in_dim3A_169 = arith.constant 1 : i32
        %broadcast_in_dim3A_170 = vector.broadcast %broadcast_in_dim3A_169 : i32 to vector<16x1xi32>
        %gather3A_171 = vector.shape_cast %broadcast_in_dim3A_170 : vector<16x1xi32> to vector<16xi32>
        %gather3A_172 = tpu.dynamic_gather %get3A_53[%gather3A_171] in [0] : vector<16xf32>, vector<16xi32> -> vector<16xf32>
        %add3A_173 = arith.constant 1 : i32
        %add3A_174 = arith.addi %mul3A_55, %add3A_173 : i32
        %get3A_175 = arith.index_cast %add3A_174 : i32 to index
        %get3A_176 = arith.constant 0 : index
        %get3A_177 = tpu.vector_load %arg10[%get3A_175, %get3A_176] {strides = array<i32>} : memref<128x128xf32, #tpu.memory_space<vmem>>, vector<1x16xf32>,
        %get3A_178 = vector.shape_cast %get3A_177 : vector<1x16xf32> to vector<16xf32>
        %mul3A_179 = arith.mulf %get3A_178, %gather3A_172 : vector<16xf32>
        %add3A_180 = arith.constant 1 : i32
        %add3A_181 = arith.addi %mul3A_55, %add3A_180 : i32
        %swap3A_182 = arith.index_cast %add3A_181 : i32 to index
        %swap3A_183 = arith.constant 0 : index
        %swap3A_184 = tpu.vector_load %arg10[%swap3A_182, %swap3A_183] {strides = array<i32>} : memref<128x128xf32, #tpu.memory_space<vmem>>, vector<1x16xf32>,
        %swap3A_185 = vector.shape_cast %swap3A_184 : vector<1x16xf32> to vector<16xf32>
        %swap3A_186 = vector.shape_cast %mul3A_179 : vector<16xf32> to vector<1x16xf32>
        tpu.vector_store %arg10[%swap3A_182, %swap3A_183], %swap3A_186 {strides = array<i32>} : memref<128x128xf32, #tpu.memory_space<vmem>>, vector<1x16xf32>,
        %add3A_187 = arith.constant 1 : i32
        %add3A_188 = arith.addi %mul3A_55, %add3A_187 : i32
        %get3A_189 = arith.index_cast %add3A_188 : i32 to index
        %get3A_190 = arith.constant 16 : index
        %get3A_191 = tpu.vector_load %arg10[%get3A_189, %get3A_190] {strides = array<i32>} : memref<128x128xf32, #tpu.memory_space<vmem>>, vector<1x16xf32>,
        %get3A_192 = vector.shape_cast %get3A_191 : vector<1x16xf32> to vector<16xf32>
        %mul3A_193 = arith.mulf %get3A_192, %gather3A_172 : vector<16xf32>
        %add3A_194 = arith.constant 1 : i32
        %add3A_195 = arith.addi %mul3A_55, %add3A_194 : i32
        %swap3A_196 = arith.index_cast %add3A_195 : i32 to index
        %swap3A_197 = arith.constant 16 : index
        %swap3A_198 = tpu.vector_load %arg10[%swap3A_196, %swap3A_197] {strides = array<i32>} : memref<128x128xf32, #tpu.memory_space<vmem>>, vector<1x16xf32>,
        %swap3A_199 = vector.shape_cast %swap3A_198 : vector<1x16xf32> to vector<16xf32>
        %swap3A_200 = vector.shape_cast %mul3A_193 : vector<16xf32> to vector<1x16xf32>
        tpu.vector_store %arg10[%swap3A_196, %swap3A_197], %swap3A_200 {strides = array<i32>} : memref<128x128xf32, #tpu.memory_space<vmem>>, vector<1x16xf32>,
        %add3A_201 = arith.constant 1 : i32
        %add3A_202 = arith.addi %mul3A_55, %add3A_201 : i32
        %get3A_203 = arith.index_cast %add3A_202 : i32 to index
        %get3A_204 = arith.constant 32 : index
        %get3A_205 = tpu.vector_load %arg10[%get3A_203, %get3A_204] {strides = array<i32>} : memref<128x128xf32, #tpu.memory_space<vmem>>, vector<1x16xf32>,
        %get3A_206 = vector.shape_cast %get3A_205 : vector<1x16xf32> to vector<16xf32>
        %mul3A_207 = arith.mulf %get3A_206, %gather3A_172 : vector<16xf32>
        %add3A_208 = arith.constant 1 : i32
        %add3A_209 = arith.addi %mul3A_55, %add3A_208 : i32
        %swap3A_210 = arith.index_cast %add3A_209 : i32 to index
        %swap3A_211 = arith.constant 32 : index
        %swap3A_212 = tpu.vector_load %arg10[%swap3A_210, %swap3A_211] {strides = array<i32>} : memref<128x128xf32, #tpu.memory_space<vmem>>, vector<1x16xf32>,
        %swap3A_213 = vector.shape_cast %swap3A_212 : vector<1x16xf32> to vector<16xf32>
        %swap3A_214 = vector.shape_cast %mul3A_207 : vector<16xf32> to vector<1x16xf32>
        tpu.vector_store %arg10[%swap3A_210, %swap3A_211], %swap3A_214 {strides = array<i32>} : memref<128x128xf32, #tpu.memory_space<vmem>>, vector<1x16xf32>,
        %add3A_215 = arith.constant 1 : i32
        %add3A_216 = arith.addi %mul3A_55, %add3A_215 : i32
        %get3A_217 = arith.index_cast %add3A_216 : i32 to index
        %get3A_218 = arith.constant 48 : index
        %get3A_219 = tpu.vector_load %arg10[%get3A_217, %get3A_218] {strides = array<i32>} : memref<128x128xf32, #tpu.memory_space<vmem>>, vector<1x16xf32>,
        %get3A_220 = vector.shape_cast %get3A_219 : vector<1x16xf32> to vector<16xf32>
        %mul3A_221 = arith.mulf %get3A_220, %gather3A_172 : vector<16xf32>
        %add3A_222 = arith.constant 1 : i32
        %add3A_223 = arith.addi %mul3A_55, %add3A_222 : i32
        %swap3A_224 = arith.index_cast %add3A_223 : i32 to index
        %swap3A_225 = arith.constant 48 : index
        %swap3A_226 = tpu.vector_load %arg10[%swap3A_224, %swap3A_225] {strides = array<i32>} : memref<128x128xf32, #tpu.memory_space<vmem>>, vector<1x16xf32>,
        %swap3A_227 = vector.shape_cast %swap3A_226 : vector<1x16xf32> to vector<16xf32>
        %swap3A_228 = vector.shape_cast %mul3A_221 : vector<16xf32> to vector<1x16xf32>
        tpu.vector_store %arg10[%swap3A_224, %swap3A_225], %swap3A_228 {strides = array<i32>} : memref<128x128xf32, #tpu.memory_space<vmem>>, vector<1x16xf32>,
        %add3A_229 = arith.constant 1 : i32
        %add3A_230 = arith.addi %mul3A_55, %add3A_229 : i32
        %get3A_231 = arith.index_cast %add3A_230 : i32 to index
        %get3A_232 = arith.constant 64 : index
        %get3A_233 = tpu.vector_load %arg10[%get3A_231, %get3A_232] {strides = array<i32>} : memref<128x128xf32, #tpu.memory_space<vmem>>, vector<1x16xf32>,
        %get3A_234 = vector.shape_cast %get3A_233 : vector<1x16xf32> to vector<16xf32>
        %mul3A_235 = arith.mulf %get3A_234, %gather3A_172 : vector<16xf32>
        %add3A_236 = arith.constant 1 : i32
        %add3A_237 = arith.addi %mul3A_55, %add3A_236 : i32
        %swap3A_238 = arith.index_cast %add3A_237 : i32 to index
        %swap3A_239 = arith.constant 64 : index
        %swap3A_240 = tpu.vector_load %arg10[%swap3A_238, %swap3A_239] {strides = array<i32>} : memref<128x128xf32, #tpu.memory_space<vmem>>, vector<1x16xf32>,
        %swap3A_241 = vector.shape_cast %swap3A_240 : vector<1x16xf32> to vector<16xf32>
        %swap3A_242 = vector.shape_cast %mul3A_235 : vector<16xf32> to vector<1x16xf32>
        tpu.vector_store %arg10[%swap3A_238, %swap3A_239], %swap3A_242 {strides = array<i32>} : memref<128x128xf32, #tpu.memory_space<vmem>>, vector<1x16xf32>,
        %add3A_243 = arith.constant 1 : i32
        %add3A_244 = arith.addi %mul3A_55, %add3A_243 : i32
        %get3A_245 = arith.index_cast %add3A_244 : i32 to index
        %get3A_246 = arith.constant 80 : index
        %get3A_247 = tpu.vector_load %arg10[%get3A_245, %get3A_246] {strides = array<i32>} : memref<128x128xf32, #tpu.memory_space<vmem>>, vector<1x16xf32>,
        %get3A_248 = vector.shape_cast %get3A_247 : vector<1x16xf32> to vector<16xf32>
        %mul3A_249 = arith.mulf %get3A_248, %gather3A_172 : vector<16xf32>
        %add3A_250 = arith.constant 1 : i32
        %add3A_251 = arith.addi %mul3A_55, %add3A_250 : i32
        %swap3A_252 = arith.index_cast %add3A_251 : i32 to index
        %swap3A_253 = arith.constant 80 : index
        %swap3A_254 = tpu.vector_load %arg10[%swap3A_252, %swap3A_253] {strides = array<i32>} : memref<128x128xf32, #tpu.memory_space<vmem>>, vector<1x16xf32>,
        %swap3A_255 = vector.shape_cast %swap3A_254 : vector<1x16xf32> to vector<16xf32>
        %swap3A_256 = vector.shape_cast %mul3A_249 : vector<16xf32> to vector<1x16xf32>
        tpu.vector_store %arg10[%swap3A_252, %swap3A_253], %swap3A_256 {strides = array<i32>} : memref<128x128xf32, #tpu.memory_space<vmem>>, vector<1x16xf32>,
        %add3A_257 = arith.constant 1 : i32
        %add3A_258 = arith.addi %mul3A_55, %add3A_257 : i32
        %get3A_259 = arith.index_cast %add3A_258 : i32 to index
        %get3A_260 = arith.constant 96 : index
        %get3A_261 = tpu.vector_load %arg10[%get3A_259, %get3A_260] {strides = array<i32>} : memref<128x128xf32, #tpu.memory_space<vmem>>, vector<1x16xf32>,
        %get3A_262 = vector.shape_cast %get3A_261 : vector<1x16xf32> to vector<16xf32>
        %mul3A_263 = arith.mulf %get3A_262, %gather3A_172 : vector<16xf32>
        %add3A_264 = arith.constant 1 : i32
        %add3A_265 = arith.addi %mul3A_55, %add3A_264 : i32
        %swap3A_266 = arith.index_cast %add3A_265 : i32 to index
        %swap3A_267 = arith.constant 96 : index
        %swap3A_268 = tpu.vector_load %arg10[%swap3A_266, %swap3A_267] {strides = array<i32>} : memref<128x128xf32, #tpu.memory_space<vmem>>, vector<1x16xf32>,
        %swap3A_269 = vector.shape_cast %swap3A_268 : vector<1x16xf32> to vector<16xf32>
        %swap3A_270 = vector.shape_cast %mul3A_263 : vector<16xf32> to vector<1x16xf32>
        tpu.vector_store %arg10[%swap3A_266, %swap3A_267], %swap3A_270 {strides = array<i32>} : memref<128x128xf32, #tpu.memory_space<vmem>>, vector<1x16xf32>,
        %add3A_271 = arith.constant 1 : i32
        %add3A_272 = arith.addi %mul3A_55, %add3A_271 : i32
        %get3A_273 = arith.index_cast %add3A_272 : i32 to index
        %get3A_274 = arith.constant 112 : index
        %get3A_275 = tpu.vector_load %arg10[%get3A_273, %get3A_274] {strides = array<i32>} : memref<128x128xf32, #tpu.memory_space<vmem>>, vector<1x16xf32>,
        %get3A_276 = vector.shape_cast %get3A_275 : vector<1x16xf32> to vector<16xf32>
        %mul3A_277 = arith.mulf %get3A_276, %gather3A_172 : vector<16xf32>
        %add3A_278 = arith.constant 1 : i32
        %add3A_279 = arith.addi %mul3A_55, %add3A_278 : i32
        %swap3A_280 = arith.index_cast %add3A_279 : i32 to index
        %swap3A_281 = arith.constant 112 : index
        %swap3A_282 = tpu.vector_load %arg10[%swap3A_280, %swap3A_281] {strides = array<i32>} : memref<128x128xf32, #tpu.memory_space<vmem>>, vector<1x16xf32>,
        %swap3A_283 = vector.shape_cast %swap3A_282 : vector<1x16xf32> to vector<16xf32>
        %swap3A_284 = vector.shape_cast %mul3A_277 : vector<16xf32> to vector<1x16xf32>
        tpu.vector_store %arg10[%swap3A_280, %swap3A_281], %swap3A_284 {strides = array<i32>} : memref<128x128xf32, #tpu.memory_space<vmem>>, vector<1x16xf32>,
        %broadcast_in_dim3A_285 = arith.constant 2 : i32
        %broadcast_in_dim3A_286 = vector.broadcast %broadcast_in_dim3A_285 : i32 to vector<16x1xi32>
        %gather3A_287 = vector.shape_cast %broadcast_in_dim3A_286 : vector<16x1xi32> to vector<16xi32>
        %gather3A_288 = tpu.dynamic_gather %get3A_53[%gather3A_287] in [0] : vector<16xf32>, vector<16xi32> -> vector<16xf32>
        %add3A_289 = arith.constant 2 : i32
        %add3A_290 = arith.addi %mul3A_55, %add3A_289 : i32
        %get3A_291 = arith.index_cast %add3A_290 : i32 to index
        %get3A_292 = arith.constant 0 : index
        %get3A_293 = tpu.vector_load %arg10[%get3A_291, %get3A_292] {strides = array<i32>} : memref<128x128xf32, #tpu.memory_space<vmem>>, vector<1x16xf32>,
        %get3A_294 = vector.shape_cast %get3A_293 : vector<1x16xf32> to vector<16xf32>
        %mul3A_295 = arith.mulf %get3A_294, %gather3A_288 : vector<16xf32>
        %add3A_296 = arith.constant 2 : i32
        %add3A_297 = arith.addi %mul3A_55, %add3A_296 : i32
        %swap3A_298 = arith.index_cast %add3A_297 : i32 to index
        %swap3A_299 = arith.constant 0 : index
        %swap3A_300 = tpu.vector_load %arg10[%swap3A_298, %swap3A_299] {strides = array<i32>} : memref<128x128xf32, #tpu.memory_space<vmem>>, vector<1x16xf32>,
        %swap3A_301 = vector.shape_cast %swap3A_300 : vector<1x16xf32> to vector<16xf32>
        %swap3A_302 = vector.shape_cast %mul3A_295 : vector<16xf32> to vector<1x16xf32>
        tpu.vector_store %arg10[%swap3A_298, %swap3A_299], %swap3A_302 {strides = array<i32>} : memref<128x128xf32, #tpu.memory_space<vmem>>, vector<1x16xf32>,
        %add3A_303 = arith.constant 2 : i32
        %add3A_304 = arith.addi %mul3A_55, %add3A_303 : i32
        %get3A_305 = arith.index_cast %add3A_304 : i32 to index
        %get3A_306 = arith.constant 16 : index
        %get3A_307 = tpu.vector_load %arg10[%get3A_305, %get3A_306] {strides = array<i32>} : memref<128x128xf32, #tpu.memory_space<vmem>>, vector<1x16xf32>,
        %get3A_308 = vector.shape_cast %get3A_307 : vector<1x16xf32> to vector<16xf32>
        %mul3A_309 = arith.mulf %get3A_308, %gather3A_288 : vector<16xf32>
        %add3A_310 = arith.constant 2 : i32
        %add3A_311 = arith.addi %mul3A_55, %add3A_310 : i32
        %swap3A_312 = arith.index_cast %add3A_311 : i32 to index
        %swap3A_313 = arith.constant 16 : index
        %swap3A_314 = tpu.vector_load %arg10[%swap3A_312, %swap3A_313] {strides = array<i32>} : memref<128x128xf32, #tpu.memory_space<vmem>>, vector<1x16xf32>,
        %swap3A_315 = vector.shape_cast %swap3A_314 : vector<1x16xf32> to vector<16xf32>
        %swap3A_316 = vector.shape_cast %mul3A_309 : vector<16xf32> to vector<1x16xf32>
        tpu.vector_store %arg10[%swap3A_312, %swap3A_313], %swap3A_316 {strides = array<i32>} : memref<128x128xf32, #tpu.memory_space<vmem>>, vector<1x16xf32>,
        %add3A_317 = arith.constant 2 : i32
        %add3A_318 = arith.addi %mul3A_55, %add3A_317 : i32
        %get3A_319 = arith.index_cast %add3A_318 : i32 to index
        %get3A_320 = arith.constant 32 : index
        %get3A_321 = tpu.vector_load %arg10[%get3A_319, %get3A_320] {strides = array<i32>} : memref<128x128xf32, #tpu.memory_space<vmem>>, vector<1x16xf32>,
        %get3A_322 = vector.shape_cast %get3A_321 : vector<1x16xf32> to vector<16xf32>
        %mul3A_323 = arith.mulf %get3A_322, %gather3A_288 : vector<16xf32>
        %add3A_324 = arith.constant 2 : i32
        %add3A_325 = arith.addi %mul3A_55, %add3A_324 : i32
        %swap3A_326 = arith.index_cast %add3A_325 : i32 to index
        %swap3A_327 = arith.constant 32 : index
        %swap3A_328 = tpu.vector_load %arg10[%swap3A_326, %swap3A_327] {strides = array<i32>} : memref<128x128xf32, #tpu.memory_space<vmem>>, vector<1x16xf32>,
        %swap3A_329 = vector.shape_cast %swap3A_328 : vector<1x16xf32> to vector<16xf32>
        %swap3A_330 = vector.shape_cast %mul3A_323 : vector<16xf32> to vector<1x16xf32>
        tpu.vector_store %arg10[%swap3A_326, %swap3A_327], %swap3A_330 {strides = array<i32>} : memref<128x128xf32, #tpu.memory_space<vmem>>, vector<1x16xf32>,
        %add3A_331 = arith.constant 2 : i32
        %add3A_332 = arith.addi %mul3A_55, %add3A_331 : i32
        %get3A_333 = arith.index_cast %add3A_332 : i32 to index
        %get3A_334 = arith.constant 48 : index
        %get3A_335 = tpu.vector_load %arg10[%get3A_333, %get3A_334] {strides = array<i32>} : memref<128x128xf32, #tpu.memory_space<vmem>>, vector<1x16xf32>,
        %get3A_336 = vector.shape_cast %get3A_335 : vector<1x16xf32> to vector<16xf32>
        %mul3A_337 = arith.mulf %get3A_336, %gather3A_288 : vector<16xf32>
        %add3A_338 = arith.constant 2 : i32
        %add3A_339 = arith.addi %mul3A_55, %add3A_338 : i32
        %swap3A_340 = arith.index_cast %add3A_339 : i32 to index
        %swap3A_341 = arith.constant 48 : index
        %swap3A_342 = tpu.vector_load %arg10[%swap3A_340, %swap3A_341] {strides = array<i32>} : memref<128x128xf32, #tpu.memory_space<vmem>>, vector<1x16xf32>,
        %swap3A_343 = vector.shape_cast %swap3A_342 : vector<1x16xf32> to vector<16xf32>
        %swap3A_344 = vector.shape_cast %mul3A_337 : vector<16xf32> to vector<1x16xf32>
        tpu.vector_store %arg10[%swap3A_340, %swap3A_341], %swap3A_344 {strides = array<i32>} : memref<128x128xf32, #tpu.memory_space<vmem>>, vector<1x16xf32>,
        %add3A_345 = arith.constant 2 : i32
        %add3A_346 = arith.addi %mul3A_55, %add3A_345 : i32
        %get3A_347 = arith.index_cast %add3A_346 : i32 to index
        %get3A_348 = arith.constant 64 : index
        %get3A_349 = tpu.vector_load %arg10[%get3A_347, %get3A_348] {strides = array<i32>} : memref<128x128xf32, #tpu.memory_space<vmem>>, vector<1x16xf32>,
        %get3A_350 = vector.shape_cast %get3A_349 : vector<1x16xf32> to vector<16xf32>
        %mul3A_351 = arith.mulf %get3A_350, %gather3A_288 : vector<16xf32>
        %add3A_352 = arith.constant 2 : i32
        %add3A_353 = arith.addi %mul3A_55, %add3A_352 : i32
        %swap3A_354 = arith.index_cast %add3A_353 : i32 to index
        %swap3A_355 = arith.constant 64 : index
        %swap3A_356 = tpu.vector_load %arg10[%swap3A_354, %swap3A_355] {strides = array<i32>} : memref<128x128xf32, #tpu.memory_space<vmem>>, vector<1x16xf32>,
        %swap3A_357 = vector.shape_cast %swap3A_356 : vector<1x16xf32> to vector<16xf32>
        %swap3A_358 = vector.shape_cast %mul3A_351 : vector<16xf32> to vector<1x16xf32>
        tpu.vector_store %arg10[%swap3A_354, %swap3A_355], %swap3A_358 {strides = array<i32>} : memref<128x128xf32, #tpu.memory_space<vmem>>, vector<1x16xf32>,
        %add3A_359 = arith.constant 2 : i32
        %add3A_360 = arith.addi %mul3A_55, %add3A_359 : i32
        %get3A_361 = arith.index_cast %add3A_360 : i32 to index
        %get3A_362 = arith.constant 80 : index
        %get3A_363 = tpu.vector_load %arg10[%get3A_361, %get3A_362] {strides = array<i32>} : memref<128x128xf32, #tpu.memory_space<vmem>>, vector<1x16xf32>,
        %get3A_364 = vector.shape_cast %get3A_363 : vector<1x16xf32> to vector<16xf32>
        %mul3A_365 = arith.mulf %get3A_364, %gather3A_288 : vector<16xf32>
        %add3A_366 = arith.constant 2 : i32
        %add3A_367 = arith.addi %mul3A_55, %add3A_366 : i32
        %swap3A_368 = arith.index_cast %add3A_367 : i32 to index
        %swap3A_369 = arith.constant 80 : index
        %swap3A_370 = tpu.vector_load %arg10[%swap3A_368, %swap3A_369] {strides = array<i32>} : memref<128x128xf32, #tpu.memory_space<vmem>>, vector<1x16xf32>,
        %swap3A_371 = vector.shape_cast %swap3A_370 : vector<1x16xf32> to vector<16xf32>
        %swap3A_372 = vector.shape_cast %mul3A_365 : vector<16xf32> to vector<1x16xf32>
        tpu.vector_store %arg10[%swap3A_368, %swap3A_369], %swap3A_372 {strides = array<i32>} : memref<128x128xf32, #tpu.memory_space<vmem>>, vector<1x16xf32>,
        %add3A_373 = arith.constant 2 : i32
        %add3A_374 = arith.addi %mul3A_55, %add3A_373 : i32
        %get3A_375 = arith.index_cast %add3A_374 : i32 to index
        %get3A_376 = arith.constant 96 : index
        %get3A_377 = tpu.vector_load %arg10[%get3A_375, %get3A_376] {strides = array<i32>} : memref<128x128xf32, #tpu.memory_space<vmem>>, vector<1x16xf32>,
        %get3A_378 = vector.shape_cast %get3A_377 : vector<1x16xf32> to vector<16xf32>
        %mul3A_379 = arith.mulf %get3A_378, %gather3A_288 : vector<16xf32>
        %add3A_380 = arith.constant 2 : i32
        %add3A_381 = arith.addi %mul3A_55, %add3A_380 : i32
        %swap3A_382 = arith.index_cast %add3A_381 : i32 to index
        %swap3A_383 = arith.constant 96 : index
        %swap3A_384 = tpu.vector_load %arg10[%swap3A_382, %swap3A_383] {strides = array<i32>} : memref<128x128xf32, #tpu.memory_space<vmem>>, vector<1x16xf32>,
        %swap3A_385 = vector.shape_cast %swap3A_384 : vector<1x16xf32> to vector<16xf32>
        %swap3A_386 = vector.shape_cast %mul3A_379 : vector<16xf32> to vector<1x16xf32>
        tpu.vector_store %arg10[%swap3A_382, %swap3A_383], %swap3A_386 {strides = array<i32>} : memref<128x128xf32, #tpu.memory_space<vmem>>, vector<1x16xf32>,
        %add3A_387 = arith.constant 2 : i32
        %add3A_388 = arith.addi %mul3A_55, %add3A_387 : i32
        %get3A_389 = arith.index_cast %add3A_388 : i32 to index
        %get3A_390 = arith.constant 112 : index
        %get3A_391 = tpu.vector_load %arg10[%get3A_389, %get3A_390] {strides = array<i32>} : memref<128x128xf32, #tpu.memory_space<vmem>>, vector<1x16xf32>,
        %get3A_392 = vector.shape_cast %get3A_391 : vector<1x16xf32> to vector<16xf32>
        %mul3A_393 = arith.mulf %get3A_392, %gather3A_288 : vector<16xf32>
        %add3A_394 = arith.constant 2 : i32
        %add3A_395 = arith.addi %mul3A_55, %add3A_394 : i32
        %swap3A_396 = arith.index_cast %add3A_395 : i32 to index
        %swap3A_397 = arith.constant 112 : index
        %swap3A_398 = tpu.vector_load %arg10[%swap3A_396, %swap3A_397] {strides = array<i32>} : memref<128x128xf32, #tpu.memory_space<vmem>>, vector<1x16xf32>,
        %swap3A_399 = vector.shape_cast %swap3A_398 : vector<1x16xf32> to vector<16xf32>
        %swap3A_400 = vector.shape_cast %mul3A_393 : vector<16xf32> to vector<1x16xf32>
        tpu.vector_store %arg10[%swap3A_396, %swap3A_397], %swap3A_400 {strides = array<i32>} : memref<128x128xf32, #tpu.memory_space<vmem>>, vector<1x16xf32>,
        %broadcast_in_dim3A_401 = arith.constant 3 : i32
        %broadcast_in_dim3A_402 = vector.broadcast %broadcast_in_dim3A_401 : i32 to vector<16x1xi32>
        %gather3A_403 = vector.shape_cast %broadcast_in_dim3A_402 : vector<16x1xi32> to vector<16xi32>
        %gather3A_404 = tpu.dynamic_gather %get3A_53[%gather3A_403] in [0] : vector<16xf32>, vector<16xi32> -> vector<16xf32>
        %add3A_405 = arith.constant 3 : i32
        %add3A_406 = arith.addi %mul3A_55, %add3A_405 : i32
        %get3A_407 = arith.index_cast %add3A_406 : i32 to index
        %get3A_408 = arith.constant 0 : index
        %get3A_409 = tpu.vector_load %arg10[%get3A_407, %get3A_408] {strides = array<i32>} : memref<128x128xf32, #tpu.memory_space<vmem>>, vector<1x16xf32>,
        %get3A_410 = vector.shape_cast %get3A_409 : vector<1x16xf32> to vector<16xf32>
        %mul3A_411 = arith.mulf %get3A_410, %gather3A_404 : vector<16xf32>
        %add3A_412 = arith.constant 3 : i32
        %add3A_413 = arith.addi %mul3A_55, %add3A_412 : i32
        %swap3A_414 = arith.index_cast %add3A_413 : i32 to index
        %swap3A_415 = arith.constant 0 : index
        %swap3A_416 = tpu.vector_load %arg10[%swap3A_414, %swap3A_415] {strides = array<i32>} : memref<128x128xf32, #tpu.memory_space<vmem>>, vector<1x16xf32>,
        %swap3A_417 = vector.shape_cast %swap3A_416 : vector<1x16xf32> to vector<16xf32>
        %swap3A_418 = vector.shape_cast %mul3A_411 : vector<16xf32> to vector<1x16xf32>
        tpu.vector_store %arg10[%swap3A_414, %swap3A_415], %swap3A_418 {strides = array<i32>} : memref<128x128xf32, #tpu.memory_space<vmem>>, vector<1x16xf32>,
        %add3A_419 = arith.constant 3 : i32
        %add3A_420 = arith.addi %mul3A_55, %add3A_419 : i32
        %get3A_421 = arith.index_cast %add3A_420 : i32 to index
        %get3A_422 = arith.constant 16 : index
        %get3A_423 = tpu.vector_load %arg10[%get3A_421, %get3A_422] {strides = array<i32>} : memref<128x128xf32, #tpu.memory_space<vmem>>, vector<1x16xf32>,
        %get3A_424 = vector.shape_cast %get3A_423 : vector<1x16xf32> to vector<16xf32>
        %mul3A_425 = arith.mulf %get3A_424, %gather3A_404 : vector<16xf32>
        %add3A_426 = arith.constant 3 : i32
        %add3A_427 = arith.addi %mul3A_55, %add3A_426 : i32
        %swap3A_428 = arith.index_cast %add3A_427 : i32 to index
        %swap3A_429 = arith.constant 16 : index
        %swap3A_430 = tpu.vector_load %arg10[%swap3A_428, %swap3A_429] {strides = array<i32>} : memref<128x128xf32, #tpu.memory_space<vmem>>, vector<1x16xf32>,
        %swap3A_431 = vector.shape_cast %swap3A_430 : vector<1x16xf32> to vector<16xf32>
        %swap3A_432 = vector.shape_cast %mul3A_425 : vector<16xf32> to vector<1x16xf32>
        tpu.vector_store %arg10[%swap3A_428, %swap3A_429], %swap3A_432 {strides = array<i32>} : memref<128x128xf32, #tpu.memory_space<vmem>>, vector<1x16xf32>,
        %add3A_433 = arith.constant 3 : i32
        %add3A_434 = arith.addi %mul3A_55, %add3A_433 : i32
        %get3A_435 = arith.index_cast %add3A_434 : i32 to index
        %get3A_436 = arith.constant 32 : index
        %get3A_437 = tpu.vector_load %arg10[%get3A_435, %get3A_436] {strides = array<i32>} : memref<128x128xf32, #tpu.memory_space<vmem>>, vector<1x16xf32>,
        %get3A_438 = vector.shape_cast %get3A_437 : vector<1x16xf32> to vector<16xf32>
        %mul3A_439 = arith.mulf %get3A_438, %gather3A_404 : vector<16xf32>
        %add3A_440 = arith.constant 3 : i32
        %add3A_441 = arith.addi %mul3A_55, %add3A_440 : i32
        %swap3A_442 = arith.index_cast %add3A_441 : i32 to index
        %swap3A_443 = arith.constant 32 : index
        %swap3A_444 = tpu.vector_load %arg10[%swap3A_442, %swap3A_443] {strides = array<i32>} : memref<128x128xf32, #tpu.memory_space<vmem>>, vector<1x16xf32>,
        %swap3A_445 = vector.shape_cast %swap3A_444 : vector<1x16xf32> to vector<16xf32>
        %swap3A_446 = vector.shape_cast %mul3A_439 : vector<16xf32> to vector<1x16xf32>
        tpu.vector_store %arg10[%swap3A_442, %swap3A_443], %swap3A_446 {strides = array<i32>} : memref<128x128xf32, #tpu.memory_space<vmem>>, vector<1x16xf32>,
        %add3A_447 = arith.constant 3 : i32
        %add3A_448 = arith.addi %mul3A_55, %add3A_447 : i32
        %get3A_449 = arith.index_cast %add3A_448 : i32 to index
        %get3A_450 = arith.constant 48 : index
        %get3A_451 = tpu.vector_load %arg10[%get3A_449, %get3A_450] {strides = array<i32>} : memref<128x128xf32, #tpu.memory_space<vmem>>, vector<1x16xf32>,
        %get3A_452 = vector.shape_cast %get3A_451 : vector<1x16xf32> to vector<16xf32>
        %mul3A_453 = arith.mulf %get3A_452, %gather3A_404 : vector<16xf32>
        %add3A_454 = arith.constant 3 : i32
        %add3A_455 = arith.addi %mul3A_55, %add3A_454 : i32
        %swap3A_456 = arith.index_cast %add3A_455 : i32 to index
        %swap3A_457 = arith.constant 48 : index
        %swap3A_458 = tpu.vector_load %arg10[%swap3A_456, %swap3A_457] {strides = array<i32>} : memref<128x128xf32, #tpu.memory_space<vmem>>, vector<1x16xf32>,
        %swap3A_459 = vector.shape_cast %swap3A_458 : vector<1x16xf32> to vector<16xf32>
        %swap3A_460 = vector.shape_cast %mul3A_453 : vector<16xf32> to vector<1x16xf32>
        tpu.vector_store %arg10[%swap3A_456, %swap3A_457], %swap3A_460 {strides = array<i32>} : memref<128x128xf32, #tpu.memory_space<vmem>>, vector<1x16xf32>,
        %add3A_461 = arith.constant 3 : i32
        %add3A_462 = arith.addi %mul3A_55, %add3A_461 : i32
        %get3A_463 = arith.index_cast %add3A_462 : i32 to index
        %get3A_464 = arith.constant 64 : index
        %get3A_465 = tpu.vector_load %arg10[%get3A_463, %get3A_464] {strides = array<i32>} : memref<128x128xf32, #tpu.memory_space<vmem>>, vector<1x16xf32>,
        %get3A_466 = vector.shape_cast %get3A_465 : vector<1x16xf32> to vector<16xf32>
        %mul3A_467 = arith.mulf %get3A_466, %gather3A_404 : vector<16xf32>
        %add3A_468 = arith.constant 3 : i32
        %add3A_469 = arith.addi %mul3A_55, %add3A_468 : i32
        %swap3A_470 = arith.index_cast %add3A_469 : i32 to index
        %swap3A_471 = arith.constant 64 : index
        %swap3A_472 = tpu.vector_load %arg10[%swap3A_470, %swap3A_471] {strides = array<i32>} : memref<128x128xf32, #tpu.memory_space<vmem>>, vector<1x16xf32>,
        %swap3A_473 = vector.shape_cast %swap3A_472 : vector<1x16xf32> to vector<16xf32>
        %swap3A_474 = vector.shape_cast %mul3A_467 : vector<16xf32> to vector<1x16xf32>
        tpu.vector_store %arg10[%swap3A_470, %swap3A_471], %swap3A_474 {strides = array<i32>} : memref<128x128xf32, #tpu.memory_space<vmem>>, vector<1x16xf32>,
        %add3A_475 = arith.constant 3 : i32
        %add3A_476 = arith.addi %mul3A_55, %add3A_475 : i32
        %get3A_477 = arith.index_cast %add3A_476 : i32 to index
        %get3A_478 = arith.constant 80 : index
        %get3A_479 = tpu.vector_load %arg10[%get3A_477, %get3A_478] {strides = array<i32>} : memref<128x128xf32, #tpu.memory_space<vmem>>, vector<1x16xf32>,
        %get3A_480 = vector.shape_cast %get3A_479 : vector<1x16xf32> to vector<16xf32>
        %mul3A_481 = arith.mulf %get3A_480, %gather3A_404 : vector<16xf32>
        %add3A_482 = arith.constant 3 : i32
        %add3A_483 = arith.addi %mul3A_55, %add3A_482 : i32
        %swap3A_484 = arith.index_cast %add3A_483 : i32 to index
        %swap3A_485 = arith.constant 80 : index
        %swap3A_486 = tpu.vector_load %arg10[%swap3A_484, %swap3A_485] {strides = array<i32>} : memref<128x128xf32, #tpu.memory_space<vmem>>, vector<1x16xf32>,
        %swap3A_487 = vector.shape_cast %swap3A_486 : vector<1x16xf32> to vector<16xf32>
        %swap3A_488 = vector.shape_cast %mul3A_481 : vector<16xf32> to vector<1x16xf32>
        tpu.vector_store %arg10[%swap3A_484, %swap3A_485], %swap3A_488 {strides = array<i32>} : memref<128x128xf32, #tpu.memory_space<vmem>>, vector<1x16xf32>,
        %add3A_489 = arith.constant 3 : i32
        %add3A_490 = arith.addi %mul3A_55, %add3A_489 : i32
        %get3A_491 = arith.index_cast %add3A_490 : i32 to index
        %get3A_492 = arith.constant 96 : index
        %get3A_493 = tpu.vector_load %arg10[%get3A_491, %get3A_492] {strides = array<i32>} : memref<128x128xf32, #tpu.memory_space<vmem>>, vector<1x16xf32>,
        %get3A_494 = vector.shape_cast %get3A_493 : vector<1x16xf32> to vector<16xf32>
        %mul3A_495 = arith.mulf %get3A_494, %gather3A_404 : vector<16xf32>
        %add3A_496 = arith.constant 3 : i32
        %add3A_497 = arith.addi %mul3A_55, %add3A_496 : i32
        %swap3A_498 = arith.index_cast %add3A_497 : i32 to index
        %swap3A_499 = arith.constant 96 : index
        %swap3A_500 = tpu.vector_load %arg10[%swap3A_498, %swap3A_499] {strides = array<i32>} : memref<128x128xf32, #tpu.memory_space<vmem>>, vector<1x16xf32>,
        %swap3A_501 = vector.shape_cast %swap3A_500 : vector<1x16xf32> to vector<16xf32>
        %swap3A_502 = vector.shape_cast %mul3A_495 : vector<16xf32> to vector<1x16xf32>
        tpu.vector_store %arg10[%swap3A_498, %swap3A_499], %swap3A_502 {strides = array<i32>} : memref<128x128xf32, #tpu.memory_space<vmem>>, vector<1x16xf32>,
        %add3A_503 = arith.constant 3 : i32
        %add3A_504 = arith.addi %mul3A_55, %add3A_503 : i32
        %get3A_505 = arith.index_cast %add3A_504 : i32 to index
        %get3A_506 = arith.constant 112 : index
        %get3A_507 = tpu.vector_load %arg10[%get3A_505, %get3A_506] {strides = array<i32>} : memref<128x128xf32, #tpu.memory_space<vmem>>, vector<1x16xf32>,
        %get3A_508 = vector.shape_cast %get3A_507 : vector<1x16xf32> to vector<16xf32>
        %mul3A_509 = arith.mulf %get3A_508, %gather3A_404 : vector<16xf32>
        %add3A_510 = arith.constant 3 : i32
        %add3A_511 = arith.addi %mul3A_55, %add3A_510 : i32
        %swap3A_512 = arith.index_cast %add3A_511 : i32 to index
        %swap3A_513 = arith.constant 112 : index
        %swap3A_514 = tpu.vector_load %arg10[%swap3A_512, %swap3A_513] {strides = array<i32>} : memref<128x128xf32, #tpu.memory_space<vmem>>, vector<1x16xf32>,
        %swap3A_515 = vector.shape_cast %swap3A_514 : vector<1x16xf32> to vector<16xf32>
        %swap3A_516 = vector.shape_cast %mul3A_509 : vector<16xf32> to vector<1x16xf32>
        tpu.vector_store %arg10[%swap3A_512, %swap3A_513], %swap3A_516 {strides = array<i32>} : memref<128x128xf32, #tpu.memory_space<vmem>>, vector<1x16xf32>,
        %broadcast_in_dim3A_517 = arith.constant 4 : i32
        %broadcast_in_dim3A_518 = vector.broadcast %broadcast_in_dim3A_517 : i32 to vector<16x1xi32>
        %gather3A_519 = vector.shape_cast %broadcast_in_dim3A_518 : vector<16x1xi32> to vector<16xi32>
        %gather3A_520 = tpu.dynamic_gather %get3A_53[%gather3A_519] in [0] : vector<16xf32>, vector<16xi32> -> vector<16xf32>
        %add3A_521 = arith.constant 4 : i32
        %add3A_522 = arith.addi %mul3A_55, %add3A_521 : i32
        %get3A_523 = arith.index_cast %add3A_522 : i32 to index
        %get3A_524 = arith.constant 0 : index
        %get3A_525 = tpu.vector_load %arg10[%get3A_523, %get3A_524] {strides = array<i32>} : memref<128x128xf32, #tpu.memory_space<vmem>>, vector<1x16xf32>,
        %get3A_526 = vector.shape_cast %get3A_525 : vector<1x16xf32> to vector<16xf32>
        %mul3A_527 = arith.mulf %get3A_526, %gather3A_520 : vector<16xf32>
        %add3A_528 = arith.constant 4 : i32
        %add3A_529 = arith.addi %mul3A_55, %add3A_528 : i32
        %swap3A_530 = arith.index_cast %add3A_529 : i32 to index
        %swap3A_531 = arith.constant 0 : index
        %swap3A_532 = tpu.vector_load %arg10[%swap3A_530, %swap3A_531] {strides = array<i32>} : memref<128x128xf32, #tpu.memory_space<vmem>>, vector<1x16xf32>,
        %swap3A_533 = vector.shape_cast %swap3A_532 : vector<1x16xf32> to vector<16xf32>
        %swap3A_534 = vector.shape_cast %mul3A_527 : vector<16xf32> to vector<1x16xf32>
        tpu.vector_store %arg10[%swap3A_530, %swap3A_531], %swap3A_534 {strides = array<i32>} : memref<128x128xf32, #tpu.memory_space<vmem>>, vector<1x16xf32>,
        %add3A_535 = arith.constant 4 : i32
        %add3A_536 = arith.addi %mul3A_55, %add3A_535 : i32
        %get3A_537 = arith.index_cast %add3A_536 : i32 to index
        %get3A_538 = arith.constant 16 : index
        %get3A_539 = tpu.vector_load %arg10[%get3A_537, %get3A_538] {strides = array<i32>} : memref<128x128xf32, #tpu.memory_space<vmem>>, vector<1x16xf32>,
        %get3A_540 = vector.shape_cast %get3A_539 : vector<1x16xf32> to vector<16xf32>
        %mul3A_541 = arith.mulf %get3A_540, %gather3A_520 : vector<16xf32>
        %add3A_542 = arith.constant 4 : i32
        %add3A_543 = arith.addi %mul3A_55, %add3A_542 : i32
        %swap3A_544 = arith.index_cast %add3A_543 : i32 to index
        %swap3A_545 = arith.constant 16 : index
        %swap3A_546 = tpu.vector_load %arg10[%swap3A_544, %swap3A_545] {strides = array<i32>} : memref<128x128xf32, #tpu.memory_space<vmem>>, vector<1x16xf32>,
        %swap3A_547 = vector.shape_cast %swap3A_546 : vector<1x16xf32> to vector<16xf32>
        %swap3A_548 = vector.shape_cast %mul3A_541 : vector<16xf32> to vector<1x16xf32>
        tpu.vector_store %arg10[%swap3A_544, %swap3A_545], %swap3A_548 {strides = array<i32>} : memref<128x128xf32, #tpu.memory_space<vmem>>, vector<1x16xf32>,
        %add3A_549 = arith.constant 4 : i32
        %add3A_550 = arith.addi %mul3A_55, %add3A_549 : i32
        %get3A_551 = arith.index_cast %add3A_550 : i32 to index
        %get3A_552 = arith.constant 32 : index
        %get3A_553 = tpu.vector_load %arg10[%get3A_551, %get3A_552] {strides = array<i32>} : memref<128x128xf32, #tpu.memory_space<vmem>>, vector<1x16xf32>,
        %get3A_554 = vector.shape_cast %get3A_553 : vector<1x16xf32> to vector<16xf32>
        %mul3A_555 = arith.mulf %get3A_554, %gather3A_520 : vector<16xf32>
        %add3A_556 = arith.constant 4 : i32
        %add3A_557 = arith.addi %mul3A_55, %add3A_556 : i32
        %swap3A_558 = arith.index_cast %add3A_557 : i32 to index
        %swap3A_559 = arith.constant 32 : index
        %swap3A_560 = tpu.vector_load %arg10[%swap3A_558, %swap3A_559] {strides = array<i32>} : memref<128x128xf32, #tpu.memory_space<vmem>>, vector<1x16xf32>,
        %swap3A_561 = vector.shape_cast %swap3A_560 : vector<1x16xf32> to vector<16xf32>
        %swap3A_562 = vector.shape_cast %mul3A_555 : vector<16xf32> to vector<1x16xf32>
        tpu.vector_store %arg10[%swap3A_558, %swap3A_559], %swap3A_562 {strides = array<i32>} : memref<128x128xf32, #tpu.memory_space<vmem>>, vector<1x16xf32>,
        %add3A_563 = arith.constant 4 : i32
        %add3A_564 = arith.addi %mul3A_55, %add3A_563 : i32
        %get3A_565 = arith.index_cast %add3A_564 : i32 to index
        %get3A_566 = arith.constant 48 : index
        %get3A_567 = tpu.vector_load %arg10[%get3A_565, %get3A_566] {strides = array<i32>} : memref<128x128xf32, #tpu.memory_space<vmem>>, vector<1x16xf32>,
        %get3A_568 = vector.shape_cast %get3A_567 : vector<1x16xf32> to vector<16xf32>
        %mul3A_569 = arith.mulf %get3A_568, %gather3A_520 : vector<16xf32>
        %add3A_570 = arith.constant 4 : i32
        %add3A_571 = arith.addi %mul3A_55, %add3A_570 : i32
        %swap3A_572 = arith.index_cast %add3A_571 : i32 to index
        %swap3A_573 = arith.constant 48 : index
        %swap3A_574 = tpu.vector_load %arg10[%swap3A_572, %swap3A_573] {strides = array<i32>} : memref<128x128xf32, #tpu.memory_space<vmem>>, vector<1x16xf32>,
        %swap3A_575 = vector.shape_cast %swap3A_574 : vector<1x16xf32> to vector<16xf32>
        %swap3A_576 = vector.shape_cast %mul3A_569 : vector<16xf32> to vector<1x16xf32>
        tpu.vector_store %arg10[%swap3A_572, %swap3A_573], %swap3A_576 {strides = array<i32>} : memref<128x128xf32, #tpu.memory_space<vmem>>, vector<1x16xf32>,
        %add3A_577 = arith.constant 4 : i32
        %add3A_578 = arith.addi %mul3A_55, %add3A_577 : i32
        %get3A_579 = arith.index_cast %add3A_578 : i32 to index
        %get3A_580 = arith.constant 64 : index
        %get3A_581 = tpu.vector_load %arg10[%get3A_579, %get3A_580] {strides = array<i32>} : memref<128x128xf32, #tpu.memory_space<vmem>>, vector<1x16xf32>,
        %get3A_582 = vector.shape_cast %get3A_581 : vector<1x16xf32> to vector<16xf32>
        %mul3A_583 = arith.mulf %get3A_582, %gather3A_520 : vector<16xf32>
        %add3A_584 = arith.constant 4 : i32
        %add3A_585 = arith.addi %mul3A_55, %add3A_584 : i32
        %swap3A_586 = arith.index_cast %add3A_585 : i32 to index
        %swap3A_587 = arith.constant 64 : index
        %swap3A_588 = tpu.vector_load %arg10[%swap3A_586, %swap3A_587] {strides = array<i32>} : memref<128x128xf32, #tpu.memory_space<vmem>>, vector<1x16xf32>,
        %swap3A_589 = vector.shape_cast %swap3A_588 : vector<1x16xf32> to vector<16xf32>
        %swap3A_590 = vector.shape_cast %mul3A_583 : vector<16xf32> to vector<1x16xf32>
        tpu.vector_store %arg10[%swap3A_586, %swap3A_587], %swap3A_590 {strides = array<i32>} : memref<128x128xf32, #tpu.memory_space<vmem>>, vector<1x16xf32>,
        %add3A_591 = arith.constant 4 : i32
        %add3A_592 = arith.addi %mul3A_55, %add3A_591 : i32
        %get3A_593 = arith.index_cast %add3A_592 : i32 to index
        %get3A_594 = arith.constant 80 : index
        %get3A_595 = tpu.vector_load %arg10[%get3A_593, %get3A_594] {strides = array<i32>} : memref<128x128xf32, #tpu.memory_space<vmem>>, vector<1x16xf32>,
        %get3A_596 = vector.shape_cast %get3A_595 : vector<1x16xf32> to vector<16xf32>
        %mul3A_597 = arith.mulf %get3A_596, %gather3A_520 : vector<16xf32>
        %add3A_598 = arith.constant 4 : i32
        %add3A_599 = arith.addi %mul3A_55, %add3A_598 : i32
        %swap3A_600 = arith.index_cast %add3A_599 : i32 to index
        %swap3A_601 = arith.constant 80 : index
        %swap3A_602 = tpu.vector_load %arg10[%swap3A_600, %swap3A_601] {strides = array<i32>} : memref<128x128xf32, #tpu.memory_space<vmem>>, vector<1x16xf32>,
        %swap3A_603 = vector.shape_cast %swap3A_602 : vector<1x16xf32> to vector<16xf32>
        %swap3A_604 = vector.shape_cast %mul3A_597 : vector<16xf32> to vector<1x16xf32>
        tpu.vector_store %arg10[%swap3A_600, %swap3A_601], %swap3A_604 {strides = array<i32>} : memref<128x128xf32, #tpu.memory_space<vmem>>, vector<1x16xf32>,
        %add3A_605 = arith.constant 4 : i32
        %add3A_606 = arith.addi %mul3A_55, %add3A_605 : i32
        %get3A_607 = arith.index_cast %add3A_606 : i32 to index
        %get3A_608 = arith.constant 96 : index
        %get3A_609 = tpu.vector_load %arg10[%get3A_607, %get3A_608] {strides = array<i32>} : memref<128x128xf32, #tpu.memory_space<vmem>>, vector<1x16xf32>,
        %get3A_610 = vector.shape_cast %get3A_609 : vector<1x16xf32> to vector<16xf32>
        %mul3A_611 = arith.mulf %get3A_610, %gather3A_520 : vector<16xf32>
        %add3A_612 = arith.constant 4 : i32
        %add3A_613 = arith.addi %mul3A_55, %add3A_612 : i32
        %swap3A_614 = arith.index_cast %add3A_613 : i32 to index
        %swap3A_615 = arith.constant 96 : index
        %swap3A_616 = tpu.vector_load %arg10[%swap3A_614, %swap3A_615] {strides = array<i32>} : memref<128x128xf32, #tpu.memory_space<vmem>>, vector<1x16xf32>,
        %swap3A_617 = vector.shape_cast %swap3A_616 : vector<1x16xf32> to vector<16xf32>
        %swap3A_618 = vector.shape_cast %mul3A_611 : vector<16xf32> to vector<1x16xf32>
        tpu.vector_store %arg10[%swap3A_614, %swap3A_615], %swap3A_618 {strides = array<i32>} : memref<128x128xf32, #tpu.memory_space<vmem>>, vector<1x16xf32>,
        %add3A_619 = arith.constant 4 : i32
        %add3A_620 = arith.addi %mul3A_55, %add3A_619 : i32
        %get3A_621 = arith.index_cast %add3A_620 : i32 to index
        %get3A_622 = arith.constant 112 : index
        %get3A_623 = tpu.vector_load %arg10[%get3A_621, %get3A_622] {strides = array<i32>} : memref<128x128xf32, #tpu.memory_space<vmem>>, vector<1x16xf32>,
        %get3A_624 = vector.shape_cast %get3A_623 : vector<1x16xf32> to vector<16xf32>
        %mul3A_625 = arith.mulf %get3A_624, %gather3A_520 : vector<16xf32>
        %add3A_626 = arith.constant 4 : i32
        %add3A_627 = arith.addi %mul3A_55, %add3A_626 : i32
        %swap3A_628 = arith.index_cast %add3A_627 : i32 to index
        %swap3A_629 = arith.constant 112 : index
        %swap3A_630 = tpu.vector_load %arg10[%swap3A_628, %swap3A_629] {strides = array<i32>} : memref<128x128xf32, #tpu.memory_space<vmem>>, vector<1x16xf32>,
        %swap3A_631 = vector.shape_cast %swap3A_630 : vector<1x16xf32> to vector<16xf32>
        %swap3A_632 = vector.shape_cast %mul3A_625 : vector<16xf32> to vector<1x16xf32>
        tpu.vector_store %arg10[%swap3A_628, %swap3A_629], %swap3A_632 {strides = array<i32>} : memref<128x128xf32, #tpu.memory_space<vmem>>, vector<1x16xf32>,
        %broadcast_in_dim3A_633 = arith.constant 5 : i32
        %broadcast_in_dim3A_634 = vector.broadcast %broadcast_in_dim3A_633 : i32 to vector<16x1xi32>
        %gather3A_635 = vector.shape_cast %broadcast_in_dim3A_634 : vector<16x1xi32> to vector<16xi32>
        %gather3A_636 = tpu.dynamic_gather %get3A_53[%gather3A_635] in [0] : vector<16xf32>, vector<16xi32> -> vector<16xf32>
        %add3A_637 = arith.constant 5 : i32
        %add3A_638 = arith.addi %mul3A_55, %add3A_637 : i32
        %get3A_639 = arith.index_cast %add3A_638 : i32 to index
        %get3A_640 = arith.constant 0 : index
        %get3A_641 = tpu.vector_load %arg10[%get3A_639, %get3A_640] {strides = array<i32>} : memref<128x128xf32, #tpu.memory_space<vmem>>, vector<1x16xf32>,
        %get3A_642 = vector.shape_cast %get3A_641 : vector<1x16xf32> to vector<16xf32>
        %mul3A_643 = arith.mulf %get3A_642, %gather3A_636 : vector<16xf32>
        %add3A_644 = arith.constant 5 : i32
        %add3A_645 = arith.addi %mul3A_55, %add3A_644 : i32
        %swap3A_646 = arith.index_cast %add3A_645 : i32 to index
        %swap3A_647 = arith.constant 0 : index
        %swap3A_648 = tpu.vector_load %arg10[%swap3A_646, %swap3A_647] {strides = array<i32>} : memref<128x128xf32, #tpu.memory_space<vmem>>, vector<1x16xf32>,
        %swap3A_649 = vector.shape_cast %swap3A_648 : vector<1x16xf32> to vector<16xf32>
        %swap3A_650 = vector.shape_cast %mul3A_643 : vector<16xf32> to vector<1x16xf32>
        tpu.vector_store %arg10[%swap3A_646, %swap3A_647], %swap3A_650 {strides = array<i32>} : memref<128x128xf32, #tpu.memory_space<vmem>>, vector<1x16xf32>,
        %add3A_651 = arith.constant 5 : i32
        %add3A_652 = arith.addi %mul3A_55, %add3A_651 : i32
        %get3A_653 = arith.index_cast %add3A_652 : i32 to index
        %get3A_654 = arith.constant 16 : index
        %get3A_655 = tpu.vector_load %arg10[%get3A_653, %get3A_654] {strides = array<i32>} : memref<128x128xf32, #tpu.memory_space<vmem>>, vector<1x16xf32>,
        %get3A_656 = vector.shape_cast %get3A_655 : vector<1x16xf32> to vector<16xf32>
        %mul3A_657 = arith.mulf %get3A_656, %gather3A_636 : vector<16xf32>
        %add3A_658 = arith.constant 5 : i32
        %add3A_659 = arith.addi %mul3A_55, %add3A_658 : i32
        %swap3A_660 = arith.index_cast %add3A_659 : i32 to index
        %swap3A_661 = arith.constant 16 : index
        %swap3A_662 = tpu.vector_load %arg10[%swap3A_660, %swap3A_661] {strides = array<i32>} : memref<128x128xf32, #tpu.memory_space<vmem>>, vector<1x16xf32>,
        %swap3A_663 = vector.shape_cast %swap3A_662 : vector<1x16xf32> to vector<16xf32>
        %swap3A_664 = vector.shape_cast %mul3A_657 : vector<16xf32> to vector<1x16xf32>
        tpu.vector_store %arg10[%swap3A_660, %swap3A_661], %swap3A_664 {strides = array<i32>} : memref<128x128xf32, #tpu.memory_space<vmem>>, vector<1x16xf32>,
        %add3A_665 = arith.constant 5 : i32
        %add3A_666 = arith.addi %mul3A_55, %add3A_665 : i32
        %get3A_667 = arith.index_cast %add3A_666 : i32 to index
        %get3A_668 = arith.constant 32 : index
        %get3A_669 = tpu.vector_load %arg10[%get3A_667, %get3A_668] {strides = array<i32>} : memref<128x128xf32, #tpu.memory_space<vmem>>, vector<1x16xf32>,
        %get3A_670 = vector.shape_cast %get3A_669 : vector<1x16xf32> to vector<16xf32>
        %mul3A_671 = arith.mulf %get3A_670, %gather3A_636 : vector<16xf32>
        %add3A_672 = arith.constant 5 : i32
        %add3A_673 = arith.addi %mul3A_55, %add3A_672 : i32
        %swap3A_674 = arith.index_cast %add3A_673 : i32 to index
        %swap3A_675 = arith.constant 32 : index
        %swap3A_676 = tpu.vector_load %arg10[%swap3A_674, %swap3A_675] {strides = array<i32>} : memref<128x128xf32, #tpu.memory_space<vmem>>, vector<1x16xf32>,
        %swap3A_677 = vector.shape_cast %swap3A_676 : vector<1x16xf32> to vector<16xf32>
        %swap3A_678 = vector.shape_cast %mul3A_671 : vector<16xf32> to vector<1x16xf32>
        tpu.vector_store %arg10[%swap3A_674, %swap3A_675], %swap3A_678 {strides = array<i32>} : memref<128x128xf32, #tpu.memory_space<vmem>>, vector<1x16xf32>,
        %add3A_679 = arith.constant 5 : i32
        %add3A_680 = arith.addi %mul3A_55, %add3A_679 : i32
        %get3A_681 = arith.index_cast %add3A_680 : i32 to index
        %get3A_682 = arith.constant 48 : index
        %get3A_683 = tpu.vector_load %arg10[%get3A_681, %get3A_682] {strides = array<i32>} : memref<128x128xf32, #tpu.memory_space<vmem>>, vector<1x16xf32>,
        %get3A_684 = vector.shape_cast %get3A_683 : vector<1x16xf32> to vector<16xf32>
        %mul3A_685 = arith.mulf %get3A_684, %gather3A_636 : vector<16xf32>
        %add3A_686 = arith.constant 5 : i32
        %add3A_687 = arith.addi %mul3A_55, %add3A_686 : i32
        %swap3A_688 = arith.index_cast %add3A_687 : i32 to index
        %swap3A_689 = arith.constant 48 : index
        %swap3A_690 = tpu.vector_load %arg10[%swap3A_688, %swap3A_689] {strides = array<i32>} : memref<128x128xf32, #tpu.memory_space<vmem>>, vector<1x16xf32>,
        %swap3A_691 = vector.shape_cast %swap3A_690 : vector<1x16xf32> to vector<16xf32>
        %swap3A_692 = vector.shape_cast %mul3A_685 : vector<16xf32> to vector<1x16xf32>
        tpu.vector_store %arg10[%swap3A_688, %swap3A_689], %swap3A_692 {strides = array<i32>} : memref<128x128xf32, #tpu.memory_space<vmem>>, vector<1x16xf32>,
        %add3A_693 = arith.constant 5 : i32
        %add3A_694 = arith.addi %mul3A_55, %add3A_693 : i32
        %get3A_695 = arith.index_cast %add3A_694 : i32 to index
        %get3A_696 = arith.constant 64 : index
        %get3A_697 = tpu.vector_load %arg10[%get3A_695, %get3A_696] {strides = array<i32>} : memref<128x128xf32, #tpu.memory_space<vmem>>, vector<1x16xf32>,
        %get3A_698 = vector.shape_cast %get3A_697 : vector<1x16xf32> to vector<16xf32>
        %mul3A_699 = arith.mulf %get3A_698, %gather3A_636 : vector<16xf32>
        %add3A_700 = arith.constant 5 : i32
        %add3A_701 = arith.addi %mul3A_55, %add3A_700 : i32
        %swap3A_702 = arith.index_cast %add3A_701 : i32 to index
        %swap3A_703 = arith.constant 64 : index
        %swap3A_704 = tpu.vector_load %arg10[%swap3A_702, %swap3A_703] {strides = array<i32>} : memref<128x128xf32, #tpu.memory_space<vmem>>, vector<1x16xf32>,
        %swap3A_705 = vector.shape_cast %swap3A_704 : vector<1x16xf32> to vector<16xf32>
        %swap3A_706 = vector.shape_cast %mul3A_699 : vector<16xf32> to vector<1x16xf32>
        tpu.vector_store %arg10[%swap3A_702, %swap3A_703], %swap3A_706 {strides = array<i32>} : memref<128x128xf32, #tpu.memory_space<vmem>>, vector<1x16xf32>,
        %add3A_707 = arith.constant 5 : i32
        %add3A_708 = arith.addi %mul3A_55, %add3A_707 : i32
        %get3A_709 = arith.index_cast %add3A_708 : i32 to index
        %get3A_710 = arith.constant 80 : index
        %get3A_711 = tpu.vector_load %arg10[%get3A_709, %get3A_710] {strides = array<i32>} : memref<128x128xf32, #tpu.memory_space<vmem>>, vector<1x16xf32>,
        %get3A_712 = vector.shape_cast %get3A_711 : vector<1x16xf32> to vector<16xf32>
        %mul3A_713 = arith.mulf %get3A_712, %gather3A_636 : vector<16xf32>
        %add3A_714 = arith.constant 5 : i32
        %add3A_715 = arith.addi %mul3A_55, %add3A_714 : i32
        %swap3A_716 = arith.index_cast %add3A_715 : i32 to index
        %swap3A_717 = arith.constant 80 : index
        %swap3A_718 = tpu.vector_load %arg10[%swap3A_716, %swap3A_717] {strides = array<i32>} : memref<128x128xf32, #tpu.memory_space<vmem>>, vector<1x16xf32>,
        %swap3A_719 = vector.shape_cast %swap3A_718 : vector<1x16xf32> to vector<16xf32>
        %swap3A_720 = vector.shape_cast %mul3A_713 : vector<16xf32> to vector<1x16xf32>
        tpu.vector_store %arg10[%swap3A_716, %swap3A_717], %swap3A_720 {strides = array<i32>} : memref<128x128xf32, #tpu.memory_space<vmem>>, vector<1x16xf32>,
        %add3A_721 = arith.constant 5 : i32
        %add3A_722 = arith.addi %mul3A_55, %add3A_721 : i32
        %get3A_723 = arith.index_cast %add3A_722 : i32 to index
        %get3A_724 = arith.constant 96 : index
        %get3A_725 = tpu.vector_load %arg10[%get3A_723, %get3A_724] {strides = array<i32>} : memref<128x128xf32, #tpu.memory_space<vmem>>, vector<1x16xf32>,
        %get3A_726 = vector.shape_cast %get3A_725 : vector<1x16xf32> to vector<16xf32>
        %mul3A_727 = arith.mulf %get3A_726, %gather3A_636 : vector<16xf32>
        %add3A_728 = arith.constant 5 : i32
        %add3A_729 = arith.addi %mul3A_55, %add3A_728 : i32
        %swap3A_730 = arith.index_cast %add3A_729 : i32 to index
        %swap3A_731 = arith.constant 96 : index
        %swap3A_732 = tpu.vector_load %arg10[%swap3A_730, %swap3A_731] {strides = array<i32>} : memref<128x128xf32, #tpu.memory_space<vmem>>, vector<1x16xf32>,
        %swap3A_733 = vector.shape_cast %swap3A_732 : vector<1x16xf32> to vector<16xf32>
        %swap3A_734 = vector.shape_cast %mul3A_727 : vector<16xf32> to vector<1x16xf32>
        tpu.vector_store %arg10[%swap3A_730, %swap3A_731], %swap3A_734 {strides = array<i32>} : memref<128x128xf32, #tpu.memory_space<vmem>>, vector<1x16xf32>,
        %add3A_735 = arith.constant 5 : i32
        %add3A_736 = arith.addi %mul3A_55, %add3A_735 : i32
        %get3A_737 = arith.index_cast %add3A_736 : i32 to index
        %get3A_738 = arith.constant 112 : index
        %get3A_739 = tpu.vector_load %arg10[%get3A_737, %get3A_738] {strides = array<i32>} : memref<128x128xf32, #tpu.memory_space<vmem>>, vector<1x16xf32>,
        %get3A_740 = vector.shape_cast %get3A_739 : vector<1x16xf32> to vector<16xf32>
        %mul3A_741 = arith.mulf %get3A_740, %gather3A_636 : vector<16xf32>
        %add3A_742 = arith.constant 5 : i32
        %add3A_743 = arith.addi %mul3A_55, %add3A_742 : i32
        %swap3A_744 = arith.index_cast %add3A_743 : i32 to index
        %swap3A_745 = arith.constant 112 : index
        %swap3A_746 = tpu.vector_load %arg10[%swap3A_744, %swap3A_745] {strides = array<i32>} : memref<128x128xf32, #tpu.memory_space<vmem>>, vector<1x16xf32>,
        %swap3A_747 = vector.shape_cast %swap3A_746 : vector<1x16xf32> to vector<16xf32>
        %swap3A_748 = vector.shape_cast %mul3A_741 : vector<16xf32> to vector<1x16xf32>
        tpu.vector_store %arg10[%swap3A_744, %swap3A_745], %swap3A_748 {strides = array<i32>} : memref<128x128xf32, #tpu.memory_space<vmem>>, vector<1x16xf32>,
        %broadcast_in_dim3A_749 = arith.constant 6 : i32
        %broadcast_in_dim3A_750 = vector.broadcast %broadcast_in_dim3A_749 : i32 to vector<16x1xi32>
        %gather3A_751 = vector.shape_cast %broadcast_in_dim3A_750 : vector<16x1xi32> to vector<16xi32>
        %gather3A_752 = tpu.dynamic_gather %get3A_53[%gather3A_751] in [0] : vector<16xf32>, vector<16xi32> -> vector<16xf32>
        %add3A_753 = arith.constant 6 : i32
        %add3A_754 = arith.addi %mul3A_55, %add3A_753 : i32
        %get3A_755 = arith.index_cast %add3A_754 : i32 to index
        %get3A_756 = arith.constant 0 : index
        %get3A_757 = tpu.vector_load %arg10[%get3A_755, %get3A_756] {strides = array<i32>} : memref<128x128xf32, #tpu.memory_space<vmem>>, vector<1x16xf32>,
        %get3A_758 = vector.shape_cast %get3A_757 : vector<1x16xf32> to vector<16xf32>
        %mul3A_759 = arith.mulf %get3A_758, %gather3A_752 : vector<16xf32>
        %add3A_760 = arith.constant 6 : i32
        %add3A_761 = arith.addi %mul3A_55, %add3A_760 : i32
        %swap3A_762 = arith.index_cast %add3A_761 : i32 to index
        %swap3A_763 = arith.constant 0 : index
        %swap3A_764 = tpu.vector_load %arg10[%swap3A_762, %swap3A_763] {strides = array<i32>} : memref<128x128xf32, #tpu.memory_space<vmem>>, vector<1x16xf32>,
        %swap3A_765 = vector.shape_cast %swap3A_764 : vector<1x16xf32> to vector<16xf32>
        %swap3A_766 = vector.shape_cast %mul3A_759 : vector<16xf32> to vector<1x16xf32>
        tpu.vector_store %arg10[%swap3A_762, %swap3A_763], %swap3A_766 {strides = array<i32>} : memref<128x128xf32, #tpu.memory_space<vmem>>, vector<1x16xf32>,
        %add3A_767 = arith.constant 6 : i32
        %add3A_768 = arith.addi %mul3A_55, %add3A_767 : i32
        %get3A_769 = arith.index_cast %add3A_768 : i32 to index
        %get3A_770 = arith.constant 16 : index
        %get3A_771 = tpu.vector_load %arg10[%get3A_769, %get3A_770] {strides = array<i32>} : memref<128x128xf32, #tpu.memory_space<vmem>>, vector<1x16xf32>,
        %get3A_772 = vector.shape_cast %get3A_771 : vector<1x16xf32> to vector<16xf32>
        %mul3A_773 = arith.mulf %get3A_772, %gather3A_752 : vector<16xf32>
        %add3A_774 = arith.constant 6 : i32
        %add3A_775 = arith.addi %mul3A_55, %add3A_774 : i32
        %swap3A_776 = arith.index_cast %add3A_775 : i32 to index
        %swap3A_777 = arith.constant 16 : index
        %swap3A_778 = tpu.vector_load %arg10[%swap3A_776, %swap3A_777] {strides = array<i32>} : memref<128x128xf32, #tpu.memory_space<vmem>>, vector<1x16xf32>,
        %swap3A_779 = vector.shape_cast %swap3A_778 : vector<1x16xf32> to vector<16xf32>
        %swap3A_780 = vector.shape_cast %mul3A_773 : vector<16xf32> to vector<1x16xf32>
        tpu.vector_store %arg10[%swap3A_776, %swap3A_777], %swap3A_780 {strides = array<i32>} : memref<128x128xf32, #tpu.memory_space<vmem>>, vector<1x16xf32>,
        %add3A_781 = arith.constant 6 : i32
        %add3A_782 = arith.addi %mul3A_55, %add3A_781 : i32
        %get3A_783 = arith.index_cast %add3A_782 : i32 to index
        %get3A_784 = arith.constant 32 : index
        %get3A_785 = tpu.vector_load %arg10[%get3A_783, %get3A_784] {strides = array<i32>} : memref<128x128xf32, #tpu.memory_space<vmem>>, vector<1x16xf32>,
        %get3A_786 = vector.shape_cast %get3A_785 : vector<1x16xf32> to vector<16xf32>
        %mul3A_787 = arith.mulf %get3A_786, %gather3A_752 : vector<16xf32>
        %add3A_788 = arith.constant 6 : i32
        %add3A_789 = arith.addi %mul3A_55, %add3A_788 : i32
        %swap3A_790 = arith.index_cast %add3A_789 : i32 to index
        %swap3A_791 = arith.constant 32 : index
        %swap3A_792 = tpu.vector_load %arg10[%swap3A_790, %swap3A_791] {strides = array<i32>} : memref<128x128xf32, #tpu.memory_space<vmem>>, vector<1x16xf32>,
        %swap3A_793 = vector.shape_cast %swap3A_792 : vector<1x16xf32> to vector<16xf32>
        %swap3A_794 = vector.shape_cast %mul3A_787 : vector<16xf32> to vector<1x16xf32>
        tpu.vector_store %arg10[%swap3A_790, %swap3A_791], %swap3A_794 {strides = array<i32>} : memref<128x128xf32, #tpu.memory_space<vmem>>, vector<1x16xf32>,
        %add3A_795 = arith.constant 6 : i32
        %add3A_796 = arith.addi %mul3A_55, %add3A_795 : i32
        %get3A_797 = arith.index_cast %add3A_796 : i32 to index
        %get3A_798 = arith.constant 48 : index
        %get3A_799 = tpu.vector_load %arg10[%get3A_797, %get3A_798] {strides = array<i32>} : memref<128x128xf32, #tpu.memory_space<vmem>>, vector<1x16xf32>,
        %get3A_800 = vector.shape_cast %get3A_799 : vector<1x16xf32> to vector<16xf32>
        %mul3A_801 = arith.mulf %get3A_800, %gather3A_752 : vector<16xf32>
        %add3A_802 = arith.constant 6 : i32
        %add3A_803 = arith.addi %mul3A_55, %add3A_802 : i32
        %swap3A_804 = arith.index_cast %add3A_803 : i32 to index
        %swap3A_805 = arith.constant 48 : index
        %swap3A_806 = tpu.vector_load %arg10[%swap3A_804, %swap3A_805] {strides = array<i32>} : memref<128x128xf32, #tpu.memory_space<vmem>>, vector<1x16xf32>,
        %swap3A_807 = vector.shape_cast %swap3A_806 : vector<1x16xf32> to vector<16xf32>
        %swap3A_808 = vector.shape_cast %mul3A_801 : vector<16xf32> to vector<1x16xf32>
        tpu.vector_store %arg10[%swap3A_804, %swap3A_805], %swap3A_808 {strides = array<i32>} : memref<128x128xf32, #tpu.memory_space<vmem>>, vector<1x16xf32>,
        %add3A_809 = arith.constant 6 : i32
        %add3A_810 = arith.addi %mul3A_55, %add3A_809 : i32
        %get3A_811 = arith.index_cast %add3A_810 : i32 to index
        %get3A_812 = arith.constant 64 : index
        %get3A_813 = tpu.vector_load %arg10[%get3A_811, %get3A_812] {strides = array<i32>} : memref<128x128xf32, #tpu.memory_space<vmem>>, vector<1x16xf32>,
        %get3A_814 = vector.shape_cast %get3A_813 : vector<1x16xf32> to vector<16xf32>
        %mul3A_815 = arith.mulf %get3A_814, %gather3A_752 : vector<16xf32>
        %add3A_816 = arith.constant 6 : i32
        %add3A_817 = arith.addi %mul3A_55, %add3A_816 : i32
        %swap3A_818 = arith.index_cast %add3A_817 : i32 to index
        %swap3A_819 = arith.constant 64 : index
        %swap3A_820 = tpu.vector_load %arg10[%swap3A_818, %swap3A_819] {strides = array<i32>} : memref<128x128xf32, #tpu.memory_space<vmem>>, vector<1x16xf32>,
        %swap3A_821 = vector.shape_cast %swap3A_820 : vector<1x16xf32> to vector<16xf32>
        %swap3A_822 = vector.shape_cast %mul3A_815 : vector<16xf32> to vector<1x16xf32>
        tpu.vector_store %arg10[%swap3A_818, %swap3A_819], %swap3A_822 {strides = array<i32>} : memref<128x128xf32, #tpu.memory_space<vmem>>, vector<1x16xf32>,
        %add3A_823 = arith.constant 6 : i32
        %add3A_824 = arith.addi %mul3A_55, %add3A_823 : i32
        %get3A_825 = arith.index_cast %add3A_824 : i32 to index
        %get3A_826 = arith.constant 80 : index
        %get3A_827 = tpu.vector_load %arg10[%get3A_825, %get3A_826] {strides = array<i32>} : memref<128x128xf32, #tpu.memory_space<vmem>>, vector<1x16xf32>,
        %get3A_828 = vector.shape_cast %get3A_827 : vector<1x16xf32> to vector<16xf32>
        %mul3A_829 = arith.mulf %get3A_828, %gather3A_752 : vector<16xf32>
        %add3A_830 = arith.constant 6 : i32
        %add3A_831 = arith.addi %mul3A_55, %add3A_830 : i32
        %swap3A_832 = arith.index_cast %add3A_831 : i32 to index
        %swap3A_833 = arith.constant 80 : index
        %swap3A_834 = tpu.vector_load %arg10[%swap3A_832, %swap3A_833] {strides = array<i32>} : memref<128x128xf32, #tpu.memory_space<vmem>>, vector<1x16xf32>,
        %swap3A_835 = vector.shape_cast %swap3A_834 : vector<1x16xf32> to vector<16xf32>
        %swap3A_836 = vector.shape_cast %mul3A_829 : vector<16xf32> to vector<1x16xf32>
        tpu.vector_store %arg10[%swap3A_832, %swap3A_833], %swap3A_836 {strides = array<i32>} : memref<128x128xf32, #tpu.memory_space<vmem>>, vector<1x16xf32>,
        %add3A_837 = arith.constant 6 : i32
        %add3A_838 = arith.addi %mul3A_55, %add3A_837 : i32
        %get3A_839 = arith.index_cast %add3A_838 : i32 to index
        %get3A_840 = arith.constant 96 : index
        %get3A_841 = tpu.vector_load %arg10[%get3A_839, %get3A_840] {strides = array<i32>} : memref<128x128xf32, #tpu.memory_space<vmem>>, vector<1x16xf32>,
        %get3A_842 = vector.shape_cast %get3A_841 : vector<1x16xf32> to vector<16xf32>
        %mul3A_843 = arith.mulf %get3A_842, %gather3A_752 : vector<16xf32>
        %add3A_844 = arith.constant 6 : i32
        %add3A_845 = arith.addi %mul3A_55, %add3A_844 : i32
        %swap3A_846 = arith.index_cast %add3A_845 : i32 to index
        %swap3A_847 = arith.constant 96 : index
        %swap3A_848 = tpu.vector_load %arg10[%swap3A_846, %swap3A_847] {strides = array<i32>} : memref<128x128xf32, #tpu.memory_space<vmem>>, vector<1x16xf32>,
        %swap3A_849 = vector.shape_cast %swap3A_848 : vector<1x16xf32> to vector<16xf32>
        %swap3A_850 = vector.shape_cast %mul3A_843 : vector<16xf32> to vector<1x16xf32>
        tpu.vector_store %arg10[%swap3A_846, %swap3A_847], %swap3A_850 {strides = array<i32>} : memref<128x128xf32, #tpu.memory_space<vmem>>, vector<1x16xf32>,
        %add3A_851 = arith.constant 6 : i32
        %add3A_852 = arith.addi %mul3A_55, %add3A_851 : i32
        %get3A_853 = arith.index_cast %add3A_852 : i32 to index
        %get3A_854 = arith.constant 112 : index
        %get3A_855 = tpu.vector_load %arg10[%get3A_853, %get3A_854] {strides = array<i32>} : memref<128x128xf32, #tpu.memory_space<vmem>>, vector<1x16xf32>,
        %get3A_856 = vector.shape_cast %get3A_855 : vector<1x16xf32> to vector<16xf32>
        %mul3A_857 = arith.mulf %get3A_856, %gather3A_752 : vector<16xf32>
        %add3A_858 = arith.constant 6 : i32
        %add3A_859 = arith.addi %mul3A_55, %add3A_858 : i32
        %swap3A_860 = arith.index_cast %add3A_859 : i32 to index
        %swap3A_861 = arith.constant 112 : index
        %swap3A_862 = tpu.vector_load %arg10[%swap3A_860, %swap3A_861] {strides = array<i32>} : memref<128x128xf32, #tpu.memory_space<vmem>>, vector<1x16xf32>,
        %swap3A_863 = vector.shape_cast %swap3A_862 : vector<1x16xf32> to vector<16xf32>
        %swap3A_864 = vector.shape_cast %mul3A_857 : vector<16xf32> to vector<1x16xf32>
        tpu.vector_store %arg10[%swap3A_860, %swap3A_861], %swap3A_864 {strides = array<i32>} : memref<128x128xf32, #tpu.memory_space<vmem>>, vector<1x16xf32>,
        %broadcast_in_dim3A_865 = arith.constant 7 : i32
        %broadcast_in_dim3A_866 = vector.broadcast %broadcast_in_dim3A_865 : i32 to vector<16x1xi32>
        %gather3A_867 = vector.shape_cast %broadcast_in_dim3A_866 : vector<16x1xi32> to vector<16xi32>
        %gather3A_868 = tpu.dynamic_gather %get3A_53[%gather3A_867] in [0] : vector<16xf32>, vector<16xi32> -> vector<16xf32>
        %add3A_869 = arith.constant 7 : i32
        %add3A_870 = arith.addi %mul3A_55, %add3A_869 : i32
        %get3A_871 = arith.index_cast %add3A_870 : i32 to index
        %get3A_872 = arith.constant 0 : index
        %get3A_873 = tpu.vector_load %arg10[%get3A_871, %get3A_872] {strides = array<i32>} : memref<128x128xf32, #tpu.memory_space<vmem>>, vector<1x16xf32>,
        %get3A_874 = vector.shape_cast %get3A_873 : vector<1x16xf32> to vector<16xf32>
        %mul3A_875 = arith.mulf %get3A_874, %gather3A_868 : vector<16xf32>
        %add3A_876 = arith.constant 7 : i32
        %add3A_877 = arith.addi %mul3A_55, %add3A_876 : i32
        %swap3A_878 = arith.index_cast %add3A_877 : i32 to index
        %swap3A_879 = arith.constant 0 : index
        %swap3A_880 = tpu.vector_load %arg10[%swap3A_878, %swap3A_879] {strides = array<i32>} : memref<128x128xf32, #tpu.memory_space<vmem>>, vector<1x16xf32>,
        %swap3A_881 = vector.shape_cast %swap3A_880 : vector<1x16xf32> to vector<16xf32>
        %swap3A_882 = vector.shape_cast %mul3A_875 : vector<16xf32> to vector<1x16xf32>
        tpu.vector_store %arg10[%swap3A_878, %swap3A_879], %swap3A_882 {strides = array<i32>} : memref<128x128xf32, #tpu.memory_space<vmem>>, vector<1x16xf32>,
        %add3A_883 = arith.constant 7 : i32
        %add3A_884 = arith.addi %mul3A_55, %add3A_883 : i32
        %get3A_885 = arith.index_cast %add3A_884 : i32 to index
        %get3A_886 = arith.constant 16 : index
        %get3A_887 = tpu.vector_load %arg10[%get3A_885, %get3A_886] {strides = array<i32>} : memref<128x128xf32, #tpu.memory_space<vmem>>, vector<1x16xf32>,
        %get3A_888 = vector.shape_cast %get3A_887 : vector<1x16xf32> to vector<16xf32>
        %mul3A_889 = arith.mulf %get3A_888, %gather3A_868 : vector<16xf32>
        %add3A_890 = arith.constant 7 : i32
        %add3A_891 = arith.addi %mul3A_55, %add3A_890 : i32
        %swap3A_892 = arith.index_cast %add3A_891 : i32 to index
        %swap3A_893 = arith.constant 16 : index
        %swap3A_894 = tpu.vector_load %arg10[%swap3A_892, %swap3A_893] {strides = array<i32>} : memref<128x128xf32, #tpu.memory_space<vmem>>, vector<1x16xf32>,
        %swap3A_895 = vector.shape_cast %swap3A_894 : vector<1x16xf32> to vector<16xf32>
        %swap3A_896 = vector.shape_cast %mul3A_889 : vector<16xf32> to vector<1x16xf32>
        tpu.vector_store %arg10[%swap3A_892, %swap3A_893], %swap3A_896 {strides = array<i32>} : memref<128x128xf32, #tpu.memory_space<vmem>>, vector<1x16xf32>,
        %add3A_897 = arith.constant 7 : i32
        %add3A_898 = arith.addi %mul3A_55, %add3A_897 : i32
        %get3A_899 = arith.index_cast %add3A_898 : i32 to index
        %get3A_900 = arith.constant 32 : index
        %get3A_901 = tpu.vector_load %arg10[%get3A_899, %get3A_900] {strides = array<i32>} : memref<128x128xf32, #tpu.memory_space<vmem>>, vector<1x16xf32>,
        %get3A_902 = vector.shape_cast %get3A_901 : vector<1x16xf32> to vector<16xf32>
        %mul3A_903 = arith.mulf %get3A_902, %gather3A_868 : vector<16xf32>
        %add3A_904 = arith.constant 7 : i32
        %add3A_905 = arith.addi %mul3A_55, %add3A_904 : i32
        %swap3A_906 = arith.index_cast %add3A_905 : i32 to index
        %swap3A_907 = arith.constant 32 : index
        %swap3A_908 = tpu.vector_load %arg10[%swap3A_906, %swap3A_907] {strides = array<i32>} : memref<128x128xf32, #tpu.memory_space<vmem>>, vector<1x16xf32>,
        %swap3A_909 = vector.shape_cast %swap3A_908 : vector<1x16xf32> to vector<16xf32>
        %swap3A_910 = vector.shape_cast %mul3A_903 : vector<16xf32> to vector<1x16xf32>
        tpu.vector_store %arg10[%swap3A_906, %swap3A_907], %swap3A_910 {strides = array<i32>} : memref<128x128xf32, #tpu.memory_space<vmem>>, vector<1x16xf32>,
        %add3A_911 = arith.constant 7 : i32
        %add3A_912 = arith.addi %mul3A_55, %add3A_911 : i32
        %get3A_913 = arith.index_cast %add3A_912 : i32 to index
        %get3A_914 = arith.constant 48 : index
        %get3A_915 = tpu.vector_load %arg10[%get3A_913, %get3A_914] {strides = array<i32>} : memref<128x128xf32, #tpu.memory_space<vmem>>, vector<1x16xf32>,
        %get3A_916 = vector.shape_cast %get3A_915 : vector<1x16xf32> to vector<16xf32>
        %mul3A_917 = arith.mulf %get3A_916, %gather3A_868 : vector<16xf32>
        %add3A_918 = arith.constant 7 : i32
        %add3A_919 = arith.addi %mul3A_55, %add3A_918 : i32
        %swap3A_920 = arith.index_cast %add3A_919 : i32 to index
        %swap3A_921 = arith.constant 48 : index
        %swap3A_922 = tpu.vector_load %arg10[%swap3A_920, %swap3A_921] {strides = array<i32>} : memref<128x128xf32, #tpu.memory_space<vmem>>, vector<1x16xf32>,
        %swap3A_923 = vector.shape_cast %swap3A_922 : vector<1x16xf32> to vector<16xf32>
        %swap3A_924 = vector.shape_cast %mul3A_917 : vector<16xf32> to vector<1x16xf32>
        tpu.vector_store %arg10[%swap3A_920, %swap3A_921], %swap3A_924 {strides = array<i32>} : memref<128x128xf32, #tpu.memory_space<vmem>>, vector<1x16xf32>,
        %add3A_925 = arith.constant 7 : i32
        %add3A_926 = arith.addi %mul3A_55, %add3A_925 : i32
        %get3A_927 = arith.index_cast %add3A_926 : i32 to index
        %get3A_928 = arith.constant 64 : index
        %get3A_929 = tpu.vector_load %arg10[%get3A_927, %get3A_928] {strides = array<i32>} : memref<128x128xf32, #tpu.memory_space<vmem>>, vector<1x16xf32>,
        %get3A_930 = vector.shape_cast %get3A_929 : vector<1x16xf32> to vector<16xf32>
        %mul3A_931 = arith.mulf %get3A_930, %gather3A_868 : vector<16xf32>
        %add3A_932 = arith.constant 7 : i32
        %add3A_933 = arith.addi %mul3A_55, %add3A_932 : i32
        %swap3A_934 = arith.index_cast %add3A_933 : i32 to index
        %swap3A_935 = arith.constant 64 : index
        %swap3A_936 = tpu.vector_load %arg10[%swap3A_934, %swap3A_935] {strides = array<i32>} : memref<128x128xf32, #tpu.memory_space<vmem>>, vector<1x16xf32>,
        %swap3A_937 = vector.shape_cast %swap3A_936 : vector<1x16xf32> to vector<16xf32>
        %swap3A_938 = vector.shape_cast %mul3A_931 : vector<16xf32> to vector<1x16xf32>
        tpu.vector_store %arg10[%swap3A_934, %swap3A_935], %swap3A_938 {strides = array<i32>} : memref<128x128xf32, #tpu.memory_space<vmem>>, vector<1x16xf32>,
        %add3A_939 = arith.constant 7 : i32
        %add3A_940 = arith.addi %mul3A_55, %add3A_939 : i32
        %get3A_941 = arith.index_cast %add3A_940 : i32 to index
        %get3A_942 = arith.constant 80 : index
        %get3A_943 = tpu.vector_load %arg10[%get3A_941, %get3A_942] {strides = array<i32>} : memref<128x128xf32, #tpu.memory_space<vmem>>, vector<1x16xf32>,
        %get3A_944 = vector.shape_cast %get3A_943 : vector<1x16xf32> to vector<16xf32>
        %mul3A_945 = arith.mulf %get3A_944, %gather3A_868 : vector<16xf32>
        %add3A_946 = arith.constant 7 : i32
        %add3A_947 = arith.addi %mul3A_55, %add3A_946 : i32
        %swap3A_948 = arith.index_cast %add3A_947 : i32 to index
        %swap3A_949 = arith.constant 80 : index
        %swap3A_950 = tpu.vector_load %arg10[%swap3A_948, %swap3A_949] {strides = array<i32>} : memref<128x128xf32, #tpu.memory_space<vmem>>, vector<1x16xf32>,
        %swap3A_951 = vector.shape_cast %swap3A_950 : vector<1x16xf32> to vector<16xf32>
        %swap3A_952 = vector.shape_cast %mul3A_945 : vector<16xf32> to vector<1x16xf32>
        tpu.vector_store %arg10[%swap3A_948, %swap3A_949], %swap3A_952 {strides = array<i32>} : memref<128x128xf32, #tpu.memory_space<vmem>>, vector<1x16xf32>,
        %add3A_953 = arith.constant 7 : i32
        %add3A_954 = arith.addi %mul3A_55, %add3A_953 : i32
        %get3A_955 = arith.index_cast %add3A_954 : i32 to index
        %get3A_956 = arith.constant 96 : index
        %get3A_957 = tpu.vector_load %arg10[%get3A_955, %get3A_956] {strides = array<i32>} : memref<128x128xf32, #tpu.memory_space<vmem>>, vector<1x16xf32>,
        %get3A_958 = vector.shape_cast %get3A_957 : vector<1x16xf32> to vector<16xf32>
        %mul3A_959 = arith.mulf %get3A_958, %gather3A_868 : vector<16xf32>
        %add3A_960 = arith.constant 7 : i32
        %add3A_961 = arith.addi %mul3A_55, %add3A_960 : i32
        %swap3A_962 = arith.index_cast %add3A_961 : i32 to index
        %swap3A_963 = arith.constant 96 : index
        %swap3A_964 = tpu.vector_load %arg10[%swap3A_962, %swap3A_963] {strides = array<i32>} : memref<128x128xf32, #tpu.memory_space<vmem>>, vector<1x16xf32>,
        %swap3A_965 = vector.shape_cast %swap3A_964 : vector<1x16xf32> to vector<16xf32>
        %swap3A_966 = vector.shape_cast %mul3A_959 : vector<16xf32> to vector<1x16xf32>
        tpu.vector_store %arg10[%swap3A_962, %swap3A_963], %swap3A_966 {strides = array<i32>} : memref<128x128xf32, #tpu.memory_space<vmem>>, vector<1x16xf32>,
        %add3A_967 = arith.constant 7 : i32
        %add3A_968 = arith.addi %mul3A_55, %add3A_967 : i32
        %get3A_969 = arith.index_cast %add3A_968 : i32 to index
        %get3A_970 = arith.constant 112 : index
        %get3A_971 = tpu.vector_load %arg10[%get3A_969, %get3A_970] {strides = array<i32>} : memref<128x128xf32, #tpu.memory_space<vmem>>, vector<1x16xf32>,
        %get3A_972 = vector.shape_cast %get3A_971 : vector<1x16xf32> to vector<16xf32>
        %mul3A_973 = arith.mulf %get3A_972, %gather3A_868 : vector<16xf32>
        %add3A_974 = arith.constant 7 : i32
        %add3A_975 = arith.addi %mul3A_55, %add3A_974 : i32
        %swap3A_976 = arith.index_cast %add3A_975 : i32 to index
        %swap3A_977 = arith.constant 112 : index
        %swap3A_978 = tpu.vector_load %arg10[%swap3A_976, %swap3A_977] {strides = array<i32>} : memref<128x128xf32, #tpu.memory_space<vmem>>, vector<1x16xf32>,
        %swap3A_979 = vector.shape_cast %swap3A_978 : vector<1x16xf32> to vector<16xf32>
        %swap3A_980 = vector.shape_cast %mul3A_973 : vector<16xf32> to vector<1x16xf32>
        tpu.vector_store %arg10[%swap3A_976, %swap3A_977], %swap3A_980 {strides = array<i32>} : memref<128x128xf32, #tpu.memory_space<vmem>>, vector<1x16xf32>,
        %broadcast_in_dim3A_981 = arith.constant 8 : i32
        %broadcast_in_dim3A_982 = vector.broadcast %broadcast_in_dim3A_981 : i32 to vector<16x1xi32>
        %gather3A_983 = vector.shape_cast %broadcast_in_dim3A_982 : vector<16x1xi32> to vector<16xi32>
        %gather3A_984 = tpu.dynamic_gather %get3A_53[%gather3A_983] in [0] : vector<16xf32>, vector<16xi32> -> vector<16xf32>
        %add3A_985 = arith.constant 8 : i32
        %add3A_986 = arith.addi %mul3A_55, %add3A_985 : i32
        %get3A_987 = arith.index_cast %add3A_986 : i32 to index
        %get3A_988 = arith.constant 0 : index
        %get3A_989 = tpu.vector_load %arg10[%get3A_987, %get3A_988] {strides = array<i32>} : memref<128x128xf32, #tpu.memory_space<vmem>>, vector<1x16xf32>,
        %get3A_990 = vector.shape_cast %get3A_989 : vector<1x16xf32> to vector<16xf32>
        %mul3A_991 = arith.mulf %get3A_990, %gather3A_984 : vector<16xf32>
        %add3A_992 = arith.constant 8 : i32
        %add3A_993 = arith.addi %mul3A_55, %add3A_992 : i32
        %swap3A_994 = arith.index_cast %add3A_993 : i32 to index
        %swap3A_995 = arith.constant 0 : index
        %swap3A_996 = tpu.vector_load %arg10[%swap3A_994, %swap3A_995] {strides = array<i32>} : memref<128x128xf32, #tpu.memory_space<vmem>>, vector<1x16xf32>,
        %swap3A_997 = vector.shape_cast %swap3A_996 : vector<1x16xf32> to vector<16xf32>
        %swap3A_998 = vector.shape_cast %mul3A_991 : vector<16xf32> to vector<1x16xf32>
        tpu.vector_store %arg10[%swap3A_994, %swap3A_995], %swap3A_998 {strides = array<i32>} : memref<128x128xf32, #tpu.memory_space<vmem>>, vector<1x16xf32>,
        %add3A_999 = arith.constant 8 : i32
        %add3A_1000 = arith.addi %mul3A_55, %add3A_999 : i32
        %get3A_1001 = arith.index_cast %add3A_1000 : i32 to index
        %get3A_1002 = arith.constant 16 : index
        %get3A_1003 = tpu.vector_load %arg10[%get3A_1001, %get3A_1002] {strides = array<i32>} : memref<128x128xf32, #tpu.memory_space<vmem>>, vector<1x16xf32>,
        %get3A_1004 = vector.shape_cast %get3A_1003 : vector<1x16xf32> to vector<16xf32>
        %mul3A_1005 = arith.mulf %get3A_1004, %gather3A_984 : vector<16xf32>
        %add3A_1006 = arith.constant 8 : i32
        %add3A_1007 = arith.addi %mul3A_55, %add3A_1006 : i32
        %swap3A_1008 = arith.index_cast %add3A_1007 : i32 to index
        %swap3A_1009 = arith.constant 16 : index
        %swap3A_1010 = tpu.vector_load %arg10[%swap3A_1008, %swap3A_1009] {strides = array<i32>} : memref<128x128xf32, #tpu.memory_space<vmem>>, vector<1x16xf32>,
        %swap3A_1011 = vector.shape_cast %swap3A_1010 : vector<1x16xf32> to vector<16xf32>
        %swap3A_1012 = vector.shape_cast %mul3A_1005 : vector<16xf32> to vector<1x16xf32>
        tpu.vector_store %arg10[%swap3A_1008, %swap3A_1009], %swap3A_1012 {strides = array<i32>} : memref<128x128xf32, #tpu.memory_space<vmem>>, vector<1x16xf32>,
        %add3A_1013 = arith.constant 8 : i32
        %add3A_1014 = arith.addi %mul3A_55, %add3A_1013 : i32
        %get3A_1015 = arith.index_cast %add3A_1014 : i32 to index
        %get3A_1016 = arith.constant 32 : index
        %get3A_1017 = tpu.vector_load %arg10[%get3A_1015, %get3A_1016] {strides = array<i32>} : memref<128x128xf32, #tpu.memory_space<vmem>>, vector<1x16xf32>,
        %get3A_1018 = vector.shape_cast %get3A_1017 : vector<1x16xf32> to vector<16xf32>
        %mul3A_1019 = arith.mulf %get3A_1018, %gather3A_984 : vector<16xf32>
        %add3A_1020 = arith.constant 8 : i32
        %add3A_1021 = arith.addi %mul3A_55, %add3A_1020 : i32
        %swap3A_1022 = arith.index_cast %add3A_1021 : i32 to index
        %swap3A_1023 = arith.constant 32 : index
        %swap3A_1024 = tpu.vector_load %arg10[%swap3A_1022, %swap3A_1023] {strides = array<i32>} : memref<128x128xf32, #tpu.memory_space<vmem>>, vector<1x16xf32>,
        %swap3A_1025 = vector.shape_cast %swap3A_1024 : vector<1x16xf32> to vector<16xf32>
        %swap3A_1026 = vector.shape_cast %mul3A_1019 : vector<16xf32> to vector<1x16xf32>
        tpu.vector_store %arg10[%swap3A_1022, %swap3A_1023], %swap3A_1026 {strides = array<i32>} : memref<128x128xf32, #tpu.memory_space<vmem>>, vector<1x16xf32>,
        %add3A_1027 = arith.constant 8 : i32
        %add3A_1028 = arith.addi %mul3A_55, %add3A_1027 : i32
        %get3A_1029 = arith.index_cast %add3A_1028 : i32 to index
        %get3A_1030 = arith.constant 48 : index
        %get3A_1031 = tpu.vector_load %arg10[%get3A_1029, %get3A_1030] {strides = array<i32>} : memref<128x128xf32, #tpu.memory_space<vmem>>, vector<1x16xf32>,
        %get3A_1032 = vector.shape_cast %get3A_1031 : vector<1x16xf32> to vector<16xf32>
        %mul3A_1033 = arith.mulf %get3A_1032, %gather3A_984 : vector<16xf32>
        %add3A_1034 = arith.constant 8 : i32
        %add3A_1035 = arith.addi %mul3A_55, %add3A_1034 : i32
        %swap3A_1036 = arith.index_cast %add3A_1035 : i32 to index
        %swap3A_1037 = arith.constant 48 : index
        %swap3A_1038 = tpu.vector_load %arg10[%swap3A_1036, %swap3A_1037] {strides = array<i32>} : memref<128x128xf32, #tpu.memory_space<vmem>>, vector<1x16xf32>,
        %swap3A_1039 = vector.shape_cast %swap3A_1038 : vector<1x16xf32> to vector<16xf32>
        %swap3A_1040 = vector.shape_cast %mul3A_1033 : vector<16xf32> to vector<1x16xf32>
        tpu.vector_store %arg10[%swap3A_1036, %swap3A_1037], %swap3A_1040 {strides = array<i32>} : memref<128x128xf32, #tpu.memory_space<vmem>>, vector<1x16xf32>,
        %add3A_1041 = arith.constant 8 : i32
        %add3A_1042 = arith.addi %mul3A_55, %add3A_1041 : i32
        %get3A_1043 = arith.index_cast %add3A_1042 : i32 to index
        %get3A_1044 = arith.constant 64 : index
        %get3A_1045 = tpu.vector_load %arg10[%get3A_1043, %get3A_1044] {strides = array<i32>} : memref<128x128xf32, #tpu.memory_space<vmem>>, vector<1x16xf32>,
        %get3A_1046 = vector.shape_cast %get3A_1045 : vector<1x16xf32> to vector<16xf32>
        %mul3A_1047 = arith.mulf %get3A_1046, %gather3A_984 : vector<16xf32>
        %add3A_1048 = arith.constant 8 : i32
        %add3A_1049 = arith.addi %mul3A_55, %add3A_1048 : i32
        %swap3A_1050 = arith.index_cast %add3A_1049 : i32 to index
        %swap3A_1051 = arith.constant 64 : index
        %swap3A_1052 = tpu.vector_load %arg10[%swap3A_1050, %swap3A_1051] {strides = array<i32>} : memref<128x128xf32, #tpu.memory_space<vmem>>, vector<1x16xf32>,
        %swap3A_1053 = vector.shape_cast %swap3A_1052 : vector<1x16xf32> to vector<16xf32>
        %swap3A_1054 = vector.shape_cast %mul3A_1047 : vector<16xf32> to vector<1x16xf32>
        tpu.vector_store %arg10[%swap3A_1050, %swap3A_1051], %swap3A_1054 {strides = array<i32>} : memref<128x128xf32, #tpu.memory_space<vmem>>, vector<1x16xf32>,
        %add3A_1055 = arith.constant 8 : i32
        %add3A_1056 = arith.addi %mul3A_55, %add3A_1055 : i32
        %get3A_1057 = arith.index_cast %add3A_1056 : i32 to index
        %get3A_1058 = arith.constant 80 : index
        %get3A_1059 = tpu.vector_load %arg10[%get3A_1057, %get3A_1058] {strides = array<i32>} : memref<128x128xf32, #tpu.memory_space<vmem>>, vector<1x16xf32>,
        %get3A_1060 = vector.shape_cast %get3A_1059 : vector<1x16xf32> to vector<16xf32>
        %mul3A_1061 = arith.mulf %get3A_1060, %gather3A_984 : vector<16xf32>
        %add3A_1062 = arith.constant 8 : i32
        %add3A_1063 = arith.addi %mul3A_55, %add3A_1062 : i32
        %swap3A_1064 = arith.index_cast %add3A_1063 : i32 to index
        %swap3A_1065 = arith.constant 80 : index
        %swap3A_1066 = tpu.vector_load %arg10[%swap3A_1064, %swap3A_1065] {strides = array<i32>} : memref<128x128xf32, #tpu.memory_space<vmem>>, vector<1x16xf32>,
        %swap3A_1067 = vector.shape_cast %swap3A_1066 : vector<1x16xf32> to vector<16xf32>
        %swap3A_1068 = vector.shape_cast %mul3A_1061 : vector<16xf32> to vector<1x16xf32>
        tpu.vector_store %arg10[%swap3A_1064, %swap3A_1065], %swap3A_1068 {strides = array<i32>} : memref<128x128xf32, #tpu.memory_space<vmem>>, vector<1x16xf32>,
        %add3A_1069 = arith.constant 8 : i32
        %add3A_1070 = arith.addi %mul3A_55, %add3A_1069 : i32
        %get3A_1071 = arith.index_cast %add3A_1070 : i32 to index
        %get3A_1072 = arith.constant 96 : index
        %get3A_1073 = tpu.vector_load %arg10[%get3A_1071, %get3A_1072] {strides = array<i32>} : memref<128x128xf32, #tpu.memory_space<vmem>>, vector<1x16xf32>,
        %get3A_1074 = vector.shape_cast %get3A_1073 : vector<1x16xf32> to vector<16xf32>
        %mul3A_1075 = arith.mulf %get3A_1074, %gather3A_984 : vector<16xf32>
        %add3A_1076 = arith.constant 8 : i32
        %add3A_1077 = arith.addi %mul3A_55, %add3A_1076 : i32
        %swap3A_1078 = arith.index_cast %add3A_1077 : i32 to index
        %swap3A_1079 = arith.constant 96 : index
        %swap3A_1080 = tpu.vector_load %arg10[%swap3A_1078, %swap3A_1079] {strides = array<i32>} : memref<128x128xf32, #tpu.memory_space<vmem>>, vector<1x16xf32>,
        %swap3A_1081 = vector.shape_cast %swap3A_1080 : vector<1x16xf32> to vector<16xf32>
        %swap3A_1082 = vector.shape_cast %mul3A_1075 : vector<16xf32> to vector<1x16xf32>
        tpu.vector_store %arg10[%swap3A_1078, %swap3A_1079], %swap3A_1082 {strides = array<i32>} : memref<128x128xf32, #tpu.memory_space<vmem>>, vector<1x16xf32>,
        %add3A_1083 = arith.constant 8 : i32
        %add3A_1084 = arith.addi %mul3A_55, %add3A_1083 : i32
        %get3A_1085 = arith.index_cast %add3A_1084 : i32 to index
        %get3A_1086 = arith.constant 112 : index
        %get3A_1087 = tpu.vector_load %arg10[%get3A_1085, %get3A_1086] {strides = array<i32>} : memref<128x128xf32, #tpu.memory_space<vmem>>, vector<1x16xf32>,
        %get3A_1088 = vector.shape_cast %get3A_1087 : vector<1x16xf32> to vector<16xf32>
        %mul3A_1089 = arith.mulf %get3A_1088, %gather3A_984 : vector<16xf32>
        %add3A_1090 = arith.constant 8 : i32
        %add3A_1091 = arith.addi %mul3A_55, %add3A_1090 : i32
        %swap3A_1092 = arith.index_cast %add3A_1091 : i32 to index
        %swap3A_1093 = arith.constant 112 : index
        %swap3A_1094 = tpu.vector_load %arg10[%swap3A_1092, %swap3A_1093] {strides = array<i32>} : memref<128x128xf32, #tpu.memory_space<vmem>>, vector<1x16xf32>,
        %swap3A_1095 = vector.shape_cast %swap3A_1094 : vector<1x16xf32> to vector<16xf32>
        %swap3A_1096 = vector.shape_cast %mul3A_1089 : vector<16xf32> to vector<1x16xf32>
        tpu.vector_store %arg10[%swap3A_1092, %swap3A_1093], %swap3A_1096 {strides = array<i32>} : memref<128x128xf32, #tpu.memory_space<vmem>>, vector<1x16xf32>,
        %broadcast_in_dim3A_1097 = arith.constant 9 : i32
        %broadcast_in_dim3A_1098 = vector.broadcast %broadcast_in_dim3A_1097 : i32 to vector<16x1xi32>
        %gather3A_1099 = vector.shape_cast %broadcast_in_dim3A_1098 : vector<16x1xi32> to vector<16xi32>
        %gather3A_1100 = tpu.dynamic_gather %get3A_53[%gather3A_1099] in [0] : vector<16xf32>, vector<16xi32> -> vector<16xf32>
        %add3A_1101 = arith.constant 9 : i32
        %add3A_1102 = arith.addi %mul3A_55, %add3A_1101 : i32
        %get3A_1103 = arith.index_cast %add3A_1102 : i32 to index
        %get3A_1104 = arith.constant 0 : index
        %get3A_1105 = tpu.vector_load %arg10[%get3A_1103, %get3A_1104] {strides = array<i32>} : memref<128x128xf32, #tpu.memory_space<vmem>>, vector<1x16xf32>,
        %get3A_1106 = vector.shape_cast %get3A_1105 : vector<1x16xf32> to vector<16xf32>
        %mul3A_1107 = arith.mulf %get3A_1106, %gather3A_1100 : vector<16xf32>
        %add3A_1108 = arith.constant 9 : i32
        %add3A_1109 = arith.addi %mul3A_55, %add3A_1108 : i32
        %swap3A_1110 = arith.index_cast %add3A_1109 : i32 to index
        %swap3A_1111 = arith.constant 0 : index
        %swap3A_1112 = tpu.vector_load %arg10[%swap3A_1110, %swap3A_1111] {strides = array<i32>} : memref<128x128xf32, #tpu.memory_space<vmem>>, vector<1x16xf32>,
        %swap3A_1113 = vector.shape_cast %swap3A_1112 : vector<1x16xf32> to vector<16xf32>
        %swap3A_1114 = vector.shape_cast %mul3A_1107 : vector<16xf32> to vector<1x16xf32>
        tpu.vector_store %arg10[%swap3A_1110, %swap3A_1111], %swap3A_1114 {strides = array<i32>} : memref<128x128xf32, #tpu.memory_space<vmem>>, vector<1x16xf32>,
        %add3A_1115 = arith.constant 9 : i32
        %add3A_1116 = arith.addi %mul3A_55, %add3A_1115 : i32
        %get3A_1117 = arith.index_cast %add3A_1116 : i32 to index
        %get3A_1118 = arith.constant 16 : index
        %get3A_1119 = tpu.vector_load %arg10[%get3A_1117, %get3A_1118] {strides = array<i32>} : memref<128x128xf32, #tpu.memory_space<vmem>>, vector<1x16xf32>,
        %get3A_1120 = vector.shape_cast %get3A_1119 : vector<1x16xf32> to vector<16xf32>
        %mul3A_1121 = arith.mulf %get3A_1120, %gather3A_1100 : vector<16xf32>
        %add3A_1122 = arith.constant 9 : i32
        %add3A_1123 = arith.addi %mul3A_55, %add3A_1122 : i32
        %swap3A_1124 = arith.index_cast %add3A_1123 : i32 to index
        %swap3A_1125 = arith.constant 16 : index
        %swap3A_1126 = tpu.vector_load %arg10[%swap3A_1124, %swap3A_1125] {strides = array<i32>} : memref<128x128xf32, #tpu.memory_space<vmem>>, vector<1x16xf32>,
        %swap3A_1127 = vector.shape_cast %swap3A_1126 : vector<1x16xf32> to vector<16xf32>
        %swap3A_1128 = vector.shape_cast %mul3A_1121 : vector<16xf32> to vector<1x16xf32>
        tpu.vector_store %arg10[%swap3A_1124, %swap3A_1125], %swap3A_1128 {strides = array<i32>} : memref<128x128xf32, #tpu.memory_space<vmem>>, vector<1x16xf32>,
        %add3A_1129 = arith.constant 9 : i32
        %add3A_1130 = arith.addi %mul3A_55, %add3A_1129 : i32
        %get3A_1131 = arith.index_cast %add3A_1130 : i32 to index
        %get3A_1132 = arith.constant 32 : index
        %get3A_1133 = tpu.vector_load %arg10[%get3A_1131, %get3A_1132] {strides = array<i32>} : memref<128x128xf32, #tpu.memory_space<vmem>>, vector<1x16xf32>,
        %get3A_1134 = vector.shape_cast %get3A_1133 : vector<1x16xf32> to vector<16xf32>
        %mul3A_1135 = arith.mulf %get3A_1134, %gather3A_1100 : vector<16xf32>
        %add3A_1136 = arith.constant 9 : i32
        %add3A_1137 = arith.addi %mul3A_55, %add3A_1136 : i32
        %swap3A_1138 = arith.index_cast %add3A_1137 : i32 to index
        %swap3A_1139 = arith.constant 32 : index
        %swap3A_1140 = tpu.vector_load %arg10[%swap3A_1138, %swap3A_1139] {strides = array<i32>} : memref<128x128xf32, #tpu.memory_space<vmem>>, vector<1x16xf32>,
        %swap3A_1141 = vector.shape_cast %swap3A_1140 : vector<1x16xf32> to vector<16xf32>
        %swap3A_1142 = vector.shape_cast %mul3A_1135 : vector<16xf32> to vector<1x16xf32>
        tpu.vector_store %arg10[%swap3A_1138, %swap3A_1139], %swap3A_1142 {strides = array<i32>} : memref<128x128xf32, #tpu.memory_space<vmem>>, vector<1x16xf32>,
        %add3A_1143 = arith.constant 9 : i32
        %add3A_1144 = arith.addi %mul3A_55, %add3A_1143 : i32
        %get3A_1145 = arith.index_cast %add3A_1144 : i32 to index
        %get3A_1146 = arith.constant 48 : index
        %get3A_1147 = tpu.vector_load %arg10[%get3A_1145, %get3A_1146] {strides = array<i32>} : memref<128x128xf32, #tpu.memory_space<vmem>>, vector<1x16xf32>,
        %get3A_1148 = vector.shape_cast %get3A_1147 : vector<1x16xf32> to vector<16xf32>
        %mul3A_1149 = arith.mulf %get3A_1148, %gather3A_1100 : vector<16xf32>
        %add3A_1150 = arith.constant 9 : i32
        %add3A_1151 = arith.addi %mul3A_55, %add3A_1150 : i32
        %swap3A_1152 = arith.index_cast %add3A_1151 : i32 to index
        %swap3A_1153 = arith.constant 48 : index
        %swap3A_1154 = tpu.vector_load %arg10[%swap3A_1152, %swap3A_1153] {strides = array<i32>} : memref<128x128xf32, #tpu.memory_space<vmem>>, vector<1x16xf32>,
        %swap3A_1155 = vector.shape_cast %swap3A_1154 : vector<1x16xf32> to vector<16xf32>
        %swap3A_1156 = vector.shape_cast %mul3A_1149 : vector<16xf32> to vector<1x16xf32>
        tpu.vector_store %arg10[%swap3A_1152, %swap3A_1153], %swap3A_1156 {strides = array<i32>} : memref<128x128xf32, #tpu.memory_space<vmem>>, vector<1x16xf32>,
        %add3A_1157 = arith.constant 9 : i32
        %add3A_1158 = arith.addi %mul3A_55, %add3A_1157 : i32
        %get3A_1159 = arith.index_cast %add3A_1158 : i32 to index
        %get3A_1160 = arith.constant 64 : index
        %get3A_1161 = tpu.vector_load %arg10[%get3A_1159, %get3A_1160] {strides = array<i32>} : memref<128x128xf32, #tpu.memory_space<vmem>>, vector<1x16xf32>,
        %get3A_1162 = vector.shape_cast %get3A_1161 : vector<1x16xf32> to vector<16xf32>
        %mul3A_1163 = arith.mulf %get3A_1162, %gather3A_1100 : vector<16xf32>
        %add3A_1164 = arith.constant 9 : i32
        %add3A_1165 = arith.addi %mul3A_55, %add3A_1164 : i32
        %swap3A_1166 = arith.index_cast %add3A_1165 : i32 to index
        %swap3A_1167 = arith.constant 64 : index
        %swap3A_1168 = tpu.vector_load %arg10[%swap3A_1166, %swap3A_1167] {strides = array<i32>} : memref<128x128xf32, #tpu.memory_space<vmem>>, vector<1x16xf32>,
        %swap3A_1169 = vector.shape_cast %swap3A_1168 : vector<1x16xf32> to vector<16xf32>
        %swap3A_1170 = vector.shape_cast %mul3A_1163 : vector<16xf32> to vector<1x16xf32>
        tpu.vector_store %arg10[%swap3A_1166, %swap3A_1167], %swap3A_1170 {strides = array<i32>} : memref<128x128xf32, #tpu.memory_space<vmem>>, vector<1x16xf32>,
        %add3A_1171 = arith.constant 9 : i32
        %add3A_1172 = arith.addi %mul3A_55, %add3A_1171 : i32
        %get3A_1173 = arith.index_cast %add3A_1172 : i32 to index
        %get3A_1174 = arith.constant 80 : index
        %get3A_1175 = tpu.vector_load %arg10[%get3A_1173, %get3A_1174] {strides = array<i32>} : memref<128x128xf32, #tpu.memory_space<vmem>>, vector<1x16xf32>,
        %get3A_1176 = vector.shape_cast %get3A_1175 : vector<1x16xf32> to vector<16xf32>
        %mul3A_1177 = arith.mulf %get3A_1176, %gather3A_1100 : vector<16xf32>
        %add3A_1178 = arith.constant 9 : i32
        %add3A_1179 = arith.addi %mul3A_55, %add3A_1178 : i32
        %swap3A_1180 = arith.index_cast %add3A_1179 : i32 to index
        %swap3A_1181 = arith.constant 80 : index
        %swap3A_1182 = tpu.vector_load %arg10[%swap3A_1180, %swap3A_1181] {strides = array<i32>} : memref<128x128xf32, #tpu.memory_space<vmem>>, vector<1x16xf32>,
        %swap3A_1183 = vector.shape_cast %swap3A_1182 : vector<1x16xf32> to vector<16xf32>
        %swap3A_1184 = vector.shape_cast %mul3A_1177 : vector<16xf32> to vector<1x16xf32>
        tpu.vector_store %arg10[%swap3A_1180, %swap3A_1181], %swap3A_1184 {strides = array<i32>} : memref<128x128xf32, #tpu.memory_space<vmem>>, vector<1x16xf32>,
        %add3A_1185 = arith.constant 9 : i32
        %add3A_1186 = arith.addi %mul3A_55, %add3A_1185 : i32
        %get3A_1187 = arith.index_cast %add3A_1186 : i32 to index
        %get3A_1188 = arith.constant 96 : index
        %get3A_1189 = tpu.vector_load %arg10[%get3A_1187, %get3A_1188] {strides = array<i32>} : memref<128x128xf32, #tpu.memory_space<vmem>>, vector<1x16xf32>,
        %get3A_1190 = vector.shape_cast %get3A_1189 : vector<1x16xf32> to vector<16xf32>
        %mul3A_1191 = arith.mulf %get3A_1190, %gather3A_1100 : vector<16xf32>
        %add3A_1192 = arith.constant 9 : i32
        %add3A_1193 = arith.addi %mul3A_55, %add3A_1192 : i32
        %swap3A_1194 = arith.index_cast %add3A_1193 : i32 to index
        %swap3A_1195 = arith.constant 96 : index
        %swap3A_1196 = tpu.vector_load %arg10[%swap3A_1194, %swap3A_1195] {strides = array<i32>} : memref<128x128xf32, #tpu.memory_space<vmem>>, vector<1x16xf32>,
        %swap3A_1197 = vector.shape_cast %swap3A_1196 : vector<1x16xf32> to vector<16xf32>
        %swap3A_1198 = vector.shape_cast %mul3A_1191 : vector<16xf32> to vector<1x16xf32>
        tpu.vector_store %arg10[%swap3A_1194, %swap3A_1195], %swap3A_1198 {strides = array<i32>} : memref<128x128xf32, #tpu.memory_space<vmem>>, vector<1x16xf32>,
        %add3A_1199 = arith.constant 9 : i32
        %add3A_1200 = arith.addi %mul3A_55, %add3A_1199 : i32
        %get3A_1201 = arith.index_cast %add3A_1200 : i32 to index
        %get3A_1202 = arith.constant 112 : index
        %get3A_1203 = tpu.vector_load %arg10[%get3A_1201, %get3A_1202] {strides = array<i32>} : memref<128x128xf32, #tpu.memory_space<vmem>>, vector<1x16xf32>,
        %get3A_1204 = vector.shape_cast %get3A_1203 : vector<1x16xf32> to vector<16xf32>
        %mul3A_1205 = arith.mulf %get3A_1204, %gather3A_1100 : vector<16xf32>
        %add3A_1206 = arith.constant 9 : i32
        %add3A_1207 = arith.addi %mul3A_55, %add3A_1206 : i32
        %swap3A_1208 = arith.index_cast %add3A_1207 : i32 to index
        %swap3A_1209 = arith.constant 112 : index
        %swap3A_1210 = tpu.vector_load %arg10[%swap3A_1208, %swap3A_1209] {strides = array<i32>} : memref<128x128xf32, #tpu.memory_space<vmem>>, vector<1x16xf32>,
        %swap3A_1211 = vector.shape_cast %swap3A_1210 : vector<1x16xf32> to vector<16xf32>
        %swap3A_1212 = vector.shape_cast %mul3A_1205 : vector<16xf32> to vector<1x16xf32>
        tpu.vector_store %arg10[%swap3A_1208, %swap3A_1209], %swap3A_1212 {strides = array<i32>} : memref<128x128xf32, #tpu.memory_space<vmem>>, vector<1x16xf32>,
        %broadcast_in_dim3A_1213 = arith.constant 10 : i32
        %broadcast_in_dim3A_1214 = vector.broadcast %broadcast_in_dim3A_1213 : i32 to vector<16x1xi32>
        %gather3A_1215 = vector.shape_cast %broadcast_in_dim3A_1214 : vector<16x1xi32> to vector<16xi32>
        %gather3A_1216 = tpu.dynamic_gather %get3A_53[%gather3A_1215] in [0] : vector<16xf32>, vector<16xi32> -> vector<16xf32>
        %add3A_1217 = arith.constant 10 : i32
        %add3A_1218 = arith.addi %mul3A_55, %add3A_1217 : i32
        %get3A_1219 = arith.index_cast %add3A_1218 : i32 to index
        %get3A_1220 = arith.constant 0 : index
        %get3A_1221 = tpu.vector_load %arg10[%get3A_1219, %get3A_1220] {strides = array<i32>} : memref<128x128xf32, #tpu.memory_space<vmem>>, vector<1x16xf32>,
        %get3A_1222 = vector.shape_cast %get3A_1221 : vector<1x16xf32> to vector<16xf32>
        %mul3A_1223 = arith.mulf %get3A_1222, %gather3A_1216 : vector<16xf32>
        %add3A_1224 = arith.constant 10 : i32
        %add3A_1225 = arith.addi %mul3A_55, %add3A_1224 : i32
        %swap3A_1226 = arith.index_cast %add3A_1225 : i32 to index
        %swap3A_1227 = arith.constant 0 : index
        %swap3A_1228 = tpu.vector_load %arg10[%swap3A_1226, %swap3A_1227] {strides = array<i32>} : memref<128x128xf32, #tpu.memory_space<vmem>>, vector<1x16xf32>,
        %swap3A_1229 = vector.shape_cast %swap3A_1228 : vector<1x16xf32> to vector<16xf32>
        %swap3A_1230 = vector.shape_cast %mul3A_1223 : vector<16xf32> to vector<1x16xf32>
        tpu.vector_store %arg10[%swap3A_1226, %swap3A_1227], %swap3A_1230 {strides = array<i32>} : memref<128x128xf32, #tpu.memory_space<vmem>>, vector<1x16xf32>,
        %add3A_1231 = arith.constant 10 : i32
        %add3A_1232 = arith.addi %mul3A_55, %add3A_1231 : i32
        %get3A_1233 = arith.index_cast %add3A_1232 : i32 to index
        %get3A_1234 = arith.constant 16 : index
        %get3A_1235 = tpu.vector_load %arg10[%get3A_1233, %get3A_1234] {strides = array<i32>} : memref<128x128xf32, #tpu.memory_space<vmem>>, vector<1x16xf32>,
        %get3A_1236 = vector.shape_cast %get3A_1235 : vector<1x16xf32> to vector<16xf32>
        %mul3A_1237 = arith.mulf %get3A_1236, %gather3A_1216 : vector<16xf32>
        %add3A_1238 = arith.constant 10 : i32
        %add3A_1239 = arith.addi %mul3A_55, %add3A_1238 : i32
        %swap3A_1240 = arith.index_cast %add3A_1239 : i32 to index
        %swap3A_1241 = arith.constant 16 : index
        %swap3A_1242 = tpu.vector_load %arg10[%swap3A_1240, %swap3A_1241] {strides = array<i32>} : memref<128x128xf32, #tpu.memory_space<vmem>>, vector<1x16xf32>,
        %swap3A_1243 = vector.shape_cast %swap3A_1242 : vector<1x16xf32> to vector<16xf32>
        %swap3A_1244 = vector.shape_cast %mul3A_1237 : vector<16xf32> to vector<1x16xf32>
        tpu.vector_store %arg10[%swap3A_1240, %swap3A_1241], %swap3A_1244 {strides = array<i32>} : memref<128x128xf32, #tpu.memory_space<vmem>>, vector<1x16xf32>,
        %add3A_1245 = arith.constant 10 : i32
        %add3A_1246 = arith.addi %mul3A_55, %add3A_1245 : i32
        %get3A_1247 = arith.index_cast %add3A_1246 : i32 to index
        %get3A_1248 = arith.constant 32 : index
        %get3A_1249 = tpu.vector_load %arg10[%get3A_1247, %get3A_1248] {strides = array<i32>} : memref<128x128xf32, #tpu.memory_space<vmem>>, vector<1x16xf32>,
        %get3A_1250 = vector.shape_cast %get3A_1249 : vector<1x16xf32> to vector<16xf32>
        %mul3A_1251 = arith.mulf %get3A_1250, %gather3A_1216 : vector<16xf32>
        %add3A_1252 = arith.constant 10 : i32
        %add3A_1253 = arith.addi %mul3A_55, %add3A_1252 : i32
        %swap3A_1254 = arith.index_cast %add3A_1253 : i32 to index
        %swap3A_1255 = arith.constant 32 : index
        %swap3A_1256 = tpu.vector_load %arg10[%swap3A_1254, %swap3A_1255] {strides = array<i32>} : memref<128x128xf32, #tpu.memory_space<vmem>>, vector<1x16xf32>,
        %swap3A_1257 = vector.shape_cast %swap3A_1256 : vector<1x16xf32> to vector<16xf32>
        %swap3A_1258 = vector.shape_cast %mul3A_1251 : vector<16xf32> to vector<1x16xf32>
        tpu.vector_store %arg10[%swap3A_1254, %swap3A_1255], %swap3A_1258 {strides = array<i32>} : memref<128x128xf32, #tpu.memory_space<vmem>>, vector<1x16xf32>,
        %add3A_1259 = arith.constant 10 : i32
        %add3A_1260 = arith.addi %mul3A_55, %add3A_1259 : i32
        %get3A_1261 = arith.index_cast %add3A_1260 : i32 to index
        %get3A_1262 = arith.constant 48 : index
        %get3A_1263 = tpu.vector_load %arg10[%get3A_1261, %get3A_1262] {strides = array<i32>} : memref<128x128xf32, #tpu.memory_space<vmem>>, vector<1x16xf32>,
        %get3A_1264 = vector.shape_cast %get3A_1263 : vector<1x16xf32> to vector<16xf32>
        %mul3A_1265 = arith.mulf %get3A_1264, %gather3A_1216 : vector<16xf32>
        %add3A_1266 = arith.constant 10 : i32
        %add3A_1267 = arith.addi %mul3A_55, %add3A_1266 : i32
        %swap3A_1268 = arith.index_cast %add3A_1267 : i32 to index
        %swap3A_1269 = arith.constant 48 : index
        %swap3A_1270 = tpu.vector_load %arg10[%swap3A_1268, %swap3A_1269] {strides = array<i32>} : memref<128x128xf32, #tpu.memory_space<vmem>>, vector<1x16xf32>,
        %swap3A_1271 = vector.shape_cast %swap3A_1270 : vector<1x16xf32> to vector<16xf32>
        %swap3A_1272 = vector.shape_cast %mul3A_1265 : vector<16xf32> to vector<1x16xf32>
        tpu.vector_store %arg10[%swap3A_1268, %swap3A_1269], %swap3A_1272 {strides = array<i32>} : memref<128x128xf32, #tpu.memory_space<vmem>>, vector<1x16xf32>,
        %add3A_1273 = arith.constant 10 : i32
        %add3A_1274 = arith.addi %mul3A_55, %add3A_1273 : i32
        %get3A_1275 = arith.index_cast %add3A_1274 : i32 to index
        %get3A_1276 = arith.constant 64 : index
        %get3A_1277 = tpu.vector_load %arg10[%get3A_1275, %get3A_1276] {strides = array<i32>} : memref<128x128xf32, #tpu.memory_space<vmem>>, vector<1x16xf32>,
        %get3A_1278 = vector.shape_cast %get3A_1277 : vector<1x16xf32> to vector<16xf32>
        %mul3A_1279 = arith.mulf %get3A_1278, %gather3A_1216 : vector<16xf32>
        %add3A_1280 = arith.constant 10 : i32
        %add3A_1281 = arith.addi %mul3A_55, %add3A_1280 : i32
        %swap3A_1282 = arith.index_cast %add3A_1281 : i32 to index
        %swap3A_1283 = arith.constant 64 : index
        %swap3A_1284 = tpu.vector_load %arg10[%swap3A_1282, %swap3A_1283] {strides = array<i32>} : memref<128x128xf32, #tpu.memory_space<vmem>>, vector<1x16xf32>,
        %swap3A_1285 = vector.shape_cast %swap3A_1284 : vector<1x16xf32> to vector<16xf32>
        %swap3A_1286 = vector.shape_cast %mul3A_1279 : vector<16xf32> to vector<1x16xf32>
        tpu.vector_store %arg10[%swap3A_1282, %swap3A_1283], %swap3A_1286 {strides = array<i32>} : memref<128x128xf32, #tpu.memory_space<vmem>>, vector<1x16xf32>,
        %add3A_1287 = arith.constant 10 : i32
        %add3A_1288 = arith.addi %mul3A_55, %add3A_1287 : i32
        %get3A_1289 = arith.index_cast %add3A_1288 : i32 to index
        %get3A_1290 = arith.constant 80 : index
        %get3A_1291 = tpu.vector_load %arg10[%get3A_1289, %get3A_1290] {strides = array<i32>} : memref<128x128xf32, #tpu.memory_space<vmem>>, vector<1x16xf32>,
        %get3A_1292 = vector.shape_cast %get3A_1291 : vector<1x16xf32> to vector<16xf32>
        %mul3A_1293 = arith.mulf %get3A_1292, %gather3A_1216 : vector<16xf32>
        %add3A_1294 = arith.constant 10 : i32
        %add3A_1295 = arith.addi %mul3A_55, %add3A_1294 : i32
        %swap3A_1296 = arith.index_cast %add3A_1295 : i32 to index
        %swap3A_1297 = arith.constant 80 : index
        %swap3A_1298 = tpu.vector_load %arg10[%swap3A_1296, %swap3A_1297] {strides = array<i32>} : memref<128x128xf32, #tpu.memory_space<vmem>>, vector<1x16xf32>,
        %swap3A_1299 = vector.shape_cast %swap3A_1298 : vector<1x16xf32> to vector<16xf32>
        %swap3A_1300 = vector.shape_cast %mul3A_1293 : vector<16xf32> to vector<1x16xf32>
        tpu.vector_store %arg10[%swap3A_1296, %swap3A_1297], %swap3A_1300 {strides = array<i32>} : memref<128x128xf32, #tpu.memory_space<vmem>>, vector<1x16xf32>,
        %add3A_1301 = arith.constant 10 : i32
        %add3A_1302 = arith.addi %mul3A_55, %add3A_1301 : i32
        %get3A_1303 = arith.index_cast %add3A_1302 : i32 to index
        %get3A_1304 = arith.constant 96 : index
        %get3A_1305 = tpu.vector_load %arg10[%get3A_1303, %get3A_1304] {strides = array<i32>} : memref<128x128xf32, #tpu.memory_space<vmem>>, vector<1x16xf32>,
        %get3A_1306 = vector.shape_cast %get3A_1305 : vector<1x16xf32> to vector<16xf32>
        %mul3A_1307 = arith.mulf %get3A_1306, %gather3A_1216 : vector<16xf32>
        %add3A_1308 = arith.constant 10 : i32
        %add3A_1309 = arith.addi %mul3A_55, %add3A_1308 : i32
        %swap3A_1310 = arith.index_cast %add3A_1309 : i32 to index
        %swap3A_1311 = arith.constant 96 : index
        %swap3A_1312 = tpu.vector_load %arg10[%swap3A_1310, %swap3A_1311] {strides = array<i32>} : memref<128x128xf32, #tpu.memory_space<vmem>>, vector<1x16xf32>,
        %swap3A_1313 = vector.shape_cast %swap3A_1312 : vector<1x16xf32> to vector<16xf32>
        %swap3A_1314 = vector.shape_cast %mul3A_1307 : vector<16xf32> to vector<1x16xf32>
        tpu.vector_store %arg10[%swap3A_1310, %swap3A_1311], %swap3A_1314 {strides = array<i32>} : memref<128x128xf32, #tpu.memory_space<vmem>>, vector<1x16xf32>,
        %add3A_1315 = arith.constant 10 : i32
        %add3A_1316 = arith.addi %mul3A_55, %add3A_1315 : i32
        %get3A_1317 = arith.index_cast %add3A_1316 : i32 to index
        %get3A_1318 = arith.constant 112 : index
        %get3A_1319 = tpu.vector_load %arg10[%get3A_1317, %get3A_1318] {strides = array<i32>} : memref<128x128xf32, #tpu.memory_space<vmem>>, vector<1x16xf32>,
        %get3A_1320 = vector.shape_cast %get3A_1319 : vector<1x16xf32> to vector<16xf32>
        %mul3A_1321 = arith.mulf %get3A_1320, %gather3A_1216 : vector<16xf32>
        %add3A_1322 = arith.constant 10 : i32
        %add3A_1323 = arith.addi %mul3A_55, %add3A_1322 : i32
        %swap3A_1324 = arith.index_cast %add3A_1323 : i32 to index
        %swap3A_1325 = arith.constant 112 : index
        %swap3A_1326 = tpu.vector_load %arg10[%swap3A_1324, %swap3A_1325] {strides = array<i32>} : memref<128x128xf32, #tpu.memory_space<vmem>>, vector<1x16xf32>,
        %swap3A_1327 = vector.shape_cast %swap3A_1326 : vector<1x16xf32> to vector<16xf32>
        %swap3A_1328 = vector.shape_cast %mul3A_1321 : vector<16xf32> to vector<1x16xf32>
        tpu.vector_store %arg10[%swap3A_1324, %swap3A_1325], %swap3A_1328 {strides = array<i32>} : memref<128x128xf32, #tpu.memory_space<vmem>>, vector<1x16xf32>,
        %broadcast_in_dim3A_1329 = arith.constant 11 : i32
        %broadcast_in_dim3A_1330 = vector.broadcast %broadcast_in_dim3A_1329 : i32 to vector<16x1xi32>
        %gather3A_1331 = vector.shape_cast %broadcast_in_dim3A_1330 : vector<16x1xi32> to vector<16xi32>
        %gather3A_1332 = tpu.dynamic_gather %get3A_53[%gather3A_1331] in [0] : vector<16xf32>, vector<16xi32> -> vector<16xf32>
        %add3A_1333 = arith.constant 11 : i32
        %add3A_1334 = arith.addi %mul3A_55, %add3A_1333 : i32
        %get3A_1335 = arith.index_cast %add3A_1334 : i32 to index
        %get3A_1336 = arith.constant 0 : index
        %get3A_1337 = tpu.vector_load %arg10[%get3A_1335, %get3A_1336] {strides = array<i32>} : memref<128x128xf32, #tpu.memory_space<vmem>>, vector<1x16xf32>,
        %get3A_1338 = vector.shape_cast %get3A_1337 : vector<1x16xf32> to vector<16xf32>
        %mul3A_1339 = arith.mulf %get3A_1338, %gather3A_1332 : vector<16xf32>
        %add3A_1340 = arith.constant 11 : i32
        %add3A_1341 = arith.addi %mul3A_55, %add3A_1340 : i32
        %swap3A_1342 = arith.index_cast %add3A_1341 : i32 to index
        %swap3A_1343 = arith.constant 0 : index
        %swap3A_1344 = tpu.vector_load %arg10[%swap3A_1342, %swap3A_1343] {strides = array<i32>} : memref<128x128xf32, #tpu.memory_space<vmem>>, vector<1x16xf32>,
        %swap3A_1345 = vector.shape_cast %swap3A_1344 : vector<1x16xf32> to vector<16xf32>
        %swap3A_1346 = vector.shape_cast %mul3A_1339 : vector<16xf32> to vector<1x16xf32>
        tpu.vector_store %arg10[%swap3A_1342, %swap3A_1343], %swap3A_1346 {strides = array<i32>} : memref<128x128xf32, #tpu.memory_space<vmem>>, vector<1x16xf32>,
        %add3A_1347 = arith.constant 11 : i32
        %add3A_1348 = arith.addi %mul3A_55, %add3A_1347 : i32
        %get3A_1349 = arith.index_cast %add3A_1348 : i32 to index
        %get3A_1350 = arith.constant 16 : index
        %get3A_1351 = tpu.vector_load %arg10[%get3A_1349, %get3A_1350] {strides = array<i32>} : memref<128x128xf32, #tpu.memory_space<vmem>>, vector<1x16xf32>,
        %get3A_1352 = vector.shape_cast %get3A_1351 : vector<1x16xf32> to vector<16xf32>
        %mul3A_1353 = arith.mulf %get3A_1352, %gather3A_1332 : vector<16xf32>
        %add3A_1354 = arith.constant 11 : i32
        %add3A_1355 = arith.addi %mul3A_55, %add3A_1354 : i32
        %swap3A_1356 = arith.index_cast %add3A_1355 : i32 to index
        %swap3A_1357 = arith.constant 16 : index
        %swap3A_1358 = tpu.vector_load %arg10[%swap3A_1356, %swap3A_1357] {strides = array<i32>} : memref<128x128xf32, #tpu.memory_space<vmem>>, vector<1x16xf32>,
        %swap3A_1359 = vector.shape_cast %swap3A_1358 : vector<1x16xf32> to vector<16xf32>
        %swap3A_1360 = vector.shape_cast %mul3A_1353 : vector<16xf32> to vector<1x16xf32>
        tpu.vector_store %arg10[%swap3A_1356, %swap3A_1357], %swap3A_1360 {strides = array<i32>} : memref<128x128xf32, #tpu.memory_space<vmem>>, vector<1x16xf32>,
        %add3A_1361 = arith.constant 11 : i32
        %add3A_1362 = arith.addi %mul3A_55, %add3A_1361 : i32
        %get3A_1363 = arith.index_cast %add3A_1362 : i32 to index
        %get3A_1364 = arith.constant 32 : index
        %get3A_1365 = tpu.vector_load %arg10[%get3A_1363, %get3A_1364] {strides = array<i32>} : memref<128x128xf32, #tpu.memory_space<vmem>>, vector<1x16xf32>,
        %get3A_1366 = vector.shape_cast %get3A_1365 : vector<1x16xf32> to vector<16xf32>
        %mul3A_1367 = arith.mulf %get3A_1366, %gather3A_1332 : vector<16xf32>
        %add3A_1368 = arith.constant 11 : i32
        %add3A_1369 = arith.addi %mul3A_55, %add3A_1368 : i32
        %swap3A_1370 = arith.index_cast %add3A_1369 : i32 to index
        %swap3A_1371 = arith.constant 32 : index
        %swap3A_1372 = tpu.vector_load %arg10[%swap3A_1370, %swap3A_1371] {strides = array<i32>} : memref<128x128xf32, #tpu.memory_space<vmem>>, vector<1x16xf32>,
        %swap3A_1373 = vector.shape_cast %swap3A_1372 : vector<1x16xf32> to vector<16xf32>
        %swap3A_1374 = vector.shape_cast %mul3A_1367 : vector<16xf32> to vector<1x16xf32>
        tpu.vector_store %arg10[%swap3A_1370, %swap3A_1371], %swap3A_1374 {strides = array<i32>} : memref<128x128xf32, #tpu.memory_space<vmem>>, vector<1x16xf32>,
        %add3A_1375 = arith.constant 11 : i32
        %add3A_1376 = arith.addi %mul3A_55, %add3A_1375 : i32
        %get3A_1377 = arith.index_cast %add3A_1376 : i32 to index
        %get3A_1378 = arith.constant 48 : index
        %get3A_1379 = tpu.vector_load %arg10[%get3A_1377, %get3A_1378] {strides = array<i32>} : memref<128x128xf32, #tpu.memory_space<vmem>>, vector<1x16xf32>,
        %get3A_1380 = vector.shape_cast %get3A_1379 : vector<1x16xf32> to vector<16xf32>
        %mul3A_1381 = arith.mulf %get3A_1380, %gather3A_1332 : vector<16xf32>
        %add3A_1382 = arith.constant 11 : i32
        %add3A_1383 = arith.addi %mul3A_55, %add3A_1382 : i32
        %swap3A_1384 = arith.index_cast %add3A_1383 : i32 to index
        %swap3A_1385 = arith.constant 48 : index
        %swap3A_1386 = tpu.vector_load %arg10[%swap3A_1384, %swap3A_1385] {strides = array<i32>} : memref<128x128xf32, #tpu.memory_space<vmem>>, vector<1x16xf32>,
        %swap3A_1387 = vector.shape_cast %swap3A_1386 : vector<1x16xf32> to vector<16xf32>
        %swap3A_1388 = vector.shape_cast %mul3A_1381 : vector<16xf32> to vector<1x16xf32>
        tpu.vector_store %arg10[%swap3A_1384, %swap3A_1385], %swap3A_1388 {strides = array<i32>} : memref<128x128xf32, #tpu.memory_space<vmem>>, vector<1x16xf32>,
        %add3A_1389 = arith.constant 11 : i32
        %add3A_1390 = arith.addi %mul3A_55, %add3A_1389 : i32
        %get3A_1391 = arith.index_cast %add3A_1390 : i32 to index
        %get3A_1392 = arith.constant 64 : index
        %get3A_1393 = tpu.vector_load %arg10[%get3A_1391, %get3A_1392] {strides = array<i32>} : memref<128x128xf32, #tpu.memory_space<vmem>>, vector<1x16xf32>,
        %get3A_1394 = vector.shape_cast %get3A_1393 : vector<1x16xf32> to vector<16xf32>
        %mul3A_1395 = arith.mulf %get3A_1394, %gather3A_1332 : vector<16xf32>
        %add3A_1396 = arith.constant 11 : i32
        %add3A_1397 = arith.addi %mul3A_55, %add3A_1396 : i32
        %swap3A_1398 = arith.index_cast %add3A_1397 : i32 to index
        %swap3A_1399 = arith.constant 64 : index
        %swap3A_1400 = tpu.vector_load %arg10[%swap3A_1398, %swap3A_1399] {strides = array<i32>} : memref<128x128xf32, #tpu.memory_space<vmem>>, vector<1x16xf32>,
        %swap3A_1401 = vector.shape_cast %swap3A_1400 : vector<1x16xf32> to vector<16xf32>
        %swap3A_1402 = vector.shape_cast %mul3A_1395 : vector<16xf32> to vector<1x16xf32>
        tpu.vector_store %arg10[%swap3A_1398, %swap3A_1399], %swap3A_1402 {strides = array<i32>} : memref<128x128xf32, #tpu.memory_space<vmem>>, vector<1x16xf32>,
        %add3A_1403 = arith.constant 11 : i32
        %add3A_1404 = arith.addi %mul3A_55, %add3A_1403 : i32
        %get3A_1405 = arith.index_cast %add3A_1404 : i32 to index
        %get3A_1406 = arith.constant 80 : index
        %get3A_1407 = tpu.vector_load %arg10[%get3A_1405, %get3A_1406] {strides = array<i32>} : memref<128x128xf32, #tpu.memory_space<vmem>>, vector<1x16xf32>,
        %get3A_1408 = vector.shape_cast %get3A_1407 : vector<1x16xf32> to vector<16xf32>
        %mul3A_1409 = arith.mulf %get3A_1408, %gather3A_1332 : vector<16xf32>
        %add3A_1410 = arith.constant 11 : i32
        %add3A_1411 = arith.addi %mul3A_55, %add3A_1410 : i32
        %swap3A_1412 = arith.index_cast %add3A_1411 : i32 to index
        %swap3A_1413 = arith.constant 80 : index
        %swap3A_1414 = tpu.vector_load %arg10[%swap3A_1412, %swap3A_1413] {strides = array<i32>} : memref<128x128xf32, #tpu.memory_space<vmem>>, vector<1x16xf32>,
        %swap3A_1415 = vector.shape_cast %swap3A_1414 : vector<1x16xf32> to vector<16xf32>
        %swap3A_1416 = vector.shape_cast %mul3A_1409 : vector<16xf32> to vector<1x16xf32>
        tpu.vector_store %arg10[%swap3A_1412, %swap3A_1413], %swap3A_1416 {strides = array<i32>} : memref<128x128xf32, #tpu.memory_space<vmem>>, vector<1x16xf32>,
        %add3A_1417 = arith.constant 11 : i32
        %add3A_1418 = arith.addi %mul3A_55, %add3A_1417 : i32
        %get3A_1419 = arith.index_cast %add3A_1418 : i32 to index
        %get3A_1420 = arith.constant 96 : index
        %get3A_1421 = tpu.vector_load %arg10[%get3A_1419, %get3A_1420] {strides = array<i32>} : memref<128x128xf32, #tpu.memory_space<vmem>>, vector<1x16xf32>,
        %get3A_1422 = vector.shape_cast %get3A_1421 : vector<1x16xf32> to vector<16xf32>
        %mul3A_1423 = arith.mulf %get3A_1422, %gather3A_1332 : vector<16xf32>
        %add3A_1424 = arith.constant 11 : i32
        %add3A_1425 = arith.addi %mul3A_55, %add3A_1424 : i32
        %swap3A_1426 = arith.index_cast %add3A_1425 : i32 to index
        %swap3A_1427 = arith.constant 96 : index
        %swap3A_1428 = tpu.vector_load %arg10[%swap3A_1426, %swap3A_1427] {strides = array<i32>} : memref<128x128xf32, #tpu.memory_space<vmem>>, vector<1x16xf32>,
        %swap3A_1429 = vector.shape_cast %swap3A_1428 : vector<1x16xf32> to vector<16xf32>
        %swap3A_1430 = vector.shape_cast %mul3A_1423 : vector<16xf32> to vector<1x16xf32>
        tpu.vector_store %arg10[%swap3A_1426, %swap3A_1427], %swap3A_1430 {strides = array<i32>} : memref<128x128xf32, #tpu.memory_space<vmem>>, vector<1x16xf32>,
        %add3A_1431 = arith.constant 11 : i32
        %add3A_1432 = arith.addi %mul3A_55, %add3A_1431 : i32
        %get3A_1433 = arith.index_cast %add3A_1432 : i32 to index
        %get3A_1434 = arith.constant 112 : index
        %get3A_1435 = tpu.vector_load %arg10[%get3A_1433, %get3A_1434] {strides = array<i32>} : memref<128x128xf32, #tpu.memory_space<vmem>>, vector<1x16xf32>,
        %get3A_1436 = vector.shape_cast %get3A_1435 : vector<1x16xf32> to vector<16xf32>
        %mul3A_1437 = arith.mulf %get3A_1436, %gather3A_1332 : vector<16xf32>
        %add3A_1438 = arith.constant 11 : i32
        %add3A_1439 = arith.addi %mul3A_55, %add3A_1438 : i32
        %swap3A_1440 = arith.index_cast %add3A_1439 : i32 to index
        %swap3A_1441 = arith.constant 112 : index
        %swap3A_1442 = tpu.vector_load %arg10[%swap3A_1440, %swap3A_1441] {strides = array<i32>} : memref<128x128xf32, #tpu.memory_space<vmem>>, vector<1x16xf32>,
        %swap3A_1443 = vector.shape_cast %swap3A_1442 : vector<1x16xf32> to vector<16xf32>
        %swap3A_1444 = vector.shape_cast %mul3A_1437 : vector<16xf32> to vector<1x16xf32>
        tpu.vector_store %arg10[%swap3A_1440, %swap3A_1441], %swap3A_1444 {strides = array<i32>} : memref<128x128xf32, #tpu.memory_space<vmem>>, vector<1x16xf32>,
        %broadcast_in_dim3A_1445 = arith.constant 12 : i32
        %broadcast_in_dim3A_1446 = vector.broadcast %broadcast_in_dim3A_1445 : i32 to vector<16x1xi32>
        %gather3A_1447 = vector.shape_cast %broadcast_in_dim3A_1446 : vector<16x1xi32> to vector<16xi32>
        %gather3A_1448 = tpu.dynamic_gather %get3A_53[%gather3A_1447] in [0] : vector<16xf32>, vector<16xi32> -> vector<16xf32>
        %add3A_1449 = arith.constant 12 : i32
        %add3A_1450 = arith.addi %mul3A_55, %add3A_1449 : i32
        %get3A_1451 = arith.index_cast %add3A_1450 : i32 to index
        %get3A_1452 = arith.constant 0 : index
        %get3A_1453 = tpu.vector_load %arg10[%get3A_1451, %get3A_1452] {strides = array<i32>} : memref<128x128xf32, #tpu.memory_space<vmem>>, vector<1x16xf32>,
        %get3A_1454 = vector.shape_cast %get3A_1453 : vector<1x16xf32> to vector<16xf32>
        %mul3A_1455 = arith.mulf %get3A_1454, %gather3A_1448 : vector<16xf32>
        %add3A_1456 = arith.constant 12 : i32
        %add3A_1457 = arith.addi %mul3A_55, %add3A_1456 : i32
        %swap3A_1458 = arith.index_cast %add3A_1457 : i32 to index
        %swap3A_1459 = arith.constant 0 : index
        %swap3A_1460 = tpu.vector_load %arg10[%swap3A_1458, %swap3A_1459] {strides = array<i32>} : memref<128x128xf32, #tpu.memory_space<vmem>>, vector<1x16xf32>,
        %swap3A_1461 = vector.shape_cast %swap3A_1460 : vector<1x16xf32> to vector<16xf32>
        %swap3A_1462 = vector.shape_cast %mul3A_1455 : vector<16xf32> to vector<1x16xf32>
        tpu.vector_store %arg10[%swap3A_1458, %swap3A_1459], %swap3A_1462 {strides = array<i32>} : memref<128x128xf32, #tpu.memory_space<vmem>>, vector<1x16xf32>,
        %add3A_1463 = arith.constant 12 : i32
        %add3A_1464 = arith.addi %mul3A_55, %add3A_1463 : i32
        %get3A_1465 = arith.index_cast %add3A_1464 : i32 to index
        %get3A_1466 = arith.constant 16 : index
        %get3A_1467 = tpu.vector_load %arg10[%get3A_1465, %get3A_1466] {strides = array<i32>} : memref<128x128xf32, #tpu.memory_space<vmem>>, vector<1x16xf32>,
        %get3A_1468 = vector.shape_cast %get3A_1467 : vector<1x16xf32> to vector<16xf32>
        %mul3A_1469 = arith.mulf %get3A_1468, %gather3A_1448 : vector<16xf32>
        %add3A_1470 = arith.constant 12 : i32
        %add3A_1471 = arith.addi %mul3A_55, %add3A_1470 : i32
        %swap3A_1472 = arith.index_cast %add3A_1471 : i32 to index
        %swap3A_1473 = arith.constant 16 : index
        %swap3A_1474 = tpu.vector_load %arg10[%swap3A_1472, %swap3A_1473] {strides = array<i32>} : memref<128x128xf32, #tpu.memory_space<vmem>>, vector<1x16xf32>,
        %swap3A_1475 = vector.shape_cast %swap3A_1474 : vector<1x16xf32> to vector<16xf32>
        %swap3A_1476 = vector.shape_cast %mul3A_1469 : vector<16xf32> to vector<1x16xf32>
        tpu.vector_store %arg10[%swap3A_1472, %swap3A_1473], %swap3A_1476 {strides = array<i32>} : memref<128x128xf32, #tpu.memory_space<vmem>>, vector<1x16xf32>,
        %add3A_1477 = arith.constant 12 : i32
        %add3A_1478 = arith.addi %mul3A_55, %add3A_1477 : i32
        %get3A_1479 = arith.index_cast %add3A_1478 : i32 to index
        %get3A_1480 = arith.constant 32 : index
        %get3A_1481 = tpu.vector_load %arg10[%get3A_1479, %get3A_1480] {strides = array<i32>} : memref<128x128xf32, #tpu.memory_space<vmem>>, vector<1x16xf32>,
        %get3A_1482 = vector.shape_cast %get3A_1481 : vector<1x16xf32> to vector<16xf32>
        %mul3A_1483 = arith.mulf %get3A_1482, %gather3A_1448 : vector<16xf32>
        %add3A_1484 = arith.constant 12 : i32
        %add3A_1485 = arith.addi %mul3A_55, %add3A_1484 : i32
        %swap3A_1486 = arith.index_cast %add3A_1485 : i32 to index
        %swap3A_1487 = arith.constant 32 : index
        %swap3A_1488 = tpu.vector_load %arg10[%swap3A_1486, %swap3A_1487] {strides = array<i32>} : memref<128x128xf32, #tpu.memory_space<vmem>>, vector<1x16xf32>,
        %swap3A_1489 = vector.shape_cast %swap3A_1488 : vector<1x16xf32> to vector<16xf32>
        %swap3A_1490 = vector.shape_cast %mul3A_1483 : vector<16xf32> to vector<1x16xf32>
        tpu.vector_store %arg10[%swap3A_1486, %swap3A_1487], %swap3A_1490 {strides = array<i32>} : memref<128x128xf32, #tpu.memory_space<vmem>>, vector<1x16xf32>,
        %add3A_1491 = arith.constant 12 : i32
        %add3A_1492 = arith.addi %mul3A_55, %add3A_1491 : i32
        %get3A_1493 = arith.index_cast %add3A_1492 : i32 to index
        %get3A_1494 = arith.constant 48 : index
        %get3A_1495 = tpu.vector_load %arg10[%get3A_1493, %get3A_1494] {strides = array<i32>} : memref<128x128xf32, #tpu.memory_space<vmem>>, vector<1x16xf32>,
        %get3A_1496 = vector.shape_cast %get3A_1495 : vector<1x16xf32> to vector<16xf32>
        %mul3A_1497 = arith.mulf %get3A_1496, %gather3A_1448 : vector<16xf32>
        %add3A_1498 = arith.constant 12 : i32
        %add3A_1499 = arith.addi %mul3A_55, %add3A_1498 : i32
        %swap3A_1500 = arith.index_cast %add3A_1499 : i32 to index
        %swap3A_1501 = arith.constant 48 : index
        %swap3A_1502 = tpu.vector_load %arg10[%swap3A_1500, %swap3A_1501] {strides = array<i32>} : memref<128x128xf32, #tpu.memory_space<vmem>>, vector<1x16xf32>,
        %swap3A_1503 = vector.shape_cast %swap3A_1502 : vector<1x16xf32> to vector<16xf32>
        %swap3A_1504 = vector.shape_cast %mul3A_1497 : vector<16xf32> to vector<1x16xf32>
        tpu.vector_store %arg10[%swap3A_1500, %swap3A_1501], %swap3A_1504 {strides = array<i32>} : memref<128x128xf32, #tpu.memory_space<vmem>>, vector<1x16xf32>,
        %add3A_1505 = arith.constant 12 : i32
        %add3A_1506 = arith.addi %mul3A_55, %add3A_1505 : i32
        %get3A_1507 = arith.index_cast %add3A_1506 : i32 to index
        %get3A_1508 = arith.constant 64 : index
        %get3A_1509 = tpu.vector_load %arg10[%get3A_1507, %get3A_1508] {strides = array<i32>} : memref<128x128xf32, #tpu.memory_space<vmem>>, vector<1x16xf32>,
        %get3A_1510 = vector.shape_cast %get3A_1509 : vector<1x16xf32> to vector<16xf32>
        %mul3A_1511 = arith.mulf %get3A_1510, %gather3A_1448 : vector<16xf32>
        %add3A_1512 = arith.constant 12 : i32
        %add3A_1513 = arith.addi %mul3A_55, %add3A_1512 : i32
        %swap3A_1514 = arith.index_cast %add3A_1513 : i32 to index
        %swap3A_1515 = arith.constant 64 : index
        %swap3A_1516 = tpu.vector_load %arg10[%swap3A_1514, %swap3A_1515] {strides = array<i32>} : memref<128x128xf32, #tpu.memory_space<vmem>>, vector<1x16xf32>,
        %swap3A_1517 = vector.shape_cast %swap3A_1516 : vector<1x16xf32> to vector<16xf32>
        %swap3A_1518 = vector.shape_cast %mul3A_1511 : vector<16xf32> to vector<1x16xf32>
        tpu.vector_store %arg10[%swap3A_1514, %swap3A_1515], %swap3A_1518 {strides = array<i32>} : memref<128x128xf32, #tpu.memory_space<vmem>>, vector<1x16xf32>,
        %add3A_1519 = arith.constant 12 : i32
        %add3A_1520 = arith.addi %mul3A_55, %add3A_1519 : i32
        %get3A_1521 = arith.index_cast %add3A_1520 : i32 to index
        %get3A_1522 = arith.constant 80 : index
        %get3A_1523 = tpu.vector_load %arg10[%get3A_1521, %get3A_1522] {strides = array<i32>} : memref<128x128xf32, #tpu.memory_space<vmem>>, vector<1x16xf32>,
        %get3A_1524 = vector.shape_cast %get3A_1523 : vector<1x16xf32> to vector<16xf32>
        %mul3A_1525 = arith.mulf %get3A_1524, %gather3A_1448 : vector<16xf32>
        %add3A_1526 = arith.constant 12 : i32
        %add3A_1527 = arith.addi %mul3A_55, %add3A_1526 : i32
        %swap3A_1528 = arith.index_cast %add3A_1527 : i32 to index
        %swap3A_1529 = arith.constant 80 : index
        %swap3A_1530 = tpu.vector_load %arg10[%swap3A_1528, %swap3A_1529] {strides = array<i32>} : memref<128x128xf32, #tpu.memory_space<vmem>>, vector<1x16xf32>,
        %swap3A_1531 = vector.shape_cast %swap3A_1530 : vector<1x16xf32> to vector<16xf32>
        %swap3A_1532 = vector.shape_cast %mul3A_1525 : vector<16xf32> to vector<1x16xf32>
        tpu.vector_store %arg10[%swap3A_1528, %swap3A_1529], %swap3A_1532 {strides = array<i32>} : memref<128x128xf32, #tpu.memory_space<vmem>>, vector<1x16xf32>,
        %add3A_1533 = arith.constant 12 : i32
        %add3A_1534 = arith.addi %mul3A_55, %add3A_1533 : i32
        %get3A_1535 = arith.index_cast %add3A_1534 : i32 to index
        %get3A_1536 = arith.constant 96 : index
        %get3A_1537 = tpu.vector_load %arg10[%get3A_1535, %get3A_1536] {strides = array<i32>} : memref<128x128xf32, #tpu.memory_space<vmem>>, vector<1x16xf32>,
        %get3A_1538 = vector.shape_cast %get3A_1537 : vector<1x16xf32> to vector<16xf32>
        %mul3A_1539 = arith.mulf %get3A_1538, %gather3A_1448 : vector<16xf32>
        %add3A_1540 = arith.constant 12 : i32
        %add3A_1541 = arith.addi %mul3A_55, %add3A_1540 : i32
        %swap3A_1542 = arith.index_cast %add3A_1541 : i32 to index
        %swap3A_1543 = arith.constant 96 : index
        %swap3A_1544 = tpu.vector_load %arg10[%swap3A_1542, %swap3A_1543] {strides = array<i32>} : memref<128x128xf32, #tpu.memory_space<vmem>>, vector<1x16xf32>,
        %swap3A_1545 = vector.shape_cast %swap3A_1544 : vector<1x16xf32> to vector<16xf32>
        %swap3A_1546 = vector.shape_cast %mul3A_1539 : vector<16xf32> to vector<1x16xf32>
        tpu.vector_store %arg10[%swap3A_1542, %swap3A_1543], %swap3A_1546 {strides = array<i32>} : memref<128x128xf32, #tpu.memory_space<vmem>>, vector<1x16xf32>,
        %add3A_1547 = arith.constant 12 : i32
        %add3A_1548 = arith.addi %mul3A_55, %add3A_1547 : i32
        %get3A_1549 = arith.index_cast %add3A_1548 : i32 to index
        %get3A_1550 = arith.constant 112 : index
        %get3A_1551 = tpu.vector_load %arg10[%get3A_1549, %get3A_1550] {strides = array<i32>} : memref<128x128xf32, #tpu.memory_space<vmem>>, vector<1x16xf32>,
        %get3A_1552 = vector.shape_cast %get3A_1551 : vector<1x16xf32> to vector<16xf32>
        %mul3A_1553 = arith.mulf %get3A_1552, %gather3A_1448 : vector<16xf32>
        %add3A_1554 = arith.constant 12 : i32
        %add3A_1555 = arith.addi %mul3A_55, %add3A_1554 : i32
        %swap3A_1556 = arith.index_cast %add3A_1555 : i32 to index
        %swap3A_1557 = arith.constant 112 : index
        %swap3A_1558 = tpu.vector_load %arg10[%swap3A_1556, %swap3A_1557] {strides = array<i32>} : memref<128x128xf32, #tpu.memory_space<vmem>>, vector<1x16xf32>,
        %swap3A_1559 = vector.shape_cast %swap3A_1558 : vector<1x16xf32> to vector<16xf32>
        %swap3A_1560 = vector.shape_cast %mul3A_1553 : vector<16xf32> to vector<1x16xf32>
        tpu.vector_store %arg10[%swap3A_1556, %swap3A_1557], %swap3A_1560 {strides = array<i32>} : memref<128x128xf32, #tpu.memory_space<vmem>>, vector<1x16xf32>,
        %broadcast_in_dim3A_1561 = arith.constant 13 : i32
        %broadcast_in_dim3A_1562 = vector.broadcast %broadcast_in_dim3A_1561 : i32 to vector<16x1xi32>
        %gather3A_1563 = vector.shape_cast %broadcast_in_dim3A_1562 : vector<16x1xi32> to vector<16xi32>
        %gather3A_1564 = tpu.dynamic_gather %get3A_53[%gather3A_1563] in [0] : vector<16xf32>, vector<16xi32> -> vector<16xf32>
        %add3A_1565 = arith.constant 13 : i32
        %add3A_1566 = arith.addi %mul3A_55, %add3A_1565 : i32
        %get3A_1567 = arith.index_cast %add3A_1566 : i32 to index
        %get3A_1568 = arith.constant 0 : index
        %get3A_1569 = tpu.vector_load %arg10[%get3A_1567, %get3A_1568] {strides = array<i32>} : memref<128x128xf32, #tpu.memory_space<vmem>>, vector<1x16xf32>,
        %get3A_1570 = vector.shape_cast %get3A_1569 : vector<1x16xf32> to vector<16xf32>
        %mul3A_1571 = arith.mulf %get3A_1570, %gather3A_1564 : vector<16xf32>
        %add3A_1572 = arith.constant 13 : i32
        %add3A_1573 = arith.addi %mul3A_55, %add3A_1572 : i32
        %swap3A_1574 = arith.index_cast %add3A_1573 : i32 to index
        %swap3A_1575 = arith.constant 0 : index
        %swap3A_1576 = tpu.vector_load %arg10[%swap3A_1574, %swap3A_1575] {strides = array<i32>} : memref<128x128xf32, #tpu.memory_space<vmem>>, vector<1x16xf32>,
        %swap3A_1577 = vector.shape_cast %swap3A_1576 : vector<1x16xf32> to vector<16xf32>
        %swap3A_1578 = vector.shape_cast %mul3A_1571 : vector<16xf32> to vector<1x16xf32>
        tpu.vector_store %arg10[%swap3A_1574, %swap3A_1575], %swap3A_1578 {strides = array<i32>} : memref<128x128xf32, #tpu.memory_space<vmem>>, vector<1x16xf32>,
        %add3A_1579 = arith.constant 13 : i32
        %add3A_1580 = arith.addi %mul3A_55, %add3A_1579 : i32
        %get3A_1581 = arith.index_cast %add3A_1580 : i32 to index
        %get3A_1582 = arith.constant 16 : index
        %get3A_1583 = tpu.vector_load %arg10[%get3A_1581, %get3A_1582] {strides = array<i32>} : memref<128x128xf32, #tpu.memory_space<vmem>>, vector<1x16xf32>,
        %get3A_1584 = vector.shape_cast %get3A_1583 : vector<1x16xf32> to vector<16xf32>
        %mul3A_1585 = arith.mulf %get3A_1584, %gather3A_1564 : vector<16xf32>
        %add3A_1586 = arith.constant 13 : i32
        %add3A_1587 = arith.addi %mul3A_55, %add3A_1586 : i32
        %swap3A_1588 = arith.index_cast %add3A_1587 : i32 to index
        %swap3A_1589 = arith.constant 16 : index
        %swap3A_1590 = tpu.vector_load %arg10[%swap3A_1588, %swap3A_1589] {strides = array<i32>} : memref<128x128xf32, #tpu.memory_space<vmem>>, vector<1x16xf32>,
        %swap3A_1591 = vector.shape_cast %swap3A_1590 : vector<1x16xf32> to vector<16xf32>
        %swap3A_1592 = vector.shape_cast %mul3A_1585 : vector<16xf32> to vector<1x16xf32>
        tpu.vector_store %arg10[%swap3A_1588, %swap3A_1589], %swap3A_1592 {strides = array<i32>} : memref<128x128xf32, #tpu.memory_space<vmem>>, vector<1x16xf32>,
        %add3A_1593 = arith.constant 13 : i32
        %add3A_1594 = arith.addi %mul3A_55, %add3A_1593 : i32
        %get3A_1595 = arith.index_cast %add3A_1594 : i32 to index
        %get3A_1596 = arith.constant 32 : index
        %get3A_1597 = tpu.vector_load %arg10[%get3A_1595, %get3A_1596] {strides = array<i32>} : memref<128x128xf32, #tpu.memory_space<vmem>>, vector<1x16xf32>,
        %get3A_1598 = vector.shape_cast %get3A_1597 : vector<1x16xf32> to vector<16xf32>
        %mul3A_1599 = arith.mulf %get3A_1598, %gather3A_1564 : vector<16xf32>
        %add3A_1600 = arith.constant 13 : i32
        %add3A_1601 = arith.addi %mul3A_55, %add3A_1600 : i32
        %swap3A_1602 = arith.index_cast %add3A_1601 : i32 to index
        %swap3A_1603 = arith.constant 32 : index
        %swap3A_1604 = tpu.vector_load %arg10[%swap3A_1602, %swap3A_1603] {strides = array<i32>} : memref<128x128xf32, #tpu.memory_space<vmem>>, vector<1x16xf32>,
        %swap3A_1605 = vector.shape_cast %swap3A_1604 : vector<1x16xf32> to vector<16xf32>
        %swap3A_1606 = vector.shape_cast %mul3A_1599 : vector<16xf32> to vector<1x16xf32>
        tpu.vector_store %arg10[%swap3A_1602, %swap3A_1603], %swap3A_1606 {strides = array<i32>} : memref<128x128xf32, #tpu.memory_space<vmem>>, vector<1x16xf32>,
        %add3A_1607 = arith.constant 13 : i32
        %add3A_1608 = arith.addi %mul3A_55, %add3A_1607 : i32
        %get3A_1609 = arith.index_cast %add3A_1608 : i32 to index
        %get3A_1610 = arith.constant 48 : index
        %get3A_1611 = tpu.vector_load %arg10[%get3A_1609, %get3A_1610] {strides = array<i32>} : memref<128x128xf32, #tpu.memory_space<vmem>>, vector<1x16xf32>,
        %get3A_1612 = vector.shape_cast %get3A_1611 : vector<1x16xf32> to vector<16xf32>
        %mul3A_1613 = arith.mulf %get3A_1612, %gather3A_1564 : vector<16xf32>
        %add3A_1614 = arith.constant 13 : i32
        %add3A_1615 = arith.addi %mul3A_55, %add3A_1614 : i32
        %swap3A_1616 = arith.index_cast %add3A_1615 : i32 to index
        %swap3A_1617 = arith.constant 48 : index
        %swap3A_1618 = tpu.vector_load %arg10[%swap3A_1616, %swap3A_1617] {strides = array<i32>} : memref<128x128xf32, #tpu.memory_space<vmem>>, vector<1x16xf32>,
        %swap3A_1619 = vector.shape_cast %swap3A_1618 : vector<1x16xf32> to vector<16xf32>
        %swap3A_1620 = vector.shape_cast %mul3A_1613 : vector<16xf32> to vector<1x16xf32>
        tpu.vector_store %arg10[%swap3A_1616, %swap3A_1617], %swap3A_1620 {strides = array<i32>} : memref<128x128xf32, #tpu.memory_space<vmem>>, vector<1x16xf32>,
        %add3A_1621 = arith.constant 13 : i32
        %add3A_1622 = arith.addi %mul3A_55, %add3A_1621 : i32
        %get3A_1623 = arith.index_cast %add3A_1622 : i32 to index
        %get3A_1624 = arith.constant 64 : index
        %get3A_1625 = tpu.vector_load %arg10[%get3A_1623, %get3A_1624] {strides = array<i32>} : memref<128x128xf32, #tpu.memory_space<vmem>>, vector<1x16xf32>,
        %get3A_1626 = vector.shape_cast %get3A_1625 : vector<1x16xf32> to vector<16xf32>
        %mul3A_1627 = arith.mulf %get3A_1626, %gather3A_1564 : vector<16xf32>
        %add3A_1628 = arith.constant 13 : i32
        %add3A_1629 = arith.addi %mul3A_55, %add3A_1628 : i32
        %swap3A_1630 = arith.index_cast %add3A_1629 : i32 to index
        %swap3A_1631 = arith.constant 64 : index
        %swap3A_1632 = tpu.vector_load %arg10[%swap3A_1630, %swap3A_1631] {strides = array<i32>} : memref<128x128xf32, #tpu.memory_space<vmem>>, vector<1x16xf32>,
        %swap3A_1633 = vector.shape_cast %swap3A_1632 : vector<1x16xf32> to vector<16xf32>
        %swap3A_1634 = vector.shape_cast %mul3A_1627 : vector<16xf32> to vector<1x16xf32>
        tpu.vector_store %arg10[%swap3A_1630, %swap3A_1631], %swap3A_1634 {strides = array<i32>} : memref<128x128xf32, #tpu.memory_space<vmem>>, vector<1x16xf32>,
        %add3A_1635 = arith.constant 13 : i32
        %add3A_1636 = arith.addi %mul3A_55, %add3A_1635 : i32
        %get3A_1637 = arith.index_cast %add3A_1636 : i32 to index
        %get3A_1638 = arith.constant 80 : index
        %get3A_1639 = tpu.vector_load %arg10[%get3A_1637, %get3A_1638] {strides = array<i32>} : memref<128x128xf32, #tpu.memory_space<vmem>>, vector<1x16xf32>,
        %get3A_1640 = vector.shape_cast %get3A_1639 : vector<1x16xf32> to vector<16xf32>
        %mul3A_1641 = arith.mulf %get3A_1640, %gather3A_1564 : vector<16xf32>
        %add3A_1642 = arith.constant 13 : i32
        %add3A_1643 = arith.addi %mul3A_55, %add3A_1642 : i32
        %swap3A_1644 = arith.index_cast %add3A_1643 : i32 to index
        %swap3A_1645 = arith.constant 80 : index
        %swap3A_1646 = tpu.vector_load %arg10[%swap3A_1644, %swap3A_1645] {strides = array<i32>} : memref<128x128xf32, #tpu.memory_space<vmem>>, vector<1x16xf32>,
        %swap3A_1647 = vector.shape_cast %swap3A_1646 : vector<1x16xf32> to vector<16xf32>
        %swap3A_1648 = vector.shape_cast %mul3A_1641 : vector<16xf32> to vector<1x16xf32>
        tpu.vector_store %arg10[%swap3A_1644, %swap3A_1645], %swap3A_1648 {strides = array<i32>} : memref<128x128xf32, #tpu.memory_space<vmem>>, vector<1x16xf32>,
        %add3A_1649 = arith.constant 13 : i32
        %add3A_1650 = arith.addi %mul3A_55, %add3A_1649 : i32
        %get3A_1651 = arith.index_cast %add3A_1650 : i32 to index
        %get3A_1652 = arith.constant 96 : index
        %get3A_1653 = tpu.vector_load %arg10[%get3A_1651, %get3A_1652] {strides = array<i32>} : memref<128x128xf32, #tpu.memory_space<vmem>>, vector<1x16xf32>,
        %get3A_1654 = vector.shape_cast %get3A_1653 : vector<1x16xf32> to vector<16xf32>
        %mul3A_1655 = arith.mulf %get3A_1654, %gather3A_1564 : vector<16xf32>
        %add3A_1656 = arith.constant 13 : i32
        %add3A_1657 = arith.addi %mul3A_55, %add3A_1656 : i32
        %swap3A_1658 = arith.index_cast %add3A_1657 : i32 to index
        %swap3A_1659 = arith.constant 96 : index
        %swap3A_1660 = tpu.vector_load %arg10[%swap3A_1658, %swap3A_1659] {strides = array<i32>} : memref<128x128xf32, #tpu.memory_space<vmem>>, vector<1x16xf32>,
        %swap3A_1661 = vector.shape_cast %swap3A_1660 : vector<1x16xf32> to vector<16xf32>
        %swap3A_1662 = vector.shape_cast %mul3A_1655 : vector<16xf32> to vector<1x16xf32>
        tpu.vector_store %arg10[%swap3A_1658, %swap3A_1659], %swap3A_1662 {strides = array<i32>} : memref<128x128xf32, #tpu.memory_space<vmem>>, vector<1x16xf32>,
        %add3A_1663 = arith.constant 13 : i32
        %add3A_1664 = arith.addi %mul3A_55, %add3A_1663 : i32
        %get3A_1665 = arith.index_cast %add3A_1664 : i32 to index
        %get3A_1666 = arith.constant 112 : index
        %get3A_1667 = tpu.vector_load %arg10[%get3A_1665, %get3A_1666] {strides = array<i32>} : memref<128x128xf32, #tpu.memory_space<vmem>>, vector<1x16xf32>,
        %get3A_1668 = vector.shape_cast %get3A_1667 : vector<1x16xf32> to vector<16xf32>
        %mul3A_1669 = arith.mulf %get3A_1668, %gather3A_1564 : vector<16xf32>
        %add3A_1670 = arith.constant 13 : i32
        %add3A_1671 = arith.addi %mul3A_55, %add3A_1670 : i32
        %swap3A_1672 = arith.index_cast %add3A_1671 : i32 to index
        %swap3A_1673 = arith.constant 112 : index
        %swap3A_1674 = tpu.vector_load %arg10[%swap3A_1672, %swap3A_1673] {strides = array<i32>} : memref<128x128xf32, #tpu.memory_space<vmem>>, vector<1x16xf32>,
        %swap3A_1675 = vector.shape_cast %swap3A_1674 : vector<1x16xf32> to vector<16xf32>
        %swap3A_1676 = vector.shape_cast %mul3A_1669 : vector<16xf32> to vector<1x16xf32>
        tpu.vector_store %arg10[%swap3A_1672, %swap3A_1673], %swap3A_1676 {strides = array<i32>} : memref<128x128xf32, #tpu.memory_space<vmem>>, vector<1x16xf32>,
        %broadcast_in_dim3A_1677 = arith.constant 14 : i32
        %broadcast_in_dim3A_1678 = vector.broadcast %broadcast_in_dim3A_1677 : i32 to vector<16x1xi32>
        %gather3A_1679 = vector.shape_cast %broadcast_in_dim3A_1678 : vector<16x1xi32> to vector<16xi32>
        %gather3A_1680 = tpu.dynamic_gather %get3A_53[%gather3A_1679] in [0] : vector<16xf32>, vector<16xi32> -> vector<16xf32>
        %add3A_1681 = arith.constant 14 : i32
        %add3A_1682 = arith.addi %mul3A_55, %add3A_1681 : i32
        %get3A_1683 = arith.index_cast %add3A_1682 : i32 to index
        %get3A_1684 = arith.constant 0 : index
        %get3A_1685 = tpu.vector_load %arg10[%get3A_1683, %get3A_1684] {strides = array<i32>} : memref<128x128xf32, #tpu.memory_space<vmem>>, vector<1x16xf32>,
        %get3A_1686 = vector.shape_cast %get3A_1685 : vector<1x16xf32> to vector<16xf32>
        %mul3A_1687 = arith.mulf %get3A_1686, %gather3A_1680 : vector<16xf32>
        %add3A_1688 = arith.constant 14 : i32
        %add3A_1689 = arith.addi %mul3A_55, %add3A_1688 : i32
        %swap3A_1690 = arith.index_cast %add3A_1689 : i32 to index
        %swap3A_1691 = arith.constant 0 : index
        %swap3A_1692 = tpu.vector_load %arg10[%swap3A_1690, %swap3A_1691] {strides = array<i32>} : memref<128x128xf32, #tpu.memory_space<vmem>>, vector<1x16xf32>,
        %swap3A_1693 = vector.shape_cast %swap3A_1692 : vector<1x16xf32> to vector<16xf32>
        %swap3A_1694 = vector.shape_cast %mul3A_1687 : vector<16xf32> to vector<1x16xf32>
        tpu.vector_store %arg10[%swap3A_1690, %swap3A_1691], %swap3A_1694 {strides = array<i32>} : memref<128x128xf32, #tpu.memory_space<vmem>>, vector<1x16xf32>,
        %add3A_1695 = arith.constant 14 : i32
        %add3A_1696 = arith.addi %mul3A_55, %add3A_1695 : i32
        %get3A_1697 = arith.index_cast %add3A_1696 : i32 to index
        %get3A_1698 = arith.constant 16 : index
        %get3A_1699 = tpu.vector_load %arg10[%get3A_1697, %get3A_1698] {strides = array<i32>} : memref<128x128xf32, #tpu.memory_space<vmem>>, vector<1x16xf32>,
        %get3A_1700 = vector.shape_cast %get3A_1699 : vector<1x16xf32> to vector<16xf32>
        %mul3A_1701 = arith.mulf %get3A_1700, %gather3A_1680 : vector<16xf32>
        %add3A_1702 = arith.constant 14 : i32
        %add3A_1703 = arith.addi %mul3A_55, %add3A_1702 : i32
        %swap3A_1704 = arith.index_cast %add3A_1703 : i32 to index
        %swap3A_1705 = arith.constant 16 : index
        %swap3A_1706 = tpu.vector_load %arg10[%swap3A_1704, %swap3A_1705] {strides = array<i32>} : memref<128x128xf32, #tpu.memory_space<vmem>>, vector<1x16xf32>,
        %swap3A_1707 = vector.shape_cast %swap3A_1706 : vector<1x16xf32> to vector<16xf32>
        %swap3A_1708 = vector.shape_cast %mul3A_1701 : vector<16xf32> to vector<1x16xf32>
        tpu.vector_store %arg10[%swap3A_1704, %swap3A_1705], %swap3A_1708 {strides = array<i32>} : memref<128x128xf32, #tpu.memory_space<vmem>>, vector<1x16xf32>,
        %add3A_1709 = arith.constant 14 : i32
        %add3A_1710 = arith.addi %mul3A_55, %add3A_1709 : i32
        %get3A_1711 = arith.index_cast %add3A_1710 : i32 to index
        %get3A_1712 = arith.constant 32 : index
        %get3A_1713 = tpu.vector_load %arg10[%get3A_1711, %get3A_1712] {strides = array<i32>} : memref<128x128xf32, #tpu.memory_space<vmem>>, vector<1x16xf32>,
        %get3A_1714 = vector.shape_cast %get3A_1713 : vector<1x16xf32> to vector<16xf32>
        %mul3A_1715 = arith.mulf %get3A_1714, %gather3A_1680 : vector<16xf32>
        %add3A_1716 = arith.constant 14 : i32
        %add3A_1717 = arith.addi %mul3A_55, %add3A_1716 : i32
        %swap3A_1718 = arith.index_cast %add3A_1717 : i32 to index
        %swap3A_1719 = arith.constant 32 : index
        %swap3A_1720 = tpu.vector_load %arg10[%swap3A_1718, %swap3A_1719] {strides = array<i32>} : memref<128x128xf32, #tpu.memory_space<vmem>>, vector<1x16xf32>,
        %swap3A_1721 = vector.shape_cast %swap3A_1720 : vector<1x16xf32> to vector<16xf32>
        %swap3A_1722 = vector.shape_cast %mul3A_1715 : vector<16xf32> to vector<1x16xf32>
        tpu.vector_store %arg10[%swap3A_1718, %swap3A_1719], %swap3A_1722 {strides = array<i32>} : memref<128x128xf32, #tpu.memory_space<vmem>>, vector<1x16xf32>,
        %add3A_1723 = arith.constant 14 : i32
        %add3A_1724 = arith.addi %mul3A_55, %add3A_1723 : i32
        %get3A_1725 = arith.index_cast %add3A_1724 : i32 to index
        %get3A_1726 = arith.constant 48 : index
        %get3A_1727 = tpu.vector_load %arg10[%get3A_1725, %get3A_1726] {strides = array<i32>} : memref<128x128xf32, #tpu.memory_space<vmem>>, vector<1x16xf32>,
        %get3A_1728 = vector.shape_cast %get3A_1727 : vector<1x16xf32> to vector<16xf32>
        %mul3A_1729 = arith.mulf %get3A_1728, %gather3A_1680 : vector<16xf32>
        %add3A_1730 = arith.constant 14 : i32
        %add3A_1731 = arith.addi %mul3A_55, %add3A_1730 : i32
        %swap3A_1732 = arith.index_cast %add3A_1731 : i32 to index
        %swap3A_1733 = arith.constant 48 : index
        %swap3A_1734 = tpu.vector_load %arg10[%swap3A_1732, %swap3A_1733] {strides = array<i32>} : memref<128x128xf32, #tpu.memory_space<vmem>>, vector<1x16xf32>,
        %swap3A_1735 = vector.shape_cast %swap3A_1734 : vector<1x16xf32> to vector<16xf32>
        %swap3A_1736 = vector.shape_cast %mul3A_1729 : vector<16xf32> to vector<1x16xf32>
        tpu.vector_store %arg10[%swap3A_1732, %swap3A_1733], %swap3A_1736 {strides = array<i32>} : memref<128x128xf32, #tpu.memory_space<vmem>>, vector<1x16xf32>,
        %add3A_1737 = arith.constant 14 : i32
        %add3A_1738 = arith.addi %mul3A_55, %add3A_1737 : i32
        %get3A_1739 = arith.index_cast %add3A_1738 : i32 to index
        %get3A_1740 = arith.constant 64 : index
        %get3A_1741 = tpu.vector_load %arg10[%get3A_1739, %get3A_1740] {strides = array<i32>} : memref<128x128xf32, #tpu.memory_space<vmem>>, vector<1x16xf32>,
        %get3A_1742 = vector.shape_cast %get3A_1741 : vector<1x16xf32> to vector<16xf32>
        %mul3A_1743 = arith.mulf %get3A_1742, %gather3A_1680 : vector<16xf32>
        %add3A_1744 = arith.constant 14 : i32
        %add3A_1745 = arith.addi %mul3A_55, %add3A_1744 : i32
        %swap3A_1746 = arith.index_cast %add3A_1745 : i32 to index
        %swap3A_1747 = arith.constant 64 : index
        %swap3A_1748 = tpu.vector_load %arg10[%swap3A_1746, %swap3A_1747] {strides = array<i32>} : memref<128x128xf32, #tpu.memory_space<vmem>>, vector<1x16xf32>,
        %swap3A_1749 = vector.shape_cast %swap3A_1748 : vector<1x16xf32> to vector<16xf32>
        %swap3A_1750 = vector.shape_cast %mul3A_1743 : vector<16xf32> to vector<1x16xf32>
        tpu.vector_store %arg10[%swap3A_1746, %swap3A_1747], %swap3A_1750 {strides = array<i32>} : memref<128x128xf32, #tpu.memory_space<vmem>>, vector<1x16xf32>,
        %add3A_1751 = arith.constant 14 : i32
        %add3A_1752 = arith.addi %mul3A_55, %add3A_1751 : i32
        %get3A_1753 = arith.index_cast %add3A_1752 : i32 to index
        %get3A_1754 = arith.constant 80 : index
        %get3A_1755 = tpu.vector_load %arg10[%get3A_1753, %get3A_1754] {strides = array<i32>} : memref<128x128xf32, #tpu.memory_space<vmem>>, vector<1x16xf32>,
        %get3A_1756 = vector.shape_cast %get3A_1755 : vector<1x16xf32> to vector<16xf32>
        %mul3A_1757 = arith.mulf %get3A_1756, %gather3A_1680 : vector<16xf32>
        %add3A_1758 = arith.constant 14 : i32
        %add3A_1759 = arith.addi %mul3A_55, %add3A_1758 : i32
        %swap3A_1760 = arith.index_cast %add3A_1759 : i32 to index
        %swap3A_1761 = arith.constant 80 : index
        %swap3A_1762 = tpu.vector_load %arg10[%swap3A_1760, %swap3A_1761] {strides = array<i32>} : memref<128x128xf32, #tpu.memory_space<vmem>>, vector<1x16xf32>,
        %swap3A_1763 = vector.shape_cast %swap3A_1762 : vector<1x16xf32> to vector<16xf32>
        %swap3A_1764 = vector.shape_cast %mul3A_1757 : vector<16xf32> to vector<1x16xf32>
        tpu.vector_store %arg10[%swap3A_1760, %swap3A_1761], %swap3A_1764 {strides = array<i32>} : memref<128x128xf32, #tpu.memory_space<vmem>>, vector<1x16xf32>,
        %add3A_1765 = arith.constant 14 : i32
        %add3A_1766 = arith.addi %mul3A_55, %add3A_1765 : i32
        %get3A_1767 = arith.index_cast %add3A_1766 : i32 to index
        %get3A_1768 = arith.constant 96 : index
        %get3A_1769 = tpu.vector_load %arg10[%get3A_1767, %get3A_1768] {strides = array<i32>} : memref<128x128xf32, #tpu.memory_space<vmem>>, vector<1x16xf32>,
        %get3A_1770 = vector.shape_cast %get3A_1769 : vector<1x16xf32> to vector<16xf32>
        %mul3A_1771 = arith.mulf %get3A_1770, %gather3A_1680 : vector<16xf32>
        %add3A_1772 = arith.constant 14 : i32
        %add3A_1773 = arith.addi %mul3A_55, %add3A_1772 : i32
        %swap3A_1774 = arith.index_cast %add3A_1773 : i32 to index
        %swap3A_1775 = arith.constant 96 : index
        %swap3A_1776 = tpu.vector_load %arg10[%swap3A_1774, %swap3A_1775] {strides = array<i32>} : memref<128x128xf32, #tpu.memory_space<vmem>>, vector<1x16xf32>,
        %swap3A_1777 = vector.shape_cast %swap3A_1776 : vector<1x16xf32> to vector<16xf32>
        %swap3A_1778 = vector.shape_cast %mul3A_1771 : vector<16xf32> to vector<1x16xf32>
        tpu.vector_store %arg10[%swap3A_1774, %swap3A_1775], %swap3A_1778 {strides = array<i32>} : memref<128x128xf32, #tpu.memory_space<vmem>>, vector<1x16xf32>,
        %add3A_1779 = arith.constant 14 : i32
        %add3A_1780 = arith.addi %mul3A_55, %add3A_1779 : i32
        %get3A_1781 = arith.index_cast %add3A_1780 : i32 to index
        %get3A_1782 = arith.constant 112 : index
        %get3A_1783 = tpu.vector_load %arg10[%get3A_1781, %get3A_1782] {strides = array<i32>} : memref<128x128xf32, #tpu.memory_space<vmem>>, vector<1x16xf32>,
        %get3A_1784 = vector.shape_cast %get3A_1783 : vector<1x16xf32> to vector<16xf32>
        %mul3A_1785 = arith.mulf %get3A_1784, %gather3A_1680 : vector<16xf32>
        %add3A_1786 = arith.constant 14 : i32
        %add3A_1787 = arith.addi %mul3A_55, %add3A_1786 : i32
        %swap3A_1788 = arith.index_cast %add3A_1787 : i32 to index
        %swap3A_1789 = arith.constant 112 : index
        %swap3A_1790 = tpu.vector_load %arg10[%swap3A_1788, %swap3A_1789] {strides = array<i32>} : memref<128x128xf32, #tpu.memory_space<vmem>>, vector<1x16xf32>,
        %swap3A_1791 = vector.shape_cast %swap3A_1790 : vector<1x16xf32> to vector<16xf32>
        %swap3A_1792 = vector.shape_cast %mul3A_1785 : vector<16xf32> to vector<1x16xf32>
        tpu.vector_store %arg10[%swap3A_1788, %swap3A_1789], %swap3A_1792 {strides = array<i32>} : memref<128x128xf32, #tpu.memory_space<vmem>>, vector<1x16xf32>,
        %broadcast_in_dim3A_1793 = arith.constant 15 : i32
        %broadcast_in_dim3A_1794 = vector.broadcast %broadcast_in_dim3A_1793 : i32 to vector<16x1xi32>
        %gather3A_1795 = vector.shape_cast %broadcast_in_dim3A_1794 : vector<16x1xi32> to vector<16xi32>
        %gather3A_1796 = tpu.dynamic_gather %get3A_53[%gather3A_1795] in [0] : vector<16xf32>, vector<16xi32> -> vector<16xf32>
        %add3A_1797 = arith.constant 15 : i32
        %add3A_1798 = arith.addi %mul3A_55, %add3A_1797 : i32
        %get3A_1799 = arith.index_cast %add3A_1798 : i32 to index
        %get3A_1800 = arith.constant 0 : index
        %get3A_1801 = tpu.vector_load %arg10[%get3A_1799, %get3A_1800] {strides = array<i32>} : memref<128x128xf32, #tpu.memory_space<vmem>>, vector<1x16xf32>,
        %get3A_1802 = vector.shape_cast %get3A_1801 : vector<1x16xf32> to vector<16xf32>
        %mul3A_1803 = arith.mulf %get3A_1802, %gather3A_1796 : vector<16xf32>
        %add3A_1804 = arith.constant 15 : i32
        %add3A_1805 = arith.addi %mul3A_55, %add3A_1804 : i32
        %swap3A_1806 = arith.index_cast %add3A_1805 : i32 to index
        %swap3A_1807 = arith.constant 0 : index
        %swap3A_1808 = tpu.vector_load %arg10[%swap3A_1806, %swap3A_1807] {strides = array<i32>} : memref<128x128xf32, #tpu.memory_space<vmem>>, vector<1x16xf32>,
        %swap3A_1809 = vector.shape_cast %swap3A_1808 : vector<1x16xf32> to vector<16xf32>
        %swap3A_1810 = vector.shape_cast %mul3A_1803 : vector<16xf32> to vector<1x16xf32>
        tpu.vector_store %arg10[%swap3A_1806, %swap3A_1807], %swap3A_1810 {strides = array<i32>} : memref<128x128xf32, #tpu.memory_space<vmem>>, vector<1x16xf32>,
        %add3A_1811 = arith.constant 15 : i32
        %add3A_1812 = arith.addi %mul3A_55, %add3A_1811 : i32
        %get3A_1813 = arith.index_cast %add3A_1812 : i32 to index
        %get3A_1814 = arith.constant 16 : index
        %get3A_1815 = tpu.vector_load %arg10[%get3A_1813, %get3A_1814] {strides = array<i32>} : memref<128x128xf32, #tpu.memory_space<vmem>>, vector<1x16xf32>,
        %get3A_1816 = vector.shape_cast %get3A_1815 : vector<1x16xf32> to vector<16xf32>
        %mul3A_1817 = arith.mulf %get3A_1816, %gather3A_1796 : vector<16xf32>
        %add3A_1818 = arith.constant 15 : i32
        %add3A_1819 = arith.addi %mul3A_55, %add3A_1818 : i32
        %swap3A_1820 = arith.index_cast %add3A_1819 : i32 to index
        %swap3A_1821 = arith.constant 16 : index
        %swap3A_1822 = tpu.vector_load %arg10[%swap3A_1820, %swap3A_1821] {strides = array<i32>} : memref<128x128xf32, #tpu.memory_space<vmem>>, vector<1x16xf32>,
        %swap3A_1823 = vector.shape_cast %swap3A_1822 : vector<1x16xf32> to vector<16xf32>
        %swap3A_1824 = vector.shape_cast %mul3A_1817 : vector<16xf32> to vector<1x16xf32>
        tpu.vector_store %arg10[%swap3A_1820, %swap3A_1821], %swap3A_1824 {strides = array<i32>} : memref<128x128xf32, #tpu.memory_space<vmem>>, vector<1x16xf32>,
        %add3A_1825 = arith.constant 15 : i32
        %add3A_1826 = arith.addi %mul3A_55, %add3A_1825 : i32
        %get3A_1827 = arith.index_cast %add3A_1826 : i32 to index
        %get3A_1828 = arith.constant 32 : index
        %get3A_1829 = tpu.vector_load %arg10[%get3A_1827, %get3A_1828] {strides = array<i32>} : memref<128x128xf32, #tpu.memory_space<vmem>>, vector<1x16xf32>,
        %get3A_1830 = vector.shape_cast %get3A_1829 : vector<1x16xf32> to vector<16xf32>
        %mul3A_1831 = arith.mulf %get3A_1830, %gather3A_1796 : vector<16xf32>
        %add3A_1832 = arith.constant 15 : i32
        %add3A_1833 = arith.addi %mul3A_55, %add3A_1832 : i32
        %swap3A_1834 = arith.index_cast %add3A_1833 : i32 to index
        %swap3A_1835 = arith.constant 32 : index
        %swap3A_1836 = tpu.vector_load %arg10[%swap3A_1834, %swap3A_1835] {strides = array<i32>} : memref<128x128xf32, #tpu.memory_space<vmem>>, vector<1x16xf32>,
        %swap3A_1837 = vector.shape_cast %swap3A_1836 : vector<1x16xf32> to vector<16xf32>
        %swap3A_1838 = vector.shape_cast %mul3A_1831 : vector<16xf32> to vector<1x16xf32>
        tpu.vector_store %arg10[%swap3A_1834, %swap3A_1835], %swap3A_1838 {strides = array<i32>} : memref<128x128xf32, #tpu.memory_space<vmem>>, vector<1x16xf32>,
        %add3A_1839 = arith.constant 15 : i32
        %add3A_1840 = arith.addi %mul3A_55, %add3A_1839 : i32
        %get3A_1841 = arith.index_cast %add3A_1840 : i32 to index
        %get3A_1842 = arith.constant 48 : index
        %get3A_1843 = tpu.vector_load %arg10[%get3A_1841, %get3A_1842] {strides = array<i32>} : memref<128x128xf32, #tpu.memory_space<vmem>>, vector<1x16xf32>,
        %get3A_1844 = vector.shape_cast %get3A_1843 : vector<1x16xf32> to vector<16xf32>
        %mul3A_1845 = arith.mulf %get3A_1844, %gather3A_1796 : vector<16xf32>
        %add3A_1846 = arith.constant 15 : i32
        %add3A_1847 = arith.addi %mul3A_55, %add3A_1846 : i32
        %swap3A_1848 = arith.index_cast %add3A_1847 : i32 to index
        %swap3A_1849 = arith.constant 48 : index
        %swap3A_1850 = tpu.vector_load %arg10[%swap3A_1848, %swap3A_1849] {strides = array<i32>} : memref<128x128xf32, #tpu.memory_space<vmem>>, vector<1x16xf32>,
        %swap3A_1851 = vector.shape_cast %swap3A_1850 : vector<1x16xf32> to vector<16xf32>
        %swap3A_1852 = vector.shape_cast %mul3A_1845 : vector<16xf32> to vector<1x16xf32>
        tpu.vector_store %arg10[%swap3A_1848, %swap3A_1849], %swap3A_1852 {strides = array<i32>} : memref<128x128xf32, #tpu.memory_space<vmem>>, vector<1x16xf32>,
        %add3A_1853 = arith.constant 15 : i32
        %add3A_1854 = arith.addi %mul3A_55, %add3A_1853 : i32
        %get3A_1855 = arith.index_cast %add3A_1854 : i32 to index
        %get3A_1856 = arith.constant 64 : index
        %get3A_1857 = tpu.vector_load %arg10[%get3A_1855, %get3A_1856] {strides = array<i32>} : memref<128x128xf32, #tpu.memory_space<vmem>>, vector<1x16xf32>,
        %get3A_1858 = vector.shape_cast %get3A_1857 : vector<1x16xf32> to vector<16xf32>
        %mul3A_1859 = arith.mulf %get3A_1858, %gather3A_1796 : vector<16xf32>
        %add3A_1860 = arith.constant 15 : i32
        %add3A_1861 = arith.addi %mul3A_55, %add3A_1860 : i32
        %swap3A_1862 = arith.index_cast %add3A_1861 : i32 to index
        %swap3A_1863 = arith.constant 64 : index
        %swap3A_1864 = tpu.vector_load %arg10[%swap3A_1862, %swap3A_1863] {strides = array<i32>} : memref<128x128xf32, #tpu.memory_space<vmem>>, vector<1x16xf32>,
        %swap3A_1865 = vector.shape_cast %swap3A_1864 : vector<1x16xf32> to vector<16xf32>
        %swap3A_1866 = vector.shape_cast %mul3A_1859 : vector<16xf32> to vector<1x16xf32>
        tpu.vector_store %arg10[%swap3A_1862, %swap3A_1863], %swap3A_1866 {strides = array<i32>} : memref<128x128xf32, #tpu.memory_space<vmem>>, vector<1x16xf32>,
        %add3A_1867 = arith.constant 15 : i32
        %add3A_1868 = arith.addi %mul3A_55, %add3A_1867 : i32
        %get3A_1869 = arith.index_cast %add3A_1868 : i32 to index
        %get3A_1870 = arith.constant 80 : index
        %get3A_1871 = tpu.vector_load %arg10[%get3A_1869, %get3A_1870] {strides = array<i32>} : memref<128x128xf32, #tpu.memory_space<vmem>>, vector<1x16xf32>,
        %get3A_1872 = vector.shape_cast %get3A_1871 : vector<1x16xf32> to vector<16xf32>
        %mul3A_1873 = arith.mulf %get3A_1872, %gather3A_1796 : vector<16xf32>
        %add3A_1874 = arith.constant 15 : i32
        %add3A_1875 = arith.addi %mul3A_55, %add3A_1874 : i32
        %swap3A_1876 = arith.index_cast %add3A_1875 : i32 to index
        %swap3A_1877 = arith.constant 80 : index
        %swap3A_1878 = tpu.vector_load %arg10[%swap3A_1876, %swap3A_1877] {strides = array<i32>} : memref<128x128xf32, #tpu.memory_space<vmem>>, vector<1x16xf32>,
        %swap3A_1879 = vector.shape_cast %swap3A_1878 : vector<1x16xf32> to vector<16xf32>
        %swap3A_1880 = vector.shape_cast %mul3A_1873 : vector<16xf32> to vector<1x16xf32>
        tpu.vector_store %arg10[%swap3A_1876, %swap3A_1877], %swap3A_1880 {strides = array<i32>} : memref<128x128xf32, #tpu.memory_space<vmem>>, vector<1x16xf32>,
        %add3A_1881 = arith.constant 15 : i32
        %add3A_1882 = arith.addi %mul3A_55, %add3A_1881 : i32
        %get3A_1883 = arith.index_cast %add3A_1882 : i32 to index
        %get3A_1884 = arith.constant 96 : index
        %get3A_1885 = tpu.vector_load %arg10[%get3A_1883, %get3A_1884] {strides = array<i32>} : memref<128x128xf32, #tpu.memory_space<vmem>>, vector<1x16xf32>,
        %get3A_1886 = vector.shape_cast %get3A_1885 : vector<1x16xf32> to vector<16xf32>
        %mul3A_1887 = arith.mulf %get3A_1886, %gather3A_1796 : vector<16xf32>
        %add3A_1888 = arith.constant 15 : i32
        %add3A_1889 = arith.addi %mul3A_55, %add3A_1888 : i32
        %swap3A_1890 = arith.index_cast %add3A_1889 : i32 to index
        %swap3A_1891 = arith.constant 96 : index
        %swap3A_1892 = tpu.vector_load %arg10[%swap3A_1890, %swap3A_1891] {strides = array<i32>} : memref<128x128xf32, #tpu.memory_space<vmem>>, vector<1x16xf32>,
        %swap3A_1893 = vector.shape_cast %swap3A_1892 : vector<1x16xf32> to vector<16xf32>
        %swap3A_1894 = vector.shape_cast %mul3A_1887 : vector<16xf32> to vector<1x16xf32>
        tpu.vector_store %arg10[%swap3A_1890, %swap3A_1891], %swap3A_1894 {strides = array<i32>} : memref<128x128xf32, #tpu.memory_space<vmem>>, vector<1x16xf32>,
        %add3A_1895 = arith.constant 15 : i32
        %add3A_1896 = arith.addi %mul3A_55, %add3A_1895 : i32
        %get3A_1897 = arith.index_cast %add3A_1896 : i32 to index
        %get3A_1898 = arith.constant 112 : index
        %get3A_1899 = tpu.vector_load %arg10[%get3A_1897, %get3A_1898] {strides = array<i32>} : memref<128x128xf32, #tpu.memory_space<vmem>>, vector<1x16xf32>,
        %get3A_1900 = vector.shape_cast %get3A_1899 : vector<1x16xf32> to vector<16xf32>
        %mul3A_1901 = arith.mulf %get3A_1900, %gather3A_1796 : vector<16xf32>
        %add3A_1902 = arith.constant 15 : i32
        %add3A_1903 = arith.addi %mul3A_55, %add3A_1902 : i32
        %swap3A_1904 = arith.index_cast %add3A_1903 : i32 to index
        %swap3A_1905 = arith.constant 112 : index
        %swap3A_1906 = tpu.vector_load %arg10[%swap3A_1904, %swap3A_1905] {strides = array<i32>} : memref<128x128xf32, #tpu.memory_space<vmem>>, vector<1x16xf32>,
        %swap3A_1907 = vector.shape_cast %swap3A_1906 : vector<1x16xf32> to vector<16xf32>
        %swap3A_1908 = vector.shape_cast %mul3A_1901 : vector<16xf32> to vector<1x16xf32>
        tpu.vector_store %arg10[%swap3A_1904, %swap3A_1905], %swap3A_1908 {strides = array<i32>} : memref<128x128xf32, #tpu.memory_space<vmem>>, vector<1x16xf32>,
        %scan3A_1909 = arith.constant 0 : i32
        scf.yield %scan3A_1909 : i32
      }
      %scan3A_45 = arith.constant 8 : i32
      "tpu.region"() ({
        %run_scoped3A = tpu.sem_alloc : memref<!tpu.dma_semaphore, #tpu.memory_space<semaphore_mem>>
        %dma_start3A_47 = arith.constant 0 : i32
        %dma_start3A_48 = tpu.memref_slice %arg7[%scan3A_27, %dma_start3A_47] : memref<79x128xi32, #tpu.memory_space<vmem>> -> memref<1x128xi32, #tpu.memory_space<vmem>>
        %dma_start3A_49 = tpu.memref_squeeze %dma_start3A_48 : memref<1x128xi32, #tpu.memory_space<vmem>> -> memref<128xi32, #tpu.memory_space<vmem>>
        %dma_start3A_50 = arith.constant 0 : i32
        %dma_start3A_51 = arith.constant 0 : i32
        %dma_start3A_52 = tpu.memref_slice %arg11[%dma_start3A_50, %dma_start3A_51] : memref<10240x128xf32, #tpu.memory_space<vmem_shared>> -> memref<10240x128xf32, #tpu.memory_space<vmem_shared>>
        tpu.enqueue_indirect_dma source(%arg10 : memref<128x128xf32, #tpu.memory_space<vmem>>) target(%dma_start3A_52 : memref<10240x128xf32, #tpu.memory_space<vmem_shared>>) offsets(%dma_start3A_49 : memref<128xi32, #tpu.memory_space<vmem>>) semaphore(%run_scoped3A : memref<!tpu.dma_semaphore, #tpu.memory_space<semaphore_mem>>) {add = true}
        %dma_wait3A_53 = arith.constant 0 : i32
        %dma_wait3A_54 = tpu.memref_slice %arg7[%scan3A_27, %dma_wait3A_53] : memref<79x128xi32, #tpu.memory_space<vmem>> -> memref<1x128xi32, #tpu.memory_space<vmem>>
        %dma_wait3A_55 = tpu.memref_squeeze %dma_wait3A_54 : memref<1x128xi32, #tpu.memory_space<vmem>> -> memref<128xi32, #tpu.memory_space<vmem>>
        %dma_wait3A_56 = arith.constant 0 : i32
        %dma_wait3A_57 = arith.constant 0 : i32
        %dma_wait3A_58 = tpu.memref_slice %arg11[%dma_wait3A_56, %dma_wait3A_57] : memref<10240x128xf32, #tpu.memory_space<vmem_shared>> -> memref<10240x128xf32, #tpu.memory_space<vmem_shared>>
        tpu.wait_indirect_dma semaphore(%run_scoped3A : memref<!tpu.dma_semaphore, #tpu.memory_space<semaphore_mem>>) src(%arg10 : memref<128x128xf32, #tpu.memory_space<vmem>>) dst(%dma_wait3A_58 : memref<10240x128xf32, #tpu.memory_space<vmem_shared>>)
        tpu.yield
      }) : () -> ()
      %scan3A_46 = arith.constant 0 : i32
      scf.yield %scan3A_46 : i32
    }
    %scan3A_25 = arith.constant 79 : i32
    %barrier3A_26 = arith.constant 0 : index
    tpu.barrier barrier_id(%barrier3A_26)
    "tpu.region"() ({
      %run_scoped3A = tpu.sem_alloc : memref<!tpu.dma_semaphore, #tpu.memory_space<semaphore_mem>>
      %dma_start3A = arith.constant 0 : i32
      %dma_start3A_27 = tpu.memref_slice %arg6[%arg0, %mul3A_8, %dma_start3A] : memref<2x10240x128xf32, #tpu.memory_space<hbm>> -> memref<1x640x128xf32, #tpu.memory_space<hbm>>
      %dma_start3A_28 = tpu.memref_squeeze %dma_start3A_27 : memref<1x640x128xf32, #tpu.memory_space<hbm>> -> memref<640x128xf32, #tpu.memory_space<hbm>>
      %dma_start3A_29 = arith.constant 0 : i32
      %dma_start3A_30 = tpu.memref_slice %arg11[%mul3A_8, %dma_start3A_29] : memref<10240x128xf32, #tpu.memory_space<vmem_shared>> -> memref<640x128xf32, #tpu.memory_space<vmem_shared>>
      tpu.enqueue_dma source(%dma_start3A_30 : memref<640x128xf32, #tpu.memory_space<vmem_shared>>) target(%dma_start3A_28 : memref<640x128xf32, #tpu.memory_space<hbm>>) target_semaphore(%run_scoped3A : memref<!tpu.dma_semaphore, #tpu.memory_space<semaphore_mem>>)
      %dma_wait3A = arith.constant 0 : i32
      %dma_wait3A_31 = tpu.memref_slice %arg6[%arg0, %mul3A_8, %dma_wait3A] : memref<2x10240x128xf32, #tpu.memory_space<hbm>> -> memref<1x640x128xf32, #tpu.memory_space<hbm>>
      %dma_wait3A_32 = tpu.memref_squeeze %dma_wait3A_31 : memref<1x640x128xf32, #tpu.memory_space<hbm>> -> memref<640x128xf32, #tpu.memory_space<hbm>>
      %dma_wait3A_33 = arith.constant 0 : i32
      %dma_wait3A_34 = tpu.memref_slice %arg11[%mul3A_8, %dma_wait3A_33] : memref<10240x128xf32, #tpu.memory_space<vmem_shared>> -> memref<640x128xf32, #tpu.memory_space<vmem_shared>>
      tpu.wait_dma2 semaphore(%run_scoped3A : memref<!tpu.dma_semaphore, #tpu.memory_space<semaphore_mem>>) src(%dma_wait3A_34 : memref<640x128xf32, #tpu.memory_space<vmem_shared>>) dst(%dma_wait3A_32 : memref<640x128xf32, #tpu.memory_space<hbm>>)
      tpu.yield
    }) : () -> ()
    return
  }
}

module attributes {stable_mosaic.version = 14 : i64} {
  func.func @_tc_dense(%arg0: i32, %arg1: memref<400x128xf32, #tpu.memory_space<vmem>>, %arg2: memref<400x128xf32, #tpu.memory_space<vmem>>, %arg3: memref<400x128xf32, #tpu.memory_space<vmem>>, %arg4: memref<128x128xf32, #tpu.memory_space<vmem>>, %arg5: memref<128x128xf32, #tpu.memory_space<vmem>>, %arg6: memref<1x128xf32, #tpu.memory_space<vmem>>, %arg7: memref<1x128xf32, #tpu.memory_space<vmem>>, %arg8: memref<400x128xf32, #tpu.memory_space<vmem>>) attributes {dimension_semantics = [#tpu.dimension_semantics<arbitrary>], iteration_bounds = array<i64: 25>, scalar_prefetch = 0 : i64, scratch_operands = 0 : i64, tpu.core_type = #tpu.core_type<tc>, window_params = [{transform_indices = @transform_0, window_bounds = array<i64: 400, 128>}, {transform_indices = @transform_1, window_bounds = array<i64: 400, 128>}, {transform_indices = @transform_2, window_bounds = array<i64: 400, 128>}, {pipeline_mode = #tpu.pipeline_mode<synchronous>, transform_indices = @transform_3, window_bounds = array<i64: 128, 128>}, {pipeline_mode = #tpu.pipeline_mode<synchronous>, transform_indices = @transform_4, window_bounds = array<i64: 128, 128>}, {pipeline_mode = #tpu.pipeline_mode<synchronous>, transform_indices = @transform_5, window_bounds = array<i64: 1, 128>}, {pipeline_mode = #tpu.pipeline_mode<synchronous>, transform_indices = @transform_6, window_bounds = array<i64: 1, 128>}, {transform_indices = @transform_7, window_bounds = array<i64: 400, 128>}]} {
    %get3A = arith.constant 0 : index
    %get3A_0 = arith.constant 0 : index
    %get3A_1 = vector.load %arg2[%get3A, %get3A_0] : memref<400x128xf32, #tpu.memory_space<vmem>>, vector<400x128xf32>
    %get3A_2 = arith.constant 0 : index
    %get3A_3 = arith.constant 0 : index
    %get3A_4 = vector.load %arg3[%get3A_2, %get3A_3] : memref<400x128xf32, #tpu.memory_space<vmem>>, vector<400x128xf32>
    %add3A = arith.addf %get3A_1, %get3A_4 : vector<400x128xf32>
    %get3A_5 = arith.constant 0 : index
    %get3A_6 = arith.constant 0 : index
    %get3A_7 = vector.load %arg1[%get3A_5, %get3A_6] : memref<400x128xf32, #tpu.memory_space<vmem>>, vector<400x128xf32>
    %add3A_8 = arith.addf %get3A_7, %add3A : vector<400x128xf32>
    %mul3A = arith.mulf %get3A_7, %add3A : vector<400x128xf32>
    %get3A_9 = arith.constant 0 : index
    %get3A_10 = arith.constant 0 : index
    %get3A_11 = vector.load %arg4[%get3A_9, %get3A_10] : memref<128x128xf32, #tpu.memory_space<vmem>>, vector<128x128xf32>
    %dot_general3A = arith.constant dense<0.000000e+00> : vector<400x128xf32>
    %dot_general3A_12 = tpu.matmul %add3A_8, %get3A_11, %dot_general3A {dimension_numbers = #tpu.dot_dimension_numbers<[1], [1], [0], [0], [0, 0, 1, 0], [], []>, transpose_lhs_hint = false} : vector<400x128xf32>, vector<128x128xf32>, vector<400x128xf32> -> vector<400x128xf32>
    %get3A_13 = arith.constant 0 : index
    %get3A_14 = arith.constant 0 : index
    %get3A_15 = vector.load %arg5[%get3A_13, %get3A_14] : memref<128x128xf32, #tpu.memory_space<vmem>>, vector<128x128xf32>
    %dot_general3A_16 = arith.constant dense<0.000000e+00> : vector<400x128xf32>
    %dot_general3A_17 = tpu.matmul %mul3A, %get3A_15, %dot_general3A_16 {dimension_numbers = #tpu.dot_dimension_numbers<[1], [1], [0], [0], [0, 0, 1, 0], [], []>, transpose_lhs_hint = false} : vector<400x128xf32>, vector<128x128xf32>, vector<400x128xf32> -> vector<400x128xf32>
    %add3A_18 = arith.addf %dot_general3A_12, %dot_general3A_17 : vector<400x128xf32>
    %get3A_19 = arith.constant 0 : index
    %get3A_20 = arith.constant 0 : index
    %get3A_21 = vector.load %arg6[%get3A_19, %get3A_20] : memref<1x128xf32, #tpu.memory_space<vmem>>, vector<1x128xf32>
    %get3A_22 = arith.constant 0 : index
    %get3A_23 = arith.constant 0 : index
    %get3A_24 = vector.load %arg7[%get3A_22, %get3A_23] : memref<1x128xf32, #tpu.memory_space<vmem>>, vector<1x128xf32>
    %add3A_25 = arith.addf %get3A_21, %get3A_24 : vector<1x128xf32>
    %add3A_26 = vector.broadcast %add3A_25 : vector<1x128xf32> to vector<400x128xf32>
    %add3A_27 = arith.addf %add3A_18, %add3A_26 : vector<400x128xf32>
    %ge3A = arith.constant 0.000000e+00 : f32
    %ge3A_28 = vector.broadcast %ge3A : f32 to vector<400x128xf32>
    %ge3A_29 = arith.cmpf oge, %add3A_27, %ge3A_28 : vector<400x128xf32>
    %mul3A_30 = arith.constant 0.00999999977 : f32
    %mul3A_31 = vector.broadcast %mul3A_30 : f32 to vector<400x128xf32>
    %mul3A_32 = arith.mulf %mul3A_31, %add3A_27 : vector<400x128xf32>
    %select_n3A = arith.select %ge3A_29, %add3A_27, %mul3A_32 : vector<400x128xi1>, vector<400x128xf32>
    %swap3A = arith.constant 0 : index
    %swap3A_33 = arith.constant 0 : index
    %swap3A_34 = vector.load %arg8[%swap3A, %swap3A_33] : memref<400x128xf32, #tpu.memory_space<vmem>>, vector<400x128xf32>
    tpu.vector_store %arg8[%swap3A, %swap3A_33], %select_n3A {strides = array<i32>} : memref<400x128xf32, #tpu.memory_space<vmem>>, vector<400x128xf32>,
    return
  }
  func.func @transform_0(%arg0: i32) -> (i32, i32) {
    %c0_i32 = arith.constant 0 : i32
    %c0_i32_0 = arith.constant 0 : i32
    return %arg0, %c0_i32 : i32, i32
  }
  func.func @transform_1(%arg0: i32) -> (i32, i32) {
    %c0_i32 = arith.constant 0 : i32
    %c0_i32_0 = arith.constant 0 : i32
    return %arg0, %c0_i32 : i32, i32
  }
  func.func @transform_2(%arg0: i32) -> (i32, i32) {
    %c0_i32 = arith.constant 0 : i32
    %c0_i32_0 = arith.constant 0 : i32
    return %arg0, %c0_i32 : i32, i32
  }
  func.func @transform_3(%arg0: i32) -> (i32, i32) {
    %c0_i32 = arith.constant 0 : i32
    %c0_i32_0 = arith.constant 0 : i32
    %c0_i32_1 = arith.constant 0 : i32
    return %c0_i32, %c0_i32_0 : i32, i32
  }
  func.func @transform_4(%arg0: i32) -> (i32, i32) {
    %c0_i32 = arith.constant 0 : i32
    %c0_i32_0 = arith.constant 0 : i32
    %c0_i32_1 = arith.constant 0 : i32
    return %c0_i32, %c0_i32_0 : i32, i32
  }
  func.func @transform_5(%arg0: i32) -> (i32, i32) {
    %c0_i32 = arith.constant 0 : i32
    %c0_i32_0 = arith.constant 0 : i32
    %c0_i32_1 = arith.constant 0 : i32
    return %c0_i32, %c0_i32_0 : i32, i32
  }
  func.func @transform_6(%arg0: i32) -> (i32, i32) {
    %c0_i32 = arith.constant 0 : i32
    %c0_i32_0 = arith.constant 0 : i32
    %c0_i32_1 = arith.constant 0 : i32
    return %c0_i32, %c0_i32_0 : i32, i32
  }
  func.func @transform_7(%arg0: i32) -> (i32, i32) {
    %c0_i32 = arith.constant 0 : i32
    %c0_i32_0 = arith.constant 0 : i32
    return %arg0, %c0_i32 : i32, i32
  }
}

</mosaic_0001>

<sc_bundles>
// kernel: kernel.4.cloned.1.call-start
scs
__scs_entry_jumppad:
0x0: {  	(pc) =	sbr.rel $0x88, $3  }
0x1: {  	(tag) =	ssettag $0x0;
	lr =	simm.s32 $0x1  }
0x2: {  	[smem:$0x3F9A] =	sst lr;
	_ =	strace $0xD0000000  }
0x3: {  	_ = 	snop  }
0x4: {  	_ = 	snop  }
0x5: {  	_ = 	snop  }
0x6: {  	_ = 	snop  }
0x7: {  	_ = 	snop  }
__scs_overlays_trampoline_lowered:
0x8: {  	[smem:$0x3FA9] =	sst s0  }
0x9: {  	[smem:$0x3FAA] =	sst s1  }
0xa: {  	[smem:$0x3FAB] =	sst s2  }
0xb: {  	[smem:$0x3FAC] =	sst s3  }
0xc: {  	[smem:$0x3FAD] =	sst s4  }
0xd: {  	[smem:$0x3FAE] =	sst s5  }
0xe: {  	[smem:$0x3FAF] =	sst s6  }
0xf: {  	[smem:$0x3FB0] =	sst s7  }
0x10: {  	[smem:$0x3FB1] =	sst s8  }
0x11: {  	[smem:$0x3FB2] =	sst s9;
	s0 =	simm.s32 @!p0 $0x0  }
0x12: {  	s1 =	sld [smem:$0x3F98];
	s0 =	simm.s32 @p0 $0x1  }
0x13: {  	[smem:$0x3FB3] =	sst s0;
	s0 =	simm.s32 @!p1 $0x0  }
0x14: {  	s2 =	sld [smem:$0x3F97];
	s0 =	simm.s32 @p1 $0x1  }
0x15: {  	[smem:$0x3FB4] =	sst s0;
	s0 =	simm.s32 @!p2 $0x0  }
0x16: {  	s3 =	sld [smem:$0x3FDB];
	s0 =	simm.s32 @p2 $0x1  }
0x17: {  	s4 =	simm.s32 $0x1BF5;
	[smem:$0x3FB6] =	sst s0  }
0x18: {  	s0 =	sld [smem:$0x3F99];
	_ =	swait.ge [sflag:s4], $0x0  }
0x19: {  	s7 =	sld [smem:$0x3F9A]  }
0x1a: {  	s8 =	sadd.s32 $0xFFFFE003, lr  }
0x1b: {  	s9 =	sadd.s32 $0xFFFFFEF7, lr;
	s5 =	simm.s32 $0xFFFFFFFF;
	p2 =	slt.u32 s8, $0xFFFFF086  }
0x1c: {  	p1 =	slt.u32 s9, $0xF7A;
	s5 =	simm.s32 @!p2 $0x0  }
0x1d: {  	s5 =	simm.s32 @p1 $0x1;
	p0 =	seq.s32 s7, s2  }
0x1e: {  	s7 =	smul.u32 @!p0 $0xF7A, s2;
	p2 =	seq.s32 @!p0 s5, $0x0  }
0x1f: {  	s9 =	smul.u32 $0xF7A, s1;
	s8 =	simm.s32 @!p0 $0x1BF5;
	p2 =	por !p2, p0  }
0x20: {  	[sflag:s8] =	ssyncset.s32 @!p0 $0xFFFFF086;
	s6 =	sadd.s32 @!p0 s3, s7;
	s7 =	simm.s32 @!p0 $0x108  }
0x21: {  	s3 =	sadd.s32 s3, s9;
	s6 =	sadd.s32 @!p0 $0x88, s6;
	s7 =	simm.s32 @p2 $0x1082  }
0x22: {  	[simem:s7], [sflag:s8] =	dma.local @!p0 [hbm:s6], $0xF7A  }
0x23: {  	s9 =	sor.u32 $0xD0000000, s2;
	s6 =	simm.s32 $0x108;
	_ =	swait.ge @!p0 [sflag:s8], $0x0  }
0x24: {  	s3 =	sadd.s32 $0x88, s3;
	s6 =	simm.s32 @!p1 $0x1082;
	[sflag:s4] =	ssyncset.s32 $0xFFFFF086  }
0x25: {  	[simem:s6], [sflag:s4] =	dma.local [hbm:s3], $0xF7A  }
0x26: {  	[smem:$0x3F9A] =	sst s1;
	(tag) =	ssettag s2;
	_ =	strace s9  }
0x27: {  	s1 =	sld [smem:$0x3FAA]  }
0x28: {  	s2 =	sld [smem:$0x3FAB]  }
0x29: {  	s4 =	sld [smem:$0x3FAD]  }
0x2a: {  	p0 =	seq.s32 s5, $0x0;
	s5 =	sld [smem:$0x3FAE]  }
0x2b: {  	s6 =	sld [smem:$0x3FAF]  }
0x2c: {  	s7 =	sld [smem:$0x3FB0]  }
0x2d: {  	s3 =	simm.s32 $0x108;
	s8 =	sld [smem:$0x3FB1]  }
0x2e: {  	s3 =	simm.s32 @!p0 $0x1082;
	s9 =	sld [smem:$0x3FB2]  }
0x2f: {  	lr =	sadd.s32 s0, s3;
	s0 =	sld [smem:$0x3FA9]  }
0x30: {  	s3 =	sld [smem:$0x3FAC]  }
0x31: {  	[smem:$0x3FB5] =	sst s10  }
0x32: {  	s10 =	sld [smem:$0x3FB3];
	_ =	sdelay $0x3  }
0x33: {  	p0 =	seq.s32 s10, $0x1;
	s10 =	sld [smem:$0x3FB5];
	_ =	sdelay $0x3  }
0x34: {  	[smem:$0x3FB5] =	sst s10  }
0x35: {  	s10 =	sld [smem:$0x3FB4];
	_ =	sdelay $0x3  }
0x36: {  	p1 =	seq.s32 s10, $0x1;
	s10 =	sld [smem:$0x3FB5];
	_ =	sdelay $0x3  }
0x37: {  	[smem:$0x3FB5] =	sst s10  }
0x38: {  	s10 =	sld [smem:$0x3FB6]  }
0x39: {  	_ = 	snop;
	(pc) =	sbr.ind lr, $3  }
0x3a: {  	_ = 	snop  }
0x3b: {  	_ = 	snop  }
0x3c: {  	p2 =	seq.s32 s10, $0x1;
	s10 =	sld [smem:$0x3FB5]  }
0x3d: {  	_ =	shalt  }
0x3e: {  	_ =	shalt  }
0x3f: {  	_ =	shalt  }
0x40: {  	_ =	shalt  }
0x41: {  	_ =	shalt  }
0x42: {  	_ =	shalt  }
0x43: {  	_ =	shalt  }
0x44: {  	_ =	shalt  }
0x45: {  	_ =	shalt  }
0x46: {  	_ =	shalt  }
0x47: {  	_ =	shalt  }
0x48: {  	_ =	shalt  }
0x49: {  	_ =	shalt  }
0x4a: {  	_ =	shalt  }
0x4b: {  	_ =	shalt  }
0x4c: {  	_ =	shalt  }
0x4d: {  	_ =	shalt  }
0x4e: {  	_ =	shalt  }
0x4f: {  	_ =	shalt  }
0x50: {  	_ =	shalt  }
0x51: {  	_ =	shalt  }
0x52: {  	_ =	shalt  }
0x53: {  	_ =	shalt  }
0x54: {  	_ =	shalt  }
0x55: {  	_ =	shalt  }
0x56: {  	_ =	shalt  }
0x57: {  	_ =	shalt  }
0x58: {  	_ =	shalt  }
0x59: {  	_ =	shalt  }
0x5a: {  	_ =	shalt  }
0x5b: {  	_ =	shalt  }
0x5c: {  	_ =	shalt  }
0x5d: {  	_ =	shalt  }
0x5e: {  	_ =	shalt  }
0x5f: {  	_ =	shalt  }
0x60: {  	_ =	shalt  }
0x61: {  	_ =	shalt  }
0x62: {  	_ =	shalt  }
0x63: {  	_ =	shalt  }
0x64: {  	_ =	shalt  }
0x65: {  	_ =	shalt  }
0x66: {  	_ =	shalt  }
0x67: {  	_ =	shalt  }
0x68: {  	_ =	shalt  }
0x69: {  	_ =	shalt  }
0x6a: {  	_ =	shalt  }
0x6b: {  	_ =	shalt  }
0x6c: {  	_ =	shalt  }
0x6d: {  	_ =	shalt  }
0x6e: {  	_ =	shalt  }
0x6f: {  	_ =	shalt  }
0x70: {  	_ =	shalt  }
0x71: {  	_ =	shalt  }
0x72: {  	_ =	shalt  }
0x73: {  	_ =	shalt  }
0x74: {  	_ =	shalt  }
0x75: {  	_ =	shalt  }
0x76: {  	_ =	shalt  }
0x77: {  	_ =	shalt  }
0x78: {  	_ =	shalt  }
0x79: {  	_ =	shalt  }
0x7a: {  	_ =	shalt  }
0x7b: {  	_ =	shalt  }
0x7c: {  	_ =	shalt  }
0x7d: {  	_ =	shalt  }
0x7e: {  	_ =	shalt  }
0x7f: {  	_ =	shalt  }
0x80: {  	_ =	shalt  }
0x81: {  	_ =	shalt  }
0x82: {  	_ =	shalt  }
0x83: {  	_ =	shalt  }
0x84: {  	_ =	shalt  }
0x85: {  	_ =	shalt  }
0x86: {  	_ =	shalt  }
0x87: {  	_ =	shalt  }
.Lfunc_end0:
.L_simem_size_0:
called_computation_lowered:
.L_overlay_start_0:
0x88: {  	s2 =	sld [smem:$0x3FD9]  }
0x89: {  	s3 =	sld [smem:$0x3FFE];
	_ =	sdelay $0x1  }
0x8a: {  	s1 =	srdreg.scid  }
0x8b: {  	s0 =	sand.u32 $0x1, s1  }
0x8c: {  	s17 =	sshll.u32 s0, $0xA;
	s2 =	sadd.s32 s3, s2  }
0x8d: {  	s2 =	sadd.s32 s2, s17  }
0x8e: {  	[smem:$0x3FC1] =	sst s2  }
0x8f: {  	_ = 	snop  }
0x90: {  	s2 =	sld [smem:$0x3FC7]  }
0x91: {  	s18 =	sld [smem:$0x3FD0];
	(tm) =	ssettm $0x1  }
0x92: {  	s4 =	sld [smem:$0x3FFB];
	_ =	sdelay $0x3  }
0x93: {  	_ =	strace s4  }
0x94: {  	s4 =	sld [smem:$0x3FFC];
	_ =	sdelay $0x3  }
0x95: {  	_ =	strace s4  }
0x96: {  	s4 =	sld [smem:$0x3FFD];
	_ =	sdelay $0x3  }
0x97: {  	_ =	strace s4  }
0x98: {  	_ =	strace $0x8FFFFFFF  }
0x99: {  	s19 =	sld [smem:$0x3FDB];
	_ =	sdelay $0x1  }
0x9a: {  	s5 =	simm.s32 $_scs_section_size  }
0x9b: {  	s6 =	simm.s32 $_size__tile_overlayer_lowered;
	s7 =	simm.s32 $_tile_overlayer_lowered  }
0x9c: {  	s22 =	simm.s32 $0x1BFF;
	s21 =	sshll.u32 s7, $0x1;
	s4 =	sadd.s32 s5, s19  }
0x9d: {  	s8 =	simm.s32 $0x0;
	s20 =	sshll.u32 s6, $0x1;
	s6 =	sadd.s32 s21, s4  }
0x9e: {  	[timem:s8], [sflag:s22] =	dma.local [hbm:s6], s20  }
0x9f: {  	_ =	swait.ge [sflag:s22], s20  }
0xa0: {  	s5 =	ssub.s32 $0x0, s20;
	[sflag:s22] =	ssyncset.done $0x0  }
0xa1: {  	[sflag:s22] =	ssyncadd.s32 s5;
	_ =	sdelay $0x1  }
0xa2: {  	s23 =	simm.s32 $0x1B8B  }
0xa3: {  	_ =	swait.ge [sflag:s23], $0x1  }
0xa4: {  	[sflag:s23] =	ssyncset.done $0x0  }
0xa5: {  	s25 =	simm.s32 $0x1B8E;
	s24 =	sld [smem:$0x3FFE];
	[sflag:s23] =	ssyncadd.s32 $0xFFFFFFFF  }
0xa6: {  	s26 =	simm.s32 $execute0_lowered;
	[smem:$0x3FD2] =	sst s25  }
0xa7: {  	s6 =	sshll.u32 s26, $0x1;
	_ =	strace $0x80000046;
	[dreg:$0x1] =	wrdreg $0xFFFFFFFF  }
0xa8: {  	s28 =	simm.s32 $_size_execute0_lowered;
	s4 =	sadd.s32 s4, s6;
	[dreg:$0x0] =	wrdreg $0x0  }
0xa9: {  	s6 =	sshll.u32 s28, $0x1;
	[dreg:$0x2] =	wrdreg s4  }
0xaa: {  	[dreg:$0x3] =	wrdreg s6  }
0xab: {  	[dreg:$0x4] =	wrdreg $0xC0  }
0xac: {  	_ =	task [dreg:s8], $0x5FFFF  }
0xad: {  	[dreg:$0x1] =	wrdreg $0xFFFFFFFF  }
0xae: {  	[dreg:$0x0] =	wrdreg $0x60  }
0xaf: {  	[dreg:$0x2] =	wrdreg s18  }
0xb0: {  	[dreg:$0x3] =	wrdreg s24  }
0xb1: {  	[dreg:$0x4] =	wrdreg s2  }
0xb2: {  	[dreg:$0x5] =	wrdreg $0xB8000  }
0xb3: {  	[dreg:$0x6] =	wrdreg $0x9  }
0xb4: {  	_ =	task.clear_ibuf [dreg:s8], $0x7FFFF;
	_ =	strace $0x90000046  }
0xb5: {  	s29 =	simm.s32 $0x9;
	_ =	strace $0x80000048  }
0xb6: {  	_ =	swait.ge [sflag:s29], $0x1  }
0xb7: {  	[sflag:s29] =	ssyncadd.s32 $0xFFFFFFFF  }
0xb8: {  	_ =	strace $0x90000048  }
0xb9: {  	_ =	sfence  }
0xba: {  	s30 =	sld [smem:$0x0];
	_ =	sdelay $0x2  }
0xbb: {  	s31 =	sshll.u32 s1, $0xD;
	s1 =	sshrl.u32 s1, $0x2  }
0xbc: {  	s3 =	sand.u32 $0x4000, s31;
	s1 =	sadd.s32 s1, s30  }
0xbd: {  	s0 =	sor.u32 s3, s0;
	s1 =	sshll.u32 s1, $0x11  }
0xbe: {  	s0 =	sor.u32 s1, s0  }
0xbf: {  	s0 =	sadd.s32 $0x8F2B, s0  }
0xc0: {  	[sflag:s0] =	ssyncadd.remote.s32 $0x1  }
0xc1: {  	_ =	sfence.sel $0xFFFF  }
0xc2: {  	[dreg:$0x0] =	wrdreg $0xFFFFFFFF;
	(pc) =	sbr.abs _section_cstart, $3  }
0xc3: {  	[dreg:$0x1] =	wrdreg $0xFFFFFFFF  }
0xc4: {  	_ =	task.clear_ibuf [dreg:s8], $0x2FFFF;
	_ =	strace $0x9FFFFFFF  }
0xc5: {  	(tm) =	ssettm $0x7FFFFFFF  }
tec
execute0_lowered:
.L_overlay_start_1:
0x0: {  	(tag) =	ssettag $0x1  }
0x1: {  	s5 =	rddreg [dreg:$0x0]  }
0x2: {  	s6 =	rddreg [dreg:$0x1]  }
0x3: {  	s1 =	rddreg [dreg:$0x2]  }
0x4: {  	s3 =	rddreg [dreg:$0x3]  }
0x5: {  	s2 =	srdreg.scid;
	s0 =	rddreg [dreg:$0x4]  }
0x6: {  	s4 =	simm.s32 $0x0;
	s15 =	simm.s32 $0x2;
	s16 =	simm.s32 $0x2800  }
0x7: {  	s17 =	simm.s32 $0x5000;
	s18 =	simm.s32 $0x7800;
	s19 =	simm.s32 $0x80  }
0x8: {  	s20 =	simm.s32 $0x1;
	s7 =	sand.u32 $0x1, s2;
	s2 =	stileid.u32  }
0x9: {  	s23 =	simm.s32 $0x0;
	[smem:$0x7FF] =	sst s4;
	s9 =	smul.u32 $0x140000, s7  }
0xa: {  	s8 =	sshll.u32 s7, $0x4;
	s10 =	smul.u32 $0x14000, s2;
	_ =	strace $0x80000047  }
0xb: {  	s29 =	smul.u32 $0x50000, s2;
	s7 =	ssub.s32 $0x2, s7;
	s21 =	sshll.u32 s2, $0x6  }
0xc: {  	s8 =	sor.u32 s2, s8;
	s30 =	sshrl.u32 s7, $0x1;
	s21 =	sor.u32 $0x1C02, s21  }
0xd: {  	v0 =	vimm.f32 $0.0e+00;
	v1 =	vimm.s32 $0x0;
	s8 =	smul.u32 $0x500, s8;
	s9 =	sadd.s32 s10, s9;
	s14 =	ssub.s32 s7, s30  }
0xe: {  	v2 =	vimm.s32 $0x1;
	v3 =	vimm.s32 $0x2;
	v4 =	vimm.s32 $0x3;
	s31 =	sshrl.u32 s29, $0x2;
	s9 =	sshrl.u32 s9, $0x3;
	s14 =	smax.u32 s14, $0x1  }
0xf: {  	v5 =	vimm.s32 $0x4;
	v6 =	vimm.s32 $0x5;
	v7 =	vimm.s32 $0x6;
	s11 =	sadd.s32 s8, s6;
	s13 =	sadd.s32 s9, s6;
	s5 =	sadd.s32 s5, s8  }
0x10: {  	v8 =	vimm.s32 $0x7;
	v9 =	vimm.s32 $0x8;
	v10 =	vimm.s32 $0x9;
	s6 =	sadd.s32 s31, s3;
	s7 =	sadd.s32 $0xB000, s11;
	s8 =	sadd.s32 $0x1000, s11  }
0x11: {  	v11 =	vimm.s32 $0xA;
	v12 =	vimm.s32 $0xB;
	v13 =	vimm.s32 $0xC;
	s9 =	sadd.s32 $0x4000, s6;
	s10 =	sadd.s32 $0x8000, s6;
	s11 =	sadd.s32 $0xC000, s6  }
0x12: {  	v14 =	vimm.s32 $0xD;
	v15 =	vimm.s32 $0xE;
	v16 =	vimm.s32 $0xF;
	s12 =	sadd.s32 $0x10000, s6;
	s13 =	sadd.s32 $0x15000, s13;
	s22 =	sshrl.u32 s6, $0x3  }
.LBB2_1:
0x13: {  	[tilespmem:s4], [sflag:$0x2] =	stream.linear.gather [hbm4b:s5+s4], $0x2780, $0x38;
	[tilespmem:$0x1F800] =	vst v63  }
0x14: {  	_ =	swait.ge [sflag:s15], $0x2780  }
0x15: {  	[sflag:s15] =	ssyncset.done $0x0  }
0x16: {  	[sflag:s15] =	ssyncadd.s32 $0xFFFFD880  }
0x17: {  	[tilespmem:s16], [sflag:$0x2] =	stream.linear.gather [hbm4b:s7+s4], $0x2780, $0x38;
	[tilespmem:$0x1F800] =	vst v63  }
0x18: {  	_ =	swait.ge [sflag:s15], $0x2780  }
0x19: {  	[sflag:s15] =	ssyncset.done $0x0  }
0x1a: {  	[sflag:s15] =	ssyncadd.s32 $0xFFFFD880  }
0x1b: {  	[tilespmem:s17], [sflag:$0x2] =	stream.linear.gather [hbm4b:s8+s4], $0x2780, $0x38;
	[tilespmem:$0x1F800] =	vst v63  }
0x1c: {  	_ =	swait.ge [sflag:s15], $0x2780  }
0x1d: {  	[sflag:s15] =	ssyncset.done $0x0  }
0x1e: {  	s24 =	simm.s32 $0x0;
	s25 =	simm.s32 $0x200;
	[sflag:s15] =	ssyncadd.s32 $0xFFFFD880  }
.LBB2_2:
0x1f: {  	p0 =	sne.s32 s25, $0xFE00;
	[tilespmem:s24+$0x7870] =	vst v0  }
0x20: {  	[tilespmem:s24+$0x7800] =	vst v0  }
0x21: {  	[tilespmem:s24+$0x7810] =	vst v0  }
.Ltmp0:
0x22: {  	[tilespmem:s24+$0x7820] =	vst v0;
	(pc) =	sbr.rel @p0 .LBB2_2-.Ltmp0, $4  }
0x23: {  	[tilespmem:s24+$0x7830] =	vst v0  }
0x24: {  	[tilespmem:s24+$0x7840] =	vst v0  }
0x25: {  	[tilespmem:s24+$0x7850] =	vst v0  }
0x26: {  	[tilespmem:s24+$0x7860] =	vst v0;
	s24 =	sshra.s32 s25, $0x2;
	s25 =	sadd.s32 $0x200, s25  }
0x27: {  	[tilespmem:s24+$0x7870] =	vst v0  }
0x28: {  	[tilespmem:s24+$0x7800] =	vst v0  }
0x29: {  	[tilespmem:s24+$0x7810] =	vst v0  }
0x2a: {  	[tilespmem:s24+$0x7820] =	vst v0  }
0x2b: {  	[tilespmem:s24+$0x7830] =	vst v0  }
0x2c: {  	[tilespmem:s24+$0x7840] =	vst v0  }
0x2d: {  	[tilespmem:s24+$0x7850] =	vst v0  }
0x2e: {  	[tilespmem:s24+$0x7860] =	vst v0  }
0x2f: {  	[spmem:s6] =	stream.linear.scatter [tilespmem:s18], [sflag:$0x2], $0x4000, $0x38;
	[tilespmem:$0x1F800] =	vst v63  }
0x30: {  	_ =	swait.ge [sflag:s15], $0x4000  }
0x31: {  	[sflag:s15] =	ssyncset.done $0x0  }
0x32: {  	[sflag:s15] =	ssyncadd.s32 $0xFFFFC000  }
0x33: {  	[spmem:s9] =	stream.linear.scatter [tilespmem:s18], [sflag:$0x2], $0x4000, $0x38;
	[tilespmem:$0x1F800] =	vst v63  }
0x34: {  	_ =	swait.ge [sflag:s15], $0x4000  }
0x35: {  	[sflag:s15] =	ssyncset.done $0x0  }
0x36: {  	[sflag:s15] =	ssyncadd.s32 $0xFFFFC000  }
0x37: {  	[spmem:s10] =	stream.linear.scatter [tilespmem:s18], [sflag:$0x2], $0x4000, $0x38;
	[tilespmem:$0x1F800] =	vst v63  }
0x38: {  	_ =	swait.ge [sflag:s15], $0x4000  }
0x39: {  	[sflag:s15] =	ssyncset.done $0x0  }
0x3a: {  	[sflag:s15] =	ssyncadd.s32 $0xFFFFC000  }
0x3b: {  	[spmem:s11] =	stream.linear.scatter [tilespmem:s18], [sflag:$0x2], $0x4000, $0x38;
	[tilespmem:$0x1F800] =	vst v63  }
0x3c: {  	_ =	swait.ge [sflag:s15], $0x4000  }
0x3d: {  	[sflag:s15] =	ssyncset.done $0x0  }
0x3e: {  	[sflag:s15] =	ssyncadd.s32 $0xFFFFC000  }
0x3f: {  	[spmem:s12] =	stream.linear.scatter [tilespmem:s18], [sflag:$0x2], $0x4000, $0x38;
	[tilespmem:$0x1F800] =	vst v63  }
0x40: {  	_ =	swait.ge [sflag:s15], $0x4000  }
0x41: {  	[sflag:s15] =	ssyncset.done $0x0  }
0x42: {  	[sflag:s15] =	ssyncadd.s32 $0xFFFFC000  }
0x43: {  	s24 =	simm.s32 $0x0;
	[bflag:$0x0] =	sbarrier.arrive $0xFFFF  }
.LBB2_4:
0x44: {  	s25 =	sshll.u32 s24, $0x7  }
0x45: {  	s26 =	sadd.s32 $0x2800, s25;
	s31 =	sadd.s32 $0x5000, s25  }
0x46: {  	[tilespmem:s18], [sflag:$0x1] =	stream.indirect.gather [hbm4b:s1+s19], $0x80, s26, s19, $0xb8;
	[tilespmem:$0x1F800] =	vst v63  }
0x47: {  	v17 =	vmov s31;
	_ =	swait.ge [sflag:s20], $0x4000  }
0x48: {  	[sflag:s20] =	ssyncset.done $0x0  }
0x49: {  	s26 =	simm.s32 $0x0;
	[sflag:s20] =	ssyncadd.s32 $0xFFFFC000  }
.LBB2_5:
0x4a: {  	s28 =	sshll.u32 s26, $0x4  }
0x4b: {  	s28 =	sand.u32 $0x3FFFFFF0, s28  }
0x4c: {  	s31 =	sshll.u32 s26, $0xB;
	v18 =	vld.idx.msk [tilespmem:v17+s28+$0x0 ss:$0x1], $0xffff  }
0x4d: {  	s28 =	sand.u32 $0x3FFFF800, s31  }
0x4e: {  	v19 =	vld [tilespmem:s28+$0x7800]  }
0x4f: {  	v20 =	vld [tilespmem:s28+$0x7810]  }
0x50: {  	v21 =	vld [tilespmem:s28+$0x7820]  }
0x51: {  	v23 =	vld [tilespmem:s28+$0x7830];
	v22 =	vperm.xlane v18, v1  }
0x52: {  	v24 =	vld [tilespmem:s28+$0x7840]  }
0x53: {  	v25 =	vld [tilespmem:s28+$0x7850];
	v19 =	vmul.f32 v19, v22  }
0x54: {  	v26 =	vld [tilespmem:s28+$0x7860];
	v20 =	vmul.f32 v20, v22  }
0x55: {  	v43 =	vld [tilespmem:s28+$0x7870];
	[tilespmem:s28+$0x7800] =	vst v19;
	v19 =	vmul.f32 v21, v22  }
0x56: {  	v45 =	vld [tilespmem:s28+$0x7880];
	v44 =	vmul.f32 v23, v22;
	[tilespmem:s28+$0x7810] =	vst v20  }
0x57: {  	v46 =	vld [tilespmem:s28+$0x7890];
	[tilespmem:s28+$0x7820] =	vst v19;
	v19 =	vmul.f32 v24, v22  }
0x58: {  	v48 =	vld [tilespmem:s28+$0x78A0];
	v47 =	vmul.f32 v25, v22;
	[tilespmem:s28+$0x7830] =	vst v44  }
0x59: {  	v27 =	vld [tilespmem:s28+$0x78B0];
	v49 =	vperm.xlane v18, v2;
	[tilespmem:s28+$0x7840] =	vst v19;
	v19 =	vmul.f32 v26, v22  }
0x5a: {  	v51 =	vld [tilespmem:s28+$0x78C0];
	v50 =	vmul.f32 v43, v22;
	[tilespmem:s28+$0x7850] =	vst v47  }
0x5b: {  	v52 =	vld [tilespmem:s28+$0x78D0];
	[tilespmem:s28+$0x7860] =	vst v19;
	v19 =	vmul.f32 v45, v49  }
0x5c: {  	v54 =	vld [tilespmem:s28+$0x78E0];
	v53 =	vmul.f32 v46, v49;
	[tilespmem:s28+$0x7870] =	vst v50  }
0x5d: {  	v55 =	vld [tilespmem:s28+$0x78F0];
	[tilespmem:s28+$0x7880] =	vst v19;
	v19 =	vmul.f32 v48, v49  }
0x5e: {  	v57 =	vld [tilespmem:s28+$0x7900];
	v56 =	vmul.f32 v27, v49;
	[tilespmem:s28+$0x7890] =	vst v53  }
0x5f: {  	v58 =	vld [tilespmem:s28+$0x7910];
	[tilespmem:s28+$0x78A0] =	vst v19;
	v19 =	vmul.f32 v51, v49  }
0x60: {  	v60 =	vld [tilespmem:s28+$0x7920];
	v59 =	vmul.f32 v52, v49;
	[tilespmem:s28+$0x78B0] =	vst v56  }
0x61: {  	v62 =	vld [tilespmem:s28+$0x7930];
	v61 =	vperm.xlane v18, v3;
	[tilespmem:s28+$0x78C0] =	vst v19;
	v19 =	vmul.f32 v54, v49  }
0x62: {  	v28 =	vld [tilespmem:s28+$0x7940];
	v63 =	vmul.f32 v55, v49;
	[tilespmem:s28+$0x78D0] =	vst v59  }
0x63: {  	v29 =	vld [tilespmem:s28+$0x7950];
	[tilespmem:s28+$0x78E0] =	vst v19;
	v19 =	vmul.f32 v57, v61  }
0x64: {  	v31 =	vld [tilespmem:s28+$0x7960];
	v30 =	vmul.f32 v58, v61;
	[tilespmem:s28+$0x78F0] =	vst v63  }
0x65: {  	v32 =	vld [tilespmem:s28+$0x7970];
	[tilespmem:s28+$0x7900] =	vst v19;
	v19 =	vmul.f32 v60, v61  }
0x66: {  	v34 =	vld [tilespmem:s28+$0x7980];
	v33 =	vmul.f32 v62, v61;
	[tilespmem:s28+$0x7910] =	vst v30  }
0x67: {  	v35 =	vld [tilespmem:s28+$0x7990];
	[tilespmem:s28+$0x7920] =	vst v19;
	v19 =	vmul.f32 v28, v61  }
0x68: {  	v37 =	vld [tilespmem:s28+$0x79A0];
	v36 =	vmul.f32 v29, v61;
	[tilespmem:s28+$0x7930] =	vst v33  }
0x69: {  	v39 =	vld [tilespmem:s28+$0x79B0];
	v38 =	vperm.xlane v18, v4;
	[tilespmem:s28+$0x7940] =	vst v19;
	v19 =	vmul.f32 v31, v61  }
0x6a: {  	v41 =	vld [tilespmem:s28+$0x79C0];
	v40 =	vmul.f32 v32, v61;
	[tilespmem:s28+$0x7950] =	vst v36  }
0x6b: {  	v45 =	vld [tilespmem:s28+$0x79F0];
	[tilespmem:s28+$0x7960] =	vst v19;
	v19 =	vmul.f32 v34, v38  }
0x6c: {  	v43 =	vmul.f32 v35, v38;
	[tilespmem:s28+$0x7970] =	vst v40;
	v44 =	vld [tilespmem:s28+$0x79E0]  }
0x6d: {  	v42 =	vld [tilespmem:s28+$0x79D0];
	[tilespmem:s28+$0x7980] =	vst v19;
	v19 =	vmul.f32 v37, v38  }
0x6e: {  	v46 =	vmul.f32 v39, v38;
	[tilespmem:s28+$0x7990] =	vst v43;
	v47 =	vld [tilespmem:s28+$0x7A00]  }
0x6f: {  	v52 =	vld [tilespmem:s28+$0x7A30];
	[tilespmem:s28+$0x79A0] =	vst v19;
	v19 =	vmul.f32 v41, v38  }
0x70: {  	[tilespmem:s28+$0x79B0] =	vst v46;
	v50 =	vld [tilespmem:s28+$0x7A20];
	v53 =	vmul.f32 v45, v38  }
0x71: {  	v55 =	vld [tilespmem:s28+$0x7A50];
	v51 =	vperm.xlane v18, v5;
	[tilespmem:s28+$0x79C0] =	vst v19;
	v19 =	vmul.f32 v44, v38  }
0x72: {  	v49 =	vmul.f32 v42, v38;
	v54 =	vld [tilespmem:s28+$0x7A40];
	[tilespmem:s28+$0x79F0] =	vst v53  }
0x73: {  	v58 =	vld [tilespmem:s28+$0x7A70];
	[tilespmem:s28+$0x79E0] =	vst v19;
	v19 =	vmul.f32 v47, v51  }
0x74: {  	v59 =	vmul.f32 v52, v51;
	[tilespmem:s28+$0x79D0] =	vst v49;
	v57 =	vld [tilespmem:s28+$0x7A60]  }
0x75: {  	v48 =	vld [tilespmem:s28+$0x7A10];
	[tilespmem:s28+$0x7A00] =	vst v19;
	v19 =	vmul.f32 v50, v51  }
0x76: {  	v62 =	vmul.f32 v55, v51;
	[tilespmem:s28+$0x7A30] =	vst v59;
	v60 =	vld [tilespmem:s28+$0x7A80]  }
0x77: {  	v40 =	vld [tilespmem:s28+$0x7B10];
	[tilespmem:s28+$0x7A20] =	vst v19;
	v19 =	vmul.f32 v54, v51  }
0x78: {  	v63 =	vld [tilespmem:s28+$0x7AA0];
	v32 =	vmul.f32 v58, v51;
	[tilespmem:s28+$0x7A50] =	vst v62  }
0x79: {  	v30 =	vperm.xlane v18, v6;
	v61 =	vld [tilespmem:s28+$0x7A90];
	[tilespmem:s28+$0x7A40] =	vst v19;
	v19 =	vmul.f32 v57, v51  }
0x7a: {  	v33 =	vld [tilespmem:s28+$0x7AC0];
	v43 =	vperm.xlane v18, v7;
	v56 =	vmul.f32 v48, v51;
	[tilespmem:s28+$0x7A70] =	vst v32  }
0x7b: {  	v53 =	vld [tilespmem:s28+$0x7B90];
	[tilespmem:s28+$0x7A60] =	vst v19;
	v19 =	vmul.f32 v60, v30  }
0x7c: {  	v36 =	vld [tilespmem:s28+$0x7AE0];
	v48 =	vmul.f32 v40, v43;
	[tilespmem:s28+$0x7A10] =	vst v56  }
0x7d: {  	v31 =	vld [tilespmem:s28+$0x7AB0];
	[tilespmem:s28+$0x7A80] =	vst v19;
	v19 =	vmul.f32 v63, v30  }
0x7e: {  	v39 =	vld [tilespmem:s28+$0x7B00];
	[tilespmem:s28+$0x7B10] =	vst v48;
	v56 =	vperm.xlane v18, v8;
	v35 =	vmul.f32 v61, v30  }
0x7f: {  	v34 =	vld [tilespmem:s28+$0x7AD0];
	[tilespmem:s28+$0x7AA0] =	vst v19;
	v19 =	vmul.f32 v33, v30  }
0x80: {  	v42 =	vld [tilespmem:s28+$0x7B20];
	v61 =	vmul.f32 v53, v56;
	[tilespmem:s28+$0x7A90] =	vst v35  }
0x81: {  	v37 =	vld [tilespmem:s28+$0x7AF0];
	[tilespmem:s28+$0x7AC0] =	vst v19;
	v19 =	vmul.f32 v36, v30  }
0x82: {  	v46 =	vld [tilespmem:s28+$0x7B40];
	[tilespmem:s28+$0x7B90] =	vst v61;
	v38 =	vmul.f32 v31, v30  }
0x83: {  	v47 =	vld [tilespmem:s28+$0x7B50];
	[tilespmem:s28+$0x7AE0] =	vst v19;
	v19 =	vmul.f32 v39, v43  }
0x84: {  	v49 =	vld [tilespmem:s28+$0x7B60];
	v41 =	vmul.f32 v34, v30;
	[tilespmem:s28+$0x7AB0] =	vst v38  }
0x85: {  	v38 =	vld [tilespmem:s28+$0x7C50];
	[tilespmem:s28+$0x7B00] =	vst v19;
	v19 =	vmul.f32 v42, v43  }
0x86: {  	v52 =	vld [tilespmem:s28+$0x7B80];
	[tilespmem:s28+$0x7AD0] =	vst v41;
	v45 =	vmul.f32 v37, v30  }
0x87: {  	v44 =	vld [tilespmem:s28+$0x7B30];
	[tilespmem:s28+$0x7B20] =	vst v19;
	v19 =	vmul.f32 v46, v43  }
0x88: {  	v55 =	vld [tilespmem:s28+$0x7BA0];
	v34 =	vperm.xlane v18, v9;
	[tilespmem:s28+$0x7AF0] =	vst v45;
	v54 =	vmul.f32 v47, v43  }
0x89: {  	v50 =	vld [tilespmem:s28+$0x7B70];
	[tilespmem:s28+$0x7B40] =	vst v19;
	v19 =	vmul.f32 v49, v43  }
0x8a: {  	v59 =	vld [tilespmem:s28+$0x7BC0];
	v45 =	vmul.f32 v38, v34;
	[tilespmem:s28+$0x7B50] =	vst v54  }
0x8b: {  	v57 =	vld [tilespmem:s28+$0x7BB0];
	[tilespmem:s28+$0x7B60] =	vst v19;
	v19 =	vmul.f32 v52, v56  }
0x8c: {  	v62 =	vld [tilespmem:s28+$0x7BE0];
	v51 =	vmul.f32 v44, v43;
	[tilespmem:s28+$0x7C50] =	vst v45  }
0x8d: {  	v60 =	vld [tilespmem:s28+$0x7BD0];
	[tilespmem:s28+$0x7B80] =	vst v19;
	v19 =	vmul.f32 v55, v56  }
0x8e: {  	v58 =	vmul.f32 v50, v43;
	[tilespmem:s28+$0x7B30] =	vst v51;
	v30 =	vld [tilespmem:s28+$0x7C00]  }
0x8f: {  	v51 =	vld [tilespmem:s28+$0x7CD0];
	[tilespmem:s28+$0x7BA0] =	vst v19;
	v19 =	vmul.f32 v59, v56  }
0x90: {  	[tilespmem:s28+$0x7B70] =	vst v58;
	v29 =	vmul.f32 v57, v56;
	v33 =	vld [tilespmem:s28+$0x7C20]  }
0x91: {  	v63 =	vld [tilespmem:s28+$0x7BF0];
	[tilespmem:s28+$0x7BC0] =	vst v19;
	v19 =	vmul.f32 v62, v56  }
0x92: {  	v37 =	vld [tilespmem:s28+$0x7C40];
	v47 =	vperm.xlane v18, v10;
	[tilespmem:s28+$0x7BB0] =	vst v29;
	v32 =	vmul.f32 v60, v56  }
0x93: {  	v61 =	vld [tilespmem:s28+$0x7D30];
	[tilespmem:s28+$0x7BE0] =	vst v19;
	v19 =	vmul.f32 v30, v34  }
0x94: {  	v40 =	vld [tilespmem:s28+$0x7C60];
	v58 =	vmul.f32 v51, v47;
	[tilespmem:s28+$0x7BD0] =	vst v32  }
0x95: {  	v31 =	vld [tilespmem:s28+$0x7C10];
	[tilespmem:s28+$0x7C00] =	vst v19;
	v19 =	vmul.f32 v33, v34  }
0x96: {  	v60 =	vperm.xlane v18, v11;
	v36 =	vmul.f32 v63, v56;
	[tilespmem:s28+$0x7CD0] =	vst v58;
	v43 =	vld [tilespmem:s28+$0x7C80]  }
0x97: {  	v57 =	vld [tilespmem:s28+$0x7D10];
	[tilespmem:s28+$0x7C20] =	vst v19;
	v19 =	vmul.f32 v37, v34  }
0x98: {  	v32 =	vmul.f32 v61, v60;
	[tilespmem:s28+$0x7BF0] =	vst v36;
	v46 =	vld [tilespmem:s28+$0x7CA0]  }
0x99: {  	v35 =	vld [tilespmem:s28+$0x7C30];
	[tilespmem:s28+$0x7C40] =	vst v19;
	v19 =	vmul.f32 v40, v34  }
0x9a: {  	v50 =	vld [tilespmem:s28+$0x7CC0];
	v39 =	vmul.f32 v31, v34;
	[tilespmem:s28+$0x7D30] =	vst v32  }
0x9b: {  	v28 =	vld [tilespmem:s28+$0x7D50];
	[tilespmem:s28+$0x7C60] =	vst v19;
	v19 =	vmul.f32 v43, v47  }
0x9c: {  	v53 =	vld [tilespmem:s28+$0x7CE0];
	v29 =	vmul.f32 v57, v60;
	[tilespmem:s28+$0x7C10] =	vst v39  }
0x9d: {  	v31 =	vld [tilespmem:s28+$0x7D70];
	[tilespmem:s28+$0x7C80] =	vst v19;
	v19 =	vmul.f32 v46, v47  }
0x9e: {  	v42 =	vmul.f32 v35, v34;
	[tilespmem:s28+$0x7D10] =	vst v29;
	v56 =	vld [tilespmem:s28+$0x7D00]  }
0x9f: {  	v41 =	vld [tilespmem:s28+$0x7C70];
	[tilespmem:s28+$0x7CA0] =	vst v19;
	v19 =	vmul.f32 v50, v47  }
0xa0: {  	v35 =	vmul.f32 v28, v60;
	[tilespmem:s28+$0x7C30] =	vst v42;
	v59 =	vld [tilespmem:s28+$0x7D20]  }
0xa1: {  	v44 =	vld [tilespmem:s28+$0x7C90];
	[tilespmem:s28+$0x7CC0] =	vst v19;
	v19 =	vmul.f32 v53, v47  }
0xa2: {  	v63 =	vld [tilespmem:s28+$0x7D40];
	[tilespmem:s28+$0x7D50] =	vst v35;
	v39 =	vmul.f32 v31, v60  }
0xa3: {  	v48 =	vld [tilespmem:s28+$0x7CB0];
	[tilespmem:s28+$0x7CE0] =	vst v19;
	v19 =	vmul.f32 v56, v60  }
0xa4: {  	v49 =	vmul.f32 v41, v34;
	[tilespmem:s28+$0x7D70] =	vst v39;
	v30 =	vld [tilespmem:s28+$0x7D60]  }
0xa5: {  	v54 =	vld [tilespmem:s28+$0x7CF0];
	[tilespmem:s28+$0x7D00] =	vst v19;
	v19 =	vmul.f32 v59, v60  }
0xa6: {  	[tilespmem:s28+$0x7C70] =	vst v49;
	v52 =	vmul.f32 v44, v47;
	v33 =	vld [tilespmem:s28+$0x7D80]  }
0xa7: {  	v38 =	vld [tilespmem:s28+$0x7DB0];
	[tilespmem:s28+$0x7D20] =	vst v19;
	v19 =	vmul.f32 v63, v60  }
0xa8: {  	v36 =	vld [tilespmem:s28+$0x7DA0];
	[tilespmem:s28+$0x7C90] =	vst v52;
	v55 =	vmul.f32 v48, v47  }
0xa9: {  	v41 =	vld [tilespmem:s28+$0x7DD0];
	v37 =	vperm.xlane v18, v12;
	[tilespmem:s28+$0x7D40] =	vst v19;
	v19 =	vmul.f32 v30, v60  }
0xaa: {  	[tilespmem:s28+$0x7CB0] =	vst v55;
	v62 =	vmul.f32 v54, v47;
	v40 =	vld [tilespmem:s28+$0x7DC0]  }
0xab: {  	v44 =	vld [tilespmem:s28+$0x7DF0];
	[tilespmem:s28+$0x7D60] =	vst v19;
	v19 =	vmul.f32 v33, v37  }
0xac: {  	[tilespmem:s28+$0x7CF0] =	vst v62;
	v45 =	vmul.f32 v38, v37;
	v43 =	vld [tilespmem:s28+$0x7DE0]  }
0xad: {  	v34 =	vld [tilespmem:s28+$0x7D90];
	[tilespmem:s28+$0x7D80] =	vst v19;
	v19 =	vmul.f32 v36, v37  }
0xae: {  	v48 =	vmul.f32 v41, v37;
	[tilespmem:s28+$0x7DB0] =	vst v45;
	v46 =	vld [tilespmem:s28+$0x7E00]  }
0xaf: {  	v51 =	vld [tilespmem:s28+$0x7E30];
	[tilespmem:s28+$0x7DA0] =	vst v19;
	v19 =	vmul.f32 v40, v37  }
0xb0: {  	v49 =	vld [tilespmem:s28+$0x7E20];
	v52 =	vmul.f32 v44, v37;
	[tilespmem:s28+$0x7DD0] =	vst v48  }
0xb1: {  	v54 =	vld [tilespmem:s28+$0x7E50];
	v50 =	vperm.xlane v18, v13;
	[tilespmem:s28+$0x7DC0] =	vst v19;
	v19 =	vmul.f32 v43, v37  }
0xb2: {  	[tilespmem:s28+$0x7DF0] =	vst v52;
	v42 =	vmul.f32 v34, v37;
	v53 =	vld [tilespmem:s28+$0x7E40]  }
0xb3: {  	v57 =	vld [tilespmem:s28+$0x7E70];
	[tilespmem:s28+$0x7DE0] =	vst v19;
	v19 =	vmul.f32 v46, v50  }
0xb4: {  	[tilespmem:s28+$0x7D90] =	vst v42;
	v58 =	vmul.f32 v51, v50;
	v56 =	vld [tilespmem:s28+$0x7E60]  }
0xb5: {  	v47 =	vld [tilespmem:s28+$0x7E10];
	[tilespmem:s28+$0x7E00] =	vst v19;
	v19 =	vmul.f32 v49, v50  }
0xb6: {  	v61 =	vmul.f32 v54, v50;
	[tilespmem:s28+$0x7E30] =	vst v58;
	v59 =	vld [tilespmem:s28+$0x7E80]  }
0xb7: {  	v39 =	vld [tilespmem:s28+$0x7F10];
	[tilespmem:s28+$0x7E20] =	vst v19;
	v19 =	vmul.f32 v53, v50  }
0xb8: {  	v62 =	vld [tilespmem:s28+$0x7EA0];
	v31 =	vmul.f32 v57, v50;
	[tilespmem:s28+$0x7E50] =	vst v61  }
0xb9: {  	v63 =	vperm.xlane v18, v14;
	v60 =	vld [tilespmem:s28+$0x7E90];
	[tilespmem:s28+$0x7E40] =	vst v19;
	v19 =	vmul.f32 v56, v50  }
0xba: {  	v32 =	vld [tilespmem:s28+$0x7EC0];
	v42 =	vperm.xlane v18, v15;
	[tilespmem:s28+$0x7E70] =	vst v31;
	v55 =	vmul.f32 v47, v50  }
0xbb: {  	v33 =	vld [tilespmem:s28+$0x7ED0];
	[tilespmem:s28+$0x7E60] =	vst v19;
	v19 =	vmul.f32 v59, v63  }
0xbc: {  	v35 =	vld [tilespmem:s28+$0x7EE0];
	v47 =	vmul.f32 v39, v42;
	[tilespmem:s28+$0x7E10] =	vst v55  }
0xbd: {  	v30 =	vld [tilespmem:s28+$0x7EB0];
	[tilespmem:s28+$0x7E80] =	vst v19;
	v19 =	vmul.f32 v62, v63  }
0xbe: {  	v38 =	vld [tilespmem:s28+$0x7F00];
	[tilespmem:s28+$0x7F10] =	vst v47;
	v34 =	vmul.f32 v60, v63  }
0xbf: {  	v36 =	vld [tilespmem:s28+$0x7EF0];
	[tilespmem:s28+$0x7EA0] =	vst v19;
	v19 =	vmul.f32 v32, v63  }
0xc0: {  	v41 =	vld [tilespmem:s28+$0x7F20];
	[tilespmem:s28+$0x7E90] =	vst v34;
	v40 =	vmul.f32 v33, v63  }
0xc1: {  	v46 =	vld [tilespmem:s28+$0x7F50];
	[tilespmem:s28+$0x7EC0] =	vst v19;
	v19 =	vmul.f32 v35, v63  }
0xc2: {  	v45 =	vld [tilespmem:s28+$0x7F40];
	v37 =	vmul.f32 v30, v63;
	[tilespmem:s28+$0x7ED0] =	vst v40  }
0xc3: {  	v43 =	vld [tilespmem:s28+$0x7F30];
	[tilespmem:s28+$0x7EE0] =	vst v19;
	v19 =	vmul.f32 v38, v42  }
0xc4: {  	v48 =	vld [tilespmem:s28+$0x7F60];
	v44 =	vmul.f32 v36, v63;
	[tilespmem:s28+$0x7EB0] =	vst v37  }
0xc5: {  	v49 =	vld [tilespmem:s28+$0x7F70];
	[tilespmem:s28+$0x7F00] =	vst v19;
	v19 =	vmul.f32 v41, v42  }
0xc6: {  	v51 =	vld [tilespmem:s28+$0x7F80];
	[tilespmem:s28+$0x7EF0] =	vst v44;
	v53 =	vmul.f32 v46, v42  }
0xc7: {  	v52 =	vld [tilespmem:s28+$0x7F90];
	[tilespmem:s28+$0x7F20] =	vst v19;
	v19 =	vmul.f32 v45, v42  }
0xc8: {  	v54 =	vld [tilespmem:s28+$0x7FA0];
	v50 =	vmul.f32 v43, v42;
	[tilespmem:s28+$0x7F50] =	vst v53  }
0xc9: {  	v18 =	vperm.xlane v18, v16;
	v55 =	vld [tilespmem:s28+$0x7FB0];
	[tilespmem:s28+$0x7F40] =	vst v19;
	v19 =	vmul.f32 v48, v42  }
0xca: {  	v57 =	vld [tilespmem:s28+$0x7FC0];
	v56 =	vmul.f32 v49, v42;
	[tilespmem:s28+$0x7F30] =	vst v50  }
0xcb: {  	v58 =	vld [tilespmem:s28+$0x7FD0];
	[tilespmem:s28+$0x7F60] =	vst v19;
	v19 =	vmul.f32 v51, v18  }
0xcc: {  	v60 =	vld [tilespmem:s28+$0x7FE0];
	v59 =	vmul.f32 v52, v18;
	[tilespmem:s28+$0x7F70] =	vst v56  }
0xcd: {  	v61 =	vld [tilespmem:s28+$0x7FF0];
	[tilespmem:s28+$0x7F80] =	vst v19;
	v19 =	vmul.f32 v54, v18  }
0xce: {  	[tilespmem:s28+$0x7F90] =	vst v59;
	v62 =	vmul.f32 v55, v18  }
0xcf: {  	p0 =	sne.s32 s26, $0x7;
	[tilespmem:s28+$0x7FA0] =	vst v19;
	v19 =	vmul.f32 v57, v18  }
.Ltmp1:
0xd0: {  	[tilespmem:s28+$0x7FB0] =	vst v62;
	v63 =	vmul.f32 v58, v18;
	(pc) =	sbr.rel @p0 .LBB2_5-.Ltmp1, $4  }
0xd1: {  	[tilespmem:s28+$0x7FC0] =	vst v19;
	v19 =	vmul.f32 v60, v18  }
0xd2: {  	[tilespmem:s28+$0x7FD0] =	vst v63;
	v18 =	vmul.f32 v61, v18  }
0xd3: {  	[tilespmem:s28+$0x7FE0] =	vst v19  }
0xd4: {  	s26 =	sadd.s32 $0x1, s26;
	[tilespmem:s28+$0x7FF0] =	vst v18  }
0xd5: {  	s24 =	sadd.s32 $0x1, s24  }
0xd6: {  	p0 =	sne.s32 s24, $0x4F  }
.Ltmp2:
0xd7: {  	_ = 	snop;
	(pc) =	sbr.rel @p0 .LBB2_4-.Ltmp2, $4  }
0xd8: {  	[spmem:s3] =	stream.indirect.scatter.add.f32 [tilespmem:s18], [sflag:$0x2], $0x80, s25, s19, $0xb8;
	[tilespmem:$0x1F800] =	vst v63  }
0xd9: {  	_ =	swait.ge [sflag:s15], $0x4000  }
0xda: {  	[sflag:s15] =	ssyncset.done $0x0  }
0xdb: {  	[sflag:s15] =	ssyncadd.s32 $0xFFFFC000  }
0xdc: {  	s23 =	sadd.s32 $0x1, s23  }
0xdd: {  	p0 =	sne.s32 s23, s14  }
.Ltmp3:
0xde: {  	[bflag:$0x0] =	sbarrier.arrive $0xFFFF;
	(pc) =	sbr.rel @p0 .LBB2_1-.Ltmp3, $4  }
0xdf: {  	[hbm:s13], [sflag:s21] =	dma.local [spmem:s22], $0x2800  }
0xe0: {  	_ =	swait.ge [sflag:s15], $0x2800  }
0xe1: {  	[sflag:s15] =	ssyncset.done $0x0  }
0xe2: {  	[sflag:s15] =	ssyncadd.s32 $0xFFFFD800  }
0xe3: {  	_ =	sfence.sel $0x180000  }
0xe4: {  	[bflag:$0x0] =	sbarrier.arrive $0xFFFF  }
0xe5: {  	p0 =	sne.s32 s2, $0x0;
	_ =	strace $0x90000047  }
0xe6: {  	s0 =	sadd.s32 @!p0 $0x100000, s0;
	[bflag:$0x2] =	sbarrier.arrive $0xFFFF  }
0xe7: {  	[sflag:s0] =	ssyncadd.tile.s32 @!p0 $0x1;
	_ =	shalt  }
.Lfunc_end2:
_tile_overlayer_lowered:
.L_overlay_start_2:
0xe8: {  	(tag) =	ssettag $0x2  }
0xe9: {  	s0 =	rddreg [dreg:$0x0];
	s2 =	stileid.u32  }
0xea: {  	s1 =	rddreg [dreg:$0x1];
	p0 =	sne.s32 s2, $0x0  }
0xeb: {  	s3 =	rddreg [dreg:$0x2];
	[bflag:$0x3] =	sbarrier.arrive $0xFFFF;
	s2 =	simm.s32 @!p0 $0x1C02  }
0xec: {  	[timem:s3], [sflag:s2] =	dma.local @!p0 [hbm:s0], s1  }
0xed: {  	s0 =	simm.s32 @!p0 $0x2  }
0xee: {  	_ =	swait.ge @!p0 [sflag:s0], s1  }
0xef: {  	s1 =	ssub.s32 @!p0 $0x0, s1;
	[sflag:s0] =	ssyncset.done @!p0 $0x0  }
0xf0: {  	[sflag:s0] =	ssyncadd.s32 @!p0 s1  }
0xf1: {  	[bflag:$0x3] =	sbarrier.arrive $0xFFFF  }
0xf2: {  	_ =	shalt  }

</sc_bundles>
